<compile_context>
chip_gen: v7x
topology: tpu7x:2x2x1
jax: 0.10.2.dev20260603
libtpu: 0.0.44.dev20260713+nightly
codegen_flags: <defaults>
</compile_context>

<pallas_src>
import functools

import jax
import jax.numpy as jnp
from jax import lax
from jax.experimental import pallas as pl
from jax.experimental.pallas import tpu as pltpu
from jax.experimental.pallas import tpu_sc as plsc

N_NODES = 10000
D = 128
DH = 64
D_OUT = 64
N_EDGES = 320000

NC, NS, L = 2, 16, 16
NW = NC * NS
EB = 128
HNB = 79
ANB = 158
E_PAD = NW * HNB * EB
TRASH = N_NODES
N_TRASH = 128
N_PAD = 10128
STRIPE = N_PAD // NS
HN = 10240
HS = HN // NS

_mesh = plsc.VectorSubcoreMesh(
    core_axis_name="c", subcore_axis_name="s", num_cores=NC, num_subcores=NS
)
_sc_params = pltpu.CompilerParams(
    needs_layout_passes=False, use_tc_tiling_on_sc=False
)

_f32 = jnp.float32


@functools.partial(
    pl.kernel,
    out_type=jax.ShapeDtypeStruct((NC, HN), _f32),
    mesh=_mesh,
    scratch_types=[
        pltpu.VMEM((HNB, EB), jnp.int32),
        pltpu.VMEM((HN,), _f32),
        pltpu.VMEM((HS,), _f32),
        pltpu.VMEM((HS,), _f32),
        pltpu.VMEM_SHARED((NS, HN), _f32),
    ],
    compiler_params=_sc_params,
)
def _degree_kernel(dst_hbm, deg_hbm, dst_v, bins_v, red_v, acc_v, sh):
    c = lax.axis_index("c")
    s = lax.axis_index("s")
    w = c * NS + s
    pltpu.sync_copy(dst_hbm.at[w], dst_v)
    zeros = jnp.zeros((L,), _f32)
    ones = jnp.ones((L,), _f32)

    def _zero(i, carry):
        bins_v[pl.ds(i * L, L)] = zeros
        return carry

    lax.fori_loop(0, HN // L, _zero, 0)

    def _hist(i, carry):
        idx = dst_v[i >> 3, pl.ds((i & 7) * L, L)]
        plsc.addupdate_scatter(bins_v, [idx], ones)
        return carry

    lax.fori_loop(0, HNB * (EB // L), _hist, 0)
    pltpu.sync_copy(bins_v, sh.at[s])
    plsc.subcore_barrier()

    def _zacc(i, carry):
        acc_v[pl.ds(i * L, L)] = zeros
        return carry

    lax.fori_loop(0, HS // L, _zacc, 0)
    for r in range(NS):
        pltpu.sync_copy(sh.at[r, pl.ds(s * HS, HS)], red_v)

        def _add(i, carry):
            sl = pl.ds(i * L, L)
            acc_v[sl] = acc_v[sl] + red_v[sl]
            return carry

        lax.fori_loop(0, HS // L, _add, 0)
    pltpu.sync_copy(acc_v, deg_hbm.at[c, pl.ds(s * HS, HS)])


NBUF = 5


@functools.partial(
    pl.kernel,
    out_type=jax.ShapeDtypeStruct((NC, N_PAD, DH), _f32),
    mesh=_mesh,
    scratch_types=[
        pltpu.VMEM((ANB, EB), jnp.int32),
        pltpu.VMEM((ANB, EB), jnp.int32),
        pltpu.VMEM((NBUF, EB, DH), _f32),
        pltpu.VMEM_SHARED((N_PAD, DH), _f32),
        pltpu.SemaphoreType.DMA,
        pltpu.SemaphoreType.DMA,
    ],
    compiler_params=_sc_params,
)
def _aggregate_kernel(y_hbm, src_hbm, dst_hbm, zeros_hbm, out_hbm,
                      src_v, dst_v, rows_v, acc_sh, gsem, ssem):
    c = lax.axis_index("c")
    s = lax.axis_index("s")
    pltpu.sync_copy(src_hbm.at[s], src_v)
    pltpu.sync_copy(dst_hbm.at[s], dst_v)
    bias = jnp.zeros((L,), jnp.int32) + c * N_NODES

    def _bias(i, carry):
        j = i >> 3
        sl = pl.ds((i & 7) * L, L)
        src_v[j, sl] = src_v[j, sl] + bias
        return carry

    lax.fori_loop(0, ANB * (EB // L), _bias, 0)
    pltpu.sync_copy(zeros_hbm, acc_sh.at[pl.ds(s * STRIPE, STRIPE)])

    for p in range(3):
        pltpu.async_copy(y_hbm.at[src_v.at[p]], rows_v.at[p], gsem)
    plsc.subcore_barrier()

    def _body(j, carry):
        slot = j % NBUF

        @pl.when(j >= 2)
        def _():
            pltpu.make_async_copy(
                rows_v.at[(j - 2) % NBUF], acc_sh.at[dst_v.at[j - 2]], ssem
            ).wait()

        @pl.when(j + 3 < ANB)
        def _():
            pltpu.async_copy(
                y_hbm.at[src_v.at[j + 3]], rows_v.at[(j + 3) % NBUF], gsem)

        pltpu.make_async_copy(y_hbm.at[src_v.at[j]], rows_v.at[slot], gsem).wait()
        pltpu.async_copy(rows_v.at[slot], acc_sh.at[dst_v.at[j]], ssem, add=True)
        return carry

    lax.fori_loop(0, ANB, _body, 0)
    for p in (ANB - 2, ANB - 1):
        pltpu.make_async_copy(
            rows_v.at[p % NBUF], acc_sh.at[dst_v.at[p]], ssem).wait()
    plsc.subcore_barrier()
    pltpu.sync_copy(acc_sh.at[pl.ds(s * STRIPE, STRIPE)],
                    out_hbm.at[c, pl.ds(s * STRIPE, STRIPE)])


R = 2000
GRID = N_NODES // R


def _mmh0_body(x_ref, w0_ref, b0_ref, h0_ref):
    h0_ref[...] = jnp.maximum(
        jnp.dot(x_ref[...], w0_ref[...], preferred_element_type=_f32) + b0_ref[...],
        0.0)


_mmh0 = pl.pallas_call(
    _mmh0_body,
    grid=(GRID,),
    in_specs=[
        pl.BlockSpec((R, D), lambda i: (i, 0)),
        pl.BlockSpec((D, D), lambda i: (0, 0)),
        pl.BlockSpec((1, D), lambda i: (0, 0)),
    ],
    out_specs=[pl.BlockSpec((R, D), lambda i: (i, 0))],
    out_shape=[jax.ShapeDtypeStruct((N_NODES, D), _f32)],
)


def _mmA_body(h0_ref, wc1_ref, deg_ref, dis_ref, y1_ref):
    h0 = h0_ref[...]
    deg = jnp.sum(deg_ref[...], axis=1, keepdims=True)
    dis = jnp.where(deg > 0.0, lax.rsqrt(deg), 0.0)
    dis_ref[...] = dis
    ya = jnp.dot(h0, wc1_ref[0], preferred_element_type=_f32) * dis
    yb = jnp.dot(h0, wc1_ref[1], preferred_element_type=_f32) * dis
    y1_ref[...] = jnp.stack([ya, yb])


_mmA = pl.pallas_call(
    _mmA_body,
    grid=(GRID,),
    in_specs=[
        pl.BlockSpec((R, D), lambda i: (i, 0)),
        pl.BlockSpec((NC, D, DH), lambda i: (0, 0, 0)),
        pl.BlockSpec((R, NC), lambda i: (i, 0)),
    ],
    out_specs=[
        pl.BlockSpec((R, 1), lambda i: (i, 0)),
        pl.BlockSpec((NC, R, DH), lambda i: (0, i, 0)),
    ],
    out_shape=[
        jax.ShapeDtypeStruct((N_NODES, 1), _f32),
        jax.ShapeDtypeStruct((NC, N_NODES, DH), _f32),
    ],
)


def _mmB_body(pa_ref, pb_ref, dis_ref, b_ref, wc2_ref, h1_ref, y2_ref):
    dis = dis_ref[...]
    acc = jnp.concatenate([pa_ref[0], pb_ref[0]], axis=1)
    h1 = jnp.maximum(acc * dis + b_ref[...], 0.0)
    h1_ref[...] = h1
    ya = jnp.dot(h1, wc2_ref[0], preferred_element_type=_f32) * dis
    yb = jnp.dot(h1, wc2_ref[1], preferred_element_type=_f32) * dis
    y2_ref[...] = jnp.stack([ya, yb])


_mmB = pl.pallas_call(
    _mmB_body,
    grid=(GRID,),
    in_specs=[
        pl.BlockSpec((1, R, DH), lambda i: (0, i, 0)),
        pl.BlockSpec((1, R, DH), lambda i: (1, i, 0)),
        pl.BlockSpec((R, 1), lambda i: (i, 0)),
        pl.BlockSpec((1, D), lambda i: (0, 0)),
        pl.BlockSpec((NC, D, DH), lambda i: (0, 0, 0)),
    ],
    out_specs=[
        pl.BlockSpec((R, D), lambda i: (i, 0)),
        pl.BlockSpec((NC, R, DH), lambda i: (0, i, 0)),
    ],
    out_shape=[
        jax.ShapeDtypeStruct((N_NODES, D), _f32),
        jax.ShapeDtypeStruct((NC, N_NODES, DH), _f32),
    ],
)


def _mmC_body(pa_ref, pb_ref, dis_ref, b_ref, h0_ref, h1_ref,
              wo0_ref, wo1_ref, wo2_ref, bo_ref, out_ref):
    acc = jnp.concatenate([pa_ref[0], pb_ref[0]], axis=1)
    h2 = jnp.maximum(acc * dis_ref[...] + b_ref[...], 0.0)
    out_ref[...] = (
        jnp.dot(h0_ref[...], wo0_ref[...], preferred_element_type=_f32)
        + jnp.dot(h1_ref[...], wo1_ref[...], preferred_element_type=_f32)
        + jnp.dot(h2, wo2_ref[...], preferred_element_type=_f32)
        + bo_ref[...])


_mmC = pl.pallas_call(
    _mmC_body,
    grid=(GRID,),
    in_specs=[
        pl.BlockSpec((1, R, DH), lambda i: (0, i, 0)),
        pl.BlockSpec((1, R, DH), lambda i: (1, i, 0)),
        pl.BlockSpec((R, 1), lambda i: (i, 0)),
        pl.BlockSpec((1, D), lambda i: (0, 0)),
        pl.BlockSpec((R, D), lambda i: (i, 0)),
        pl.BlockSpec((R, D), lambda i: (i, 0)),
        pl.BlockSpec((D, D_OUT), lambda i: (0, 0)),
        pl.BlockSpec((D, D_OUT), lambda i: (0, 0)),
        pl.BlockSpec((D, D_OUT), lambda i: (0, 0)),
        pl.BlockSpec((1, D_OUT), lambda i: (0, 0)),
    ],
    out_specs=[pl.BlockSpec((R, D_OUT), lambda i: (i, 0))],
    out_shape=[jax.ShapeDtypeStruct((N_NODES, D_OUT), _f32)],
)


def kernel(x, edge_index, W0, b0, Wc1, bc1, Wc2, bc2, Wout, bout):
    src = edge_index[0].astype(jnp.int32)
    dst = edge_index[1].astype(jnp.int32)
    pad = E_PAD - N_EDGES
    padi = jnp.arange(pad, dtype=jnp.int32)
    srcp = jnp.concatenate([src, padi & 1023])
    dstp = jnp.concatenate([dst, TRASH + (padi & (N_TRASH - 1))])
    dst_h = dstp.reshape(NW, HNB, EB)
    src_a = srcp.reshape(NS, ANB, EB)
    dst_a = dstp.reshape(NS, ANB, EB)

    Wc1s = jnp.stack([Wc1[:, :DH], Wc1[:, DH:]])
    Wc2s = jnp.stack([Wc2[:, :DH], Wc2[:, DH:]])
    zrs = jnp.zeros((STRIPE, DH), _f32)

    degp = _degree_kernel(dst_h)
    (h0,) = _mmh0(x, W0, b0.reshape(1, D))
    degT = degp[:, :N_NODES].T
    dis, y1 = _mmA(h0, Wc1s, degT)
    agg1 = _aggregate_kernel(y1.reshape(2 * N_NODES, DH), src_a, dst_a, zrs)
    h1, y2 = _mmB(agg1, agg1, dis, bc1.reshape(1, D), Wc2s)
    agg2 = _aggregate_kernel(y2.reshape(2 * N_NODES, DH), src_a, dst_a, zrs)
    (out,) = _mmC(agg2, agg2, dis, bc2.reshape(1, D), h0, h1,
                  Wout[:D], Wout[D:2 * D], Wout[2 * D:],
                  bout.reshape(1, D_OUT))
    return out

# --- scband reference (transcript-rebuilt; emitter-appended) ---
"""Pipeline reference for scband-h2-gcn-5342939316790 (READ-ONLY COPY).

The authoritative reference and input builder live on the scoring server;
editing this copy changes nothing except your own understanding.
"""

import jax, jax.numpy as jnp
import numpy as np

N_NODES = 10000
N_EDGES = 320000
D_IN = 128
D_HID = 128
D_OUT = 64


def gcn_conv(x, edge_index, W, b):
    # PyG GCNConv with add_self_loops=False: D^{-1/2} A D^{-1/2} X W + b
    src = edge_index[0]
    dst = edge_index[1]
    n = x.shape[0]
    xw = x @ W
    deg = jnp.zeros((n,), dtype=x.dtype).at[dst].add(1.0)
    deg_inv_sqrt = jnp.where(deg > 0, deg ** -0.5, 0.0)
    norm = deg_inv_sqrt[src] * deg_inv_sqrt[dst]
    msgs = xw[src] * norm[:, None]
    out = jnp.zeros_like(xw).at[dst].add(msgs)
    return out + b


def setup_inputs(seed: int = 0) -> dict:
    key = jax.random.key(seed)
    ks = jax.random.split(key, 12)
    x = jax.random.normal(ks[0], (N_NODES, D_IN), dtype=jnp.float32)
    edge_index = jax.random.randint(ks[1], (2, N_EDGES), 0, N_NODES, dtype=jnp.int64)
    s0 = 1.0 / np.sqrt(D_IN)
    W0 = jax.random.uniform(ks[2], (D_IN, D_HID), minval=-s0, maxval=s0, dtype=jnp.float32)
    b0 = jax.random.uniform(ks[3], (D_HID,), minval=-s0, maxval=s0, dtype=jnp.float32)
    s1 = 1.0 / np.sqrt(D_HID)
    Wc1 = jax.random.uniform(ks[4], (D_HID, D_HID), minval=-s1, maxval=s1, dtype=jnp.float32)
    bc1 = jnp.zeros((D_HID,), dtype=jnp.float32)
    Wc2 = jax.random.uniform(ks[5], (D_HID, D_HID), minval=-s1, maxval=s1, dtype=jnp.float32)
    bc2 = jnp.zeros((D_HID,), dtype=jnp.float32)
    s2 = 1.0 / np.sqrt(3 * D_HID)
    Wout = jax.random.uniform(ks[6], (3 * D_HID, D_OUT), minval=-s2, maxval=s2, dtype=jnp.float32)
    bout = jax.random.uniform(ks[7], (D_OUT,), minval=-s2, maxval=s2, dtype=jnp.float32)
    return {"x": x, "edge_index": edge_index, "W0": W0, "b0": b0, "Wc1": Wc1, "bc1": bc1, "Wc2": Wc2, "bc2": bc2, "Wout": Wout, "bout": bout}


def reference(x, edge_index, W0, b0, Wc1, bc1, Wc2, bc2, Wout, bout):
    # eval mode: dropout is identity
    h0 = jax.nn.relu(x @ W0 + b0)
    h1 = jax.nn.relu(gcn_conv(h0, edge_index, Wc1, bc1))
    h2 = jax.nn.relu(gcn_conv(h1, edge_index, Wc2, bc2))
    h_concat = jnp.concatenate([h0, h1, h2], axis=1)
    return h_concat @ Wout + bout

if __name__ == "__main__":
    import jax
    _d = setup_inputs()
    print(jax.jit(kernel)(*tuple(_d.values())))

</pallas_src>

<mosaic_0001>
#map = affine_map<(d0, d1) -> (0, 0, 0)>
#map1 = affine_map<(d0, d1) -> (0, 0)>
module attributes {stable_mosaic.version = 14 : i64} {
  func.func @_degree_kernel(%arg0: i32, %arg1: i32, %arg2: memref<32x79x128xi32, #tpu.memory_space<hbm>>, %arg3: memref<2x10240xf32, #tpu.memory_space<hbm>>, %arg4: memref<79x128xi32, #tpu.memory_space<vmem>>, %arg5: memref<10240xf32, #tpu.memory_space<vmem>>, %arg6: memref<640xf32, #tpu.memory_space<vmem>>, %arg7: memref<640xf32, #tpu.memory_space<vmem>>, %arg8: memref<16x10240xf32, #tpu.memory_space<vmem_shared>>) attributes {dimension_semantics = [#tpu.dimension_semantics<core_parallel>, #tpu.dimension_semantics<subcore_parallel>], iteration_bounds = array<i64: 2, 16>, scalar_prefetch = 0 : i64, scratch_operands = 5 : i64, tpu.core_type = #tpu.core_type<sc_vector_subcore>, window_params = [{transform_indices = #map}, {transform_indices = #map1}]} {
    %mul3A = arith.constant 16 : i32
    %mul3A_0 = arith.muli %arg0, %mul3A : i32
    %add3A = arith.addi %mul3A_0, %arg1 : i32
    "tpu.region"() ({
      %run_scoped3A_166 = tpu.sem_alloc : memref<!tpu.dma_semaphore, #tpu.memory_space<semaphore_mem>>
      %dma_start3A = arith.constant 0 : i32
      %dma_start3A_167 = arith.constant 0 : i32
      %dma_start3A_168 = tpu.memref_slice %arg2[%add3A, %dma_start3A, %dma_start3A_167] : memref<32x79x128xi32, #tpu.memory_space<hbm>> -> memref<1x79x128xi32, #tpu.memory_space<hbm>>
      %dma_start3A_169 = tpu.memref_squeeze %dma_start3A_168 : memref<1x79x128xi32, #tpu.memory_space<hbm>> -> memref<79x128xi32, #tpu.memory_space<hbm>>
      %dma_start3A_170 = arith.constant 0 : i32
      %dma_start3A_171 = arith.constant 0 : i32
      %dma_start3A_172 = tpu.memref_slice %arg2[%add3A, %dma_start3A_170, %dma_start3A_171] : memref<32x79x128xi32, #tpu.memory_space<hbm>> -> memref<1x79x128xi32, #tpu.memory_space<hbm>>
      %dma_start3A_173 = tpu.memref_squeeze %dma_start3A_172 : memref<1x79x128xi32, #tpu.memory_space<hbm>> -> memref<79x128xi32, #tpu.memory_space<hbm>>
      tpu.enqueue_dma source(%dma_start3A_173 : memref<79x128xi32, #tpu.memory_space<hbm>>) target(%arg4 : memref<79x128xi32, #tpu.memory_space<vmem>>) target_semaphore(%run_scoped3A_166 : memref<!tpu.dma_semaphore, #tpu.memory_space<semaphore_mem>>)
      %dma_wait3A = arith.constant 0 : i32
      %dma_wait3A_174 = arith.constant 0 : i32
      %dma_wait3A_175 = tpu.memref_slice %arg2[%add3A, %dma_wait3A, %dma_wait3A_174] : memref<32x79x128xi32, #tpu.memory_space<hbm>> -> memref<1x79x128xi32, #tpu.memory_space<hbm>>
      %dma_wait3A_176 = tpu.memref_squeeze %dma_wait3A_175 : memref<1x79x128xi32, #tpu.memory_space<hbm>> -> memref<79x128xi32, #tpu.memory_space<hbm>>
      %dma_wait3A_177 = arith.constant 0 : i32
      %dma_wait3A_178 = arith.constant 0 : i32
      %dma_wait3A_179 = tpu.memref_slice %arg2[%add3A, %dma_wait3A_177, %dma_wait3A_178] : memref<32x79x128xi32, #tpu.memory_space<hbm>> -> memref<1x79x128xi32, #tpu.memory_space<hbm>>
      %dma_wait3A_180 = tpu.memref_squeeze %dma_wait3A_179 : memref<1x79x128xi32, #tpu.memory_space<hbm>> -> memref<79x128xi32, #tpu.memory_space<hbm>>
      tpu.wait_dma2 semaphore(%run_scoped3A_166 : memref<!tpu.dma_semaphore, #tpu.memory_space<semaphore_mem>>) src(%dma_wait3A_180 : memref<79x128xi32, #tpu.memory_space<hbm>>) dst(%arg4 : memref<79x128xi32, #tpu.memory_space<vmem>>)
      tpu.yield
    }) : () -> ()
    %broadcast_in_dim3A = arith.constant 0.000000e+00 : f32
    %broadcast_in_dim3A_1 = vector.broadcast %broadcast_in_dim3A : f32 to vector<16xf32>
    %broadcast_in_dim3A_2 = arith.constant 1.000000e+00 : f32
    %broadcast_in_dim3A_3 = vector.broadcast %broadcast_in_dim3A_2 : f32 to vector<16xf32>
    %scan3A = arith.constant 0 : i32
    %scan3A_4 = arith.constant 0 : i32
    %scan3A_5 = arith.constant 640 : i32
    %scan3A_6 = arith.addi %scan3A_4, %scan3A_5 : i32
    %scan3A_7 = arith.constant 1 : i32
    scf.for %scan3A_166 = %scan3A_4 to %scan3A_6 step %scan3A_7  : i32 {
      %mul3A_167 = arith.constant 16 : i32
      %mul3A_168 = arith.muli %scan3A_166, %mul3A_167 : i32
      %swap3A = arith.index_cast %mul3A_168 : i32 to index
      %swap3A_169 = tpu.vector_load %arg5[%swap3A] {strides = array<i32>} : memref<10240xf32, #tpu.memory_space<vmem>>, vector<16xf32>,
      tpu.vector_store %arg5[%swap3A], %broadcast_in_dim3A_1 {strides = array<i32>} : memref<10240xf32, #tpu.memory_space<vmem>>, vector<16xf32>,
    }
    %scan3A_8 = arith.constant 640 : i32
    %scan3A_9 = arith.constant 0 : i32
    %scan3A_10 = arith.constant 0 : i32
    %scan3A_11 = arith.constant 632 : i32
    %scan3A_12 = arith.addi %scan3A_10, %scan3A_11 : i32
    %scan3A_13 = arith.constant 1 : i32
    scf.for %scan3A_166 = %scan3A_10 to %scan3A_12 step %scan3A_13  : i32 {
      %shift_right_arithmetic3A = arith.constant 3 : i32
      %shift_right_arithmetic3A_167 = arith.shrsi %scan3A_166, %shift_right_arithmetic3A : i32
      %and3A = arith.constant 7 : i32
      %and3A_168 = arith.andi %scan3A_166, %and3A : i32
      %mul3A_169 = arith.constant 16 : i32
      %mul3A_170 = arith.muli %and3A_168, %mul3A_169 : i32
      %get3A = arith.index_cast %shift_right_arithmetic3A_167 : i32 to index
      %get3A_171 = arith.index_cast %mul3A_170 : i32 to index
      %get3A_172 = tpu.vector_load %arg4[%get3A, %get3A_171] {strides = array<i32>} : memref<79x128xi32, #tpu.memory_space<vmem>>, vector<16xi32>,
      tpu.vector_store_idx %arg5[%get3A_172], %broadcast_in_dim3A_3 {add = true} : memref<10240xf32, #tpu.memory_space<vmem>>[vector<16xi32>], vector<16xf32>,
    }
    %scan3A_14 = arith.constant 632 : i32
    "tpu.region"() ({
      %run_scoped3A_166 = tpu.sem_alloc : memref<!tpu.dma_semaphore, #tpu.memory_space<semaphore_mem>>
      %dma_start3A = arith.constant 0 : i32
      %dma_start3A_167 = tpu.memref_slice %arg8[%arg1, %dma_start3A] : memref<16x10240xf32, #tpu.memory_space<vmem_shared>> -> memref<1x10240xf32, #tpu.memory_space<vmem_shared>>
      %dma_start3A_168 = tpu.memref_squeeze %dma_start3A_167 : memref<1x10240xf32, #tpu.memory_space<vmem_shared>> -> memref<10240xf32, #tpu.memory_space<vmem_shared>>
      %dma_start3A_169 = arith.constant 0 : i32
      %dma_start3A_170 = tpu.memref_slice %arg8[%arg1, %dma_start3A_169] : memref<16x10240xf32, #tpu.memory_space<vmem_shared>> -> memref<1x10240xf32, #tpu.memory_space<vmem_shared>>
      %dma_start3A_171 = tpu.memref_squeeze %dma_start3A_170 : memref<1x10240xf32, #tpu.memory_space<vmem_shared>> -> memref<10240xf32, #tpu.memory_space<vmem_shared>>
      tpu.enqueue_dma source(%arg5 : memref<10240xf32, #tpu.memory_space<vmem>>) target(%dma_start3A_171 : memref<10240xf32, #tpu.memory_space<vmem_shared>>) target_semaphore(%run_scoped3A_166 : memref<!tpu.dma_semaphore, #tpu.memory_space<semaphore_mem>>)
      %dma_wait3A = arith.constant 0 : i32
      %dma_wait3A_172 = tpu.memref_slice %arg8[%arg1, %dma_wait3A] : memref<16x10240xf32, #tpu.memory_space<vmem_shared>> -> memref<1x10240xf32, #tpu.memory_space<vmem_shared>>
      %dma_wait3A_173 = tpu.memref_squeeze %dma_wait3A_172 : memref<1x10240xf32, #tpu.memory_space<vmem_shared>> -> memref<10240xf32, #tpu.memory_space<vmem_shared>>
      %dma_wait3A_174 = arith.constant 0 : i32
      %dma_wait3A_175 = tpu.memref_slice %arg8[%arg1, %dma_wait3A_174] : memref<16x10240xf32, #tpu.memory_space<vmem_shared>> -> memref<1x10240xf32, #tpu.memory_space<vmem_shared>>
      %dma_wait3A_176 = tpu.memref_squeeze %dma_wait3A_175 : memref<1x10240xf32, #tpu.memory_space<vmem_shared>> -> memref<10240xf32, #tpu.memory_space<vmem_shared>>
      tpu.wait_dma2 semaphore(%run_scoped3A_166 : memref<!tpu.dma_semaphore, #tpu.memory_space<semaphore_mem>>) src(%arg5 : memref<10240xf32, #tpu.memory_space<vmem>>) dst(%dma_wait3A_176 : memref<10240xf32, #tpu.memory_space<vmem_shared>>)
      tpu.yield
    }) : () -> ()
    %barrier3A = arith.constant 0 : index
    tpu.barrier barrier_id(%barrier3A)
    %scan3A_15 = arith.constant 0 : i32
    %scan3A_16 = arith.constant 0 : i32
    %scan3A_17 = arith.constant 40 : i32
    %scan3A_18 = arith.addi %scan3A_16, %scan3A_17 : i32
    %scan3A_19 = arith.constant 1 : i32
    scf.for %scan3A_166 = %scan3A_16 to %scan3A_18 step %scan3A_19  : i32 {
      %mul3A_167 = arith.constant 16 : i32
      %mul3A_168 = arith.muli %scan3A_166, %mul3A_167 : i32
      %swap3A = arith.index_cast %mul3A_168 : i32 to index
      %swap3A_169 = tpu.vector_load %arg7[%swap3A] {strides = array<i32>} : memref<640xf32, #tpu.memory_space<vmem>>, vector<16xf32>,
      tpu.vector_store %arg7[%swap3A], %broadcast_in_dim3A_1 {strides = array<i32>} : memref<640xf32, #tpu.memory_space<vmem>>, vector<16xf32>,
    }
    %scan3A_20 = arith.constant 40 : i32
    %mul3A_21 = arith.constant 640 : i32
    %mul3A_22 = arith.muli %arg1, %mul3A_21 : i32
    %run_scoped3A = arith.constant 0 : i32
    "tpu.region"() ({
      %run_scoped3A_166 = tpu.sem_alloc : memref<!tpu.dma_semaphore, #tpu.memory_space<semaphore_mem>>
      %dma_start3A = tpu.memref_slice %arg8[%run_scoped3A, %mul3A_22] : memref<16x10240xf32, #tpu.memory_space<vmem_shared>> -> memref<1x640xf32, #tpu.memory_space<vmem_shared>>
      %dma_start3A_167 = tpu.memref_squeeze %dma_start3A : memref<1x640xf32, #tpu.memory_space<vmem_shared>> -> memref<640xf32, #tpu.memory_space<vmem_shared>>
      %dma_start3A_168 = tpu.memref_slice %arg8[%run_scoped3A, %mul3A_22] : memref<16x10240xf32, #tpu.memory_space<vmem_shared>> -> memref<1x640xf32, #tpu.memory_space<vmem_shared>>
      %dma_start3A_169 = tpu.memref_squeeze %dma_start3A_168 : memref<1x640xf32, #tpu.memory_space<vmem_shared>> -> memref<640xf32, #tpu.memory_space<vmem_shared>>
      tpu.enqueue_dma source(%dma_start3A_169 : memref<640xf32, #tpu.memory_space<vmem_shared>>) target(%arg6 : memref<640xf32, #tpu.memory_space<vmem>>) target_semaphore(%run_scoped3A_166 : memref<!tpu.dma_semaphore, #tpu.memory_space<semaphore_mem>>)
      %dma_wait3A = tpu.memref_slice %arg8[%run_scoped3A, %mul3A_22] : memref<16x10240xf32, #tpu.memory_space<vmem_shared>> -> memref<1x640xf32, #tpu.memory_space<vmem_shared>>
      %dma_wait3A_170 = tpu.memref_squeeze %dma_wait3A : memref<1x640xf32, #tpu.memory_space<vmem_shared>> -> memref<640xf32, #tpu.memory_space<vmem_shared>>
      %dma_wait3A_171 = tpu.memref_slice %arg8[%run_scoped3A, %mul3A_22] : memref<16x10240xf32, #tpu.memory_space<vmem_shared>> -> memref<1x640xf32, #tpu.memory_space<vmem_shared>>
      %dma_wait3A_172 = tpu.memref_squeeze %dma_wait3A_171 : memref<1x640xf32, #tpu.memory_space<vmem_shared>> -> memref<640xf32, #tpu.memory_space<vmem_shared>>
      tpu.wait_dma2 semaphore(%run_scoped3A_166 : memref<!tpu.dma_semaphore, #tpu.memory_space<semaphore_mem>>) src(%dma_wait3A_172 : memref<640xf32, #tpu.memory_space<vmem_shared>>) dst(%arg6 : memref<640xf32, #tpu.memory_space<vmem>>)
      tpu.yield
    }) : () -> ()
    %scan3A_23 = arith.constant 0 : i32
    %scan3A_24 = arith.constant 0 : i32
    %scan3A_25 = arith.constant 40 : i32
    %scan3A_26 = arith.addi %scan3A_24, %scan3A_25 : i32
    %scan3A_27 = arith.constant 1 : i32
    scf.for %scan3A_166 = %scan3A_24 to %scan3A_26 step %scan3A_27  : i32 {
      %mul3A_167 = arith.constant 16 : i32
      %mul3A_168 = arith.muli %scan3A_166, %mul3A_167 : i32
      %get3A = arith.index_cast %mul3A_168 : i32 to index
      %get3A_169 = tpu.vector_load %arg7[%get3A] {strides = array<i32>} : memref<640xf32, #tpu.memory_space<vmem>>, vector<16xf32>,
      %get3A_170 = arith.index_cast %mul3A_168 : i32 to index
      %get3A_171 = tpu.vector_load %arg6[%get3A_170] {strides = array<i32>} : memref<640xf32, #tpu.memory_space<vmem>>, vector<16xf32>,
      %add3A_172 = arith.addf %get3A_169, %get3A_171 : vector<16xf32>
      %swap3A = arith.index_cast %mul3A_168 : i32 to index
      %swap3A_173 = tpu.vector_load %arg7[%swap3A] {strides = array<i32>} : memref<640xf32, #tpu.memory_space<vmem>>, vector<16xf32>,
      tpu.vector_store %arg7[%swap3A], %add3A_172 {strides = array<i32>} : memref<640xf32, #tpu.memory_space<vmem>>, vector<16xf32>,
    }
    %scan3A_28 = arith.constant 40 : i32
    %mul3A_29 = arith.constant 640 : i32
    %mul3A_30 = arith.muli %arg1, %mul3A_29 : i32
    %run_scoped3A_31 = arith.constant 1 : i32
    "tpu.region"() ({
      %run_scoped3A_166 = tpu.sem_alloc : memref<!tpu.dma_semaphore, #tpu.memory_space<semaphore_mem>>
      %dma_start3A = tpu.memref_slice %arg8[%run_scoped3A_31, %mul3A_30] : memref<16x10240xf32, #tpu.memory_space<vmem_shared>> -> memref<1x640xf32, #tpu.memory_space<vmem_shared>>
      %dma_start3A_167 = tpu.memref_squeeze %dma_start3A : memref<1x640xf32, #tpu.memory_space<vmem_shared>> -> memref<640xf32, #tpu.memory_space<vmem_shared>>
      %dma_start3A_168 = tpu.memref_slice %arg8[%run_scoped3A_31, %mul3A_30] : memref<16x10240xf32, #tpu.memory_space<vmem_shared>> -> memref<1x640xf32, #tpu.memory_space<vmem_shared>>
      %dma_start3A_169 = tpu.memref_squeeze %dma_start3A_168 : memref<1x640xf32, #tpu.memory_space<vmem_shared>> -> memref<640xf32, #tpu.memory_space<vmem_shared>>
      tpu.enqueue_dma source(%dma_start3A_169 : memref<640xf32, #tpu.memory_space<vmem_shared>>) target(%arg6 : memref<640xf32, #tpu.memory_space<vmem>>) target_semaphore(%run_scoped3A_166 : memref<!tpu.dma_semaphore, #tpu.memory_space<semaphore_mem>>)
      %dma_wait3A = tpu.memref_slice %arg8[%run_scoped3A_31, %mul3A_30] : memref<16x10240xf32, #tpu.memory_space<vmem_shared>> -> memref<1x640xf32, #tpu.memory_space<vmem_shared>>
      %dma_wait3A_170 = tpu.memref_squeeze %dma_wait3A : memref<1x640xf32, #tpu.memory_space<vmem_shared>> -> memref<640xf32, #tpu.memory_space<vmem_shared>>
      %dma_wait3A_171 = tpu.memref_slice %arg8[%run_scoped3A_31, %mul3A_30] : memref<16x10240xf32, #tpu.memory_space<vmem_shared>> -> memref<1x640xf32, #tpu.memory_space<vmem_shared>>
      %dma_wait3A_172 = tpu.memref_squeeze %dma_wait3A_171 : memref<1x640xf32, #tpu.memory_space<vmem_shared>> -> memref<640xf32, #tpu.memory_space<vmem_shared>>
      tpu.wait_dma2 semaphore(%run_scoped3A_166 : memref<!tpu.dma_semaphore, #tpu.memory_space<semaphore_mem>>) src(%dma_wait3A_172 : memref<640xf32, #tpu.memory_space<vmem_shared>>) dst(%arg6 : memref<640xf32, #tpu.memory_space<vmem>>)
      tpu.yield
    }) : () -> ()
    %scan3A_32 = arith.constant 0 : i32
    %scan3A_33 = arith.constant 0 : i32
    %scan3A_34 = arith.constant 40 : i32
    %scan3A_35 = arith.addi %scan3A_33, %scan3A_34 : i32
    %scan3A_36 = arith.constant 1 : i32
    scf.for %scan3A_166 = %scan3A_33 to %scan3A_35 step %scan3A_36  : i32 {
      %mul3A_167 = arith.constant 16 : i32
      %mul3A_168 = arith.muli %scan3A_166, %mul3A_167 : i32
      %get3A = arith.index_cast %mul3A_168 : i32 to index
      %get3A_169 = tpu.vector_load %arg7[%get3A] {strides = array<i32>} : memref<640xf32, #tpu.memory_space<vmem>>, vector<16xf32>,
      %get3A_170 = arith.index_cast %mul3A_168 : i32 to index
      %get3A_171 = tpu.vector_load %arg6[%get3A_170] {strides = array<i32>} : memref<640xf32, #tpu.memory_space<vmem>>, vector<16xf32>,
      %add3A_172 = arith.addf %get3A_169, %get3A_171 : vector<16xf32>
      %swap3A = arith.index_cast %mul3A_168 : i32 to index
      %swap3A_173 = tpu.vector_load %arg7[%swap3A] {strides = array<i32>} : memref<640xf32, #tpu.memory_space<vmem>>, vector<16xf32>,
      tpu.vector_store %arg7[%swap3A], %add3A_172 {strides = array<i32>} : memref<640xf32, #tpu.memory_space<vmem>>, vector<16xf32>,
    }
    %scan3A_37 = arith.constant 40 : i32
    %mul3A_38 = arith.constant 640 : i32
    %mul3A_39 = arith.muli %arg1, %mul3A_38 : i32
    %run_scoped3A_40 = arith.constant 2 : i32
    "tpu.region"() ({
      %run_scoped3A_166 = tpu.sem_alloc : memref<!tpu.dma_semaphore, #tpu.memory_space<semaphore_mem>>
      %dma_start3A = tpu.memref_slice %arg8[%run_scoped3A_40, %mul3A_39] : memref<16x10240xf32, #tpu.memory_space<vmem_shared>> -> memref<1x640xf32, #tpu.memory_space<vmem_shared>>
      %dma_start3A_167 = tpu.memref_squeeze %dma_start3A : memref<1x640xf32, #tpu.memory_space<vmem_shared>> -> memref<640xf32, #tpu.memory_space<vmem_shared>>
      %dma_start3A_168 = tpu.memref_slice %arg8[%run_scoped3A_40, %mul3A_39] : memref<16x10240xf32, #tpu.memory_space<vmem_shared>> -> memref<1x640xf32, #tpu.memory_space<vmem_shared>>
      %dma_start3A_169 = tpu.memref_squeeze %dma_start3A_168 : memref<1x640xf32, #tpu.memory_space<vmem_shared>> -> memref<640xf32, #tpu.memory_space<vmem_shared>>
      tpu.enqueue_dma source(%dma_start3A_169 : memref<640xf32, #tpu.memory_space<vmem_shared>>) target(%arg6 : memref<640xf32, #tpu.memory_space<vmem>>) target_semaphore(%run_scoped3A_166 : memref<!tpu.dma_semaphore, #tpu.memory_space<semaphore_mem>>)
      %dma_wait3A = tpu.memref_slice %arg8[%run_scoped3A_40, %mul3A_39] : memref<16x10240xf32, #tpu.memory_space<vmem_shared>> -> memref<1x640xf32, #tpu.memory_space<vmem_shared>>
      %dma_wait3A_170 = tpu.memref_squeeze %dma_wait3A : memref<1x640xf32, #tpu.memory_space<vmem_shared>> -> memref<640xf32, #tpu.memory_space<vmem_shared>>
      %dma_wait3A_171 = tpu.memref_slice %arg8[%run_scoped3A_40, %mul3A_39] : memref<16x10240xf32, #tpu.memory_space<vmem_shared>> -> memref<1x640xf32, #tpu.memory_space<vmem_shared>>
      %dma_wait3A_172 = tpu.memref_squeeze %dma_wait3A_171 : memref<1x640xf32, #tpu.memory_space<vmem_shared>> -> memref<640xf32, #tpu.memory_space<vmem_shared>>
      tpu.wait_dma2 semaphore(%run_scoped3A_166 : memref<!tpu.dma_semaphore, #tpu.memory_space<semaphore_mem>>) src(%dma_wait3A_172 : memref<640xf32, #tpu.memory_space<vmem_shared>>) dst(%arg6 : memref<640xf32, #tpu.memory_space<vmem>>)
      tpu.yield
    }) : () -> ()
    %scan3A_41 = arith.constant 0 : i32
    %scan3A_42 = arith.constant 0 : i32
    %scan3A_43 = arith.constant 40 : i32
    %scan3A_44 = arith.addi %scan3A_42, %scan3A_43 : i32
    %scan3A_45 = arith.constant 1 : i32
    scf.for %scan3A_166 = %scan3A_42 to %scan3A_44 step %scan3A_45  : i32 {
      %mul3A_167 = arith.constant 16 : i32
      %mul3A_168 = arith.muli %scan3A_166, %mul3A_167 : i32
      %get3A = arith.index_cast %mul3A_168 : i32 to index
      %get3A_169 = tpu.vector_load %arg7[%get3A] {strides = array<i32>} : memref<640xf32, #tpu.memory_space<vmem>>, vector<16xf32>,
      %get3A_170 = arith.index_cast %mul3A_168 : i32 to index
      %get3A_171 = tpu.vector_load %arg6[%get3A_170] {strides = array<i32>} : memref<640xf32, #tpu.memory_space<vmem>>, vector<16xf32>,
      %add3A_172 = arith.addf %get3A_169, %get3A_171 : vector<16xf32>
      %swap3A = arith.index_cast %mul3A_168 : i32 to index
      %swap3A_173 = tpu.vector_load %arg7[%swap3A] {strides = array<i32>} : memref<640xf32, #tpu.memory_space<vmem>>, vector<16xf32>,
      tpu.vector_store %arg7[%swap3A], %add3A_172 {strides = array<i32>} : memref<640xf32, #tpu.memory_space<vmem>>, vector<16xf32>,
    }
    %scan3A_46 = arith.constant 40 : i32
    %mul3A_47 = arith.constant 640 : i32
    %mul3A_48 = arith.muli %arg1, %mul3A_47 : i32
    %run_scoped3A_49 = arith.constant 3 : i32
    "tpu.region"() ({
      %run_scoped3A_166 = tpu.sem_alloc : memref<!tpu.dma_semaphore, #tpu.memory_space<semaphore_mem>>
      %dma_start3A = tpu.memref_slice %arg8[%run_scoped3A_49, %mul3A_48] : memref<16x10240xf32, #tpu.memory_space<vmem_shared>> -> memref<1x640xf32, #tpu.memory_space<vmem_shared>>
      %dma_start3A_167 = tpu.memref_squeeze %dma_start3A : memref<1x640xf32, #tpu.memory_space<vmem_shared>> -> memref<640xf32, #tpu.memory_space<vmem_shared>>
      %dma_start3A_168 = tpu.memref_slice %arg8[%run_scoped3A_49, %mul3A_48] : memref<16x10240xf32, #tpu.memory_space<vmem_shared>> -> memref<1x640xf32, #tpu.memory_space<vmem_shared>>
      %dma_start3A_169 = tpu.memref_squeeze %dma_start3A_168 : memref<1x640xf32, #tpu.memory_space<vmem_shared>> -> memref<640xf32, #tpu.memory_space<vmem_shared>>
      tpu.enqueue_dma source(%dma_start3A_169 : memref<640xf32, #tpu.memory_space<vmem_shared>>) target(%arg6 : memref<640xf32, #tpu.memory_space<vmem>>) target_semaphore(%run_scoped3A_166 : memref<!tpu.dma_semaphore, #tpu.memory_space<semaphore_mem>>)
      %dma_wait3A = tpu.memref_slice %arg8[%run_scoped3A_49, %mul3A_48] : memref<16x10240xf32, #tpu.memory_space<vmem_shared>> -> memref<1x640xf32, #tpu.memory_space<vmem_shared>>
      %dma_wait3A_170 = tpu.memref_squeeze %dma_wait3A : memref<1x640xf32, #tpu.memory_space<vmem_shared>> -> memref<640xf32, #tpu.memory_space<vmem_shared>>
      %dma_wait3A_171 = tpu.memref_slice %arg8[%run_scoped3A_49, %mul3A_48] : memref<16x10240xf32, #tpu.memory_space<vmem_shared>> -> memref<1x640xf32, #tpu.memory_space<vmem_shared>>
      %dma_wait3A_172 = tpu.memref_squeeze %dma_wait3A_171 : memref<1x640xf32, #tpu.memory_space<vmem_shared>> -> memref<640xf32, #tpu.memory_space<vmem_shared>>
      tpu.wait_dma2 semaphore(%run_scoped3A_166 : memref<!tpu.dma_semaphore, #tpu.memory_space<semaphore_mem>>) src(%dma_wait3A_172 : memref<640xf32, #tpu.memory_space<vmem_shared>>) dst(%arg6 : memref<640xf32, #tpu.memory_space<vmem>>)
      tpu.yield
    }) : () -> ()
    %scan3A_50 = arith.constant 0 : i32
    %scan3A_51 = arith.constant 0 : i32
    %scan3A_52 = arith.constant 40 : i32
    %scan3A_53 = arith.addi %scan3A_51, %scan3A_52 : i32
    %scan3A_54 = arith.constant 1 : i32
    scf.for %scan3A_166 = %scan3A_51 to %scan3A_53 step %scan3A_54  : i32 {
      %mul3A_167 = arith.constant 16 : i32
      %mul3A_168 = arith.muli %scan3A_166, %mul3A_167 : i32
      %get3A = arith.index_cast %mul3A_168 : i32 to index
      %get3A_169 = tpu.vector_load %arg7[%get3A] {strides = array<i32>} : memref<640xf32, #tpu.memory_space<vmem>>, vector<16xf32>,
      %get3A_170 = arith.index_cast %mul3A_168 : i32 to index
      %get3A_171 = tpu.vector_load %arg6[%get3A_170] {strides = array<i32>} : memref<640xf32, #tpu.memory_space<vmem>>, vector<16xf32>,
      %add3A_172 = arith.addf %get3A_169, %get3A_171 : vector<16xf32>
      %swap3A = arith.index_cast %mul3A_168 : i32 to index
      %swap3A_173 = tpu.vector_load %arg7[%swap3A] {strides = array<i32>} : memref<640xf32, #tpu.memory_space<vmem>>, vector<16xf32>,
      tpu.vector_store %arg7[%swap3A], %add3A_172 {strides = array<i32>} : memref<640xf32, #tpu.memory_space<vmem>>, vector<16xf32>,
    }
    %scan3A_55 = arith.constant 40 : i32
    %mul3A_56 = arith.constant 640 : i32
    %mul3A_57 = arith.muli %arg1, %mul3A_56 : i32
    %run_scoped3A_58 = arith.constant 4 : i32
    "tpu.region"() ({
      %run_scoped3A_166 = tpu.sem_alloc : memref<!tpu.dma_semaphore, #tpu.memory_space<semaphore_mem>>
      %dma_start3A = tpu.memref_slice %arg8[%run_scoped3A_58, %mul3A_57] : memref<16x10240xf32, #tpu.memory_space<vmem_shared>> -> memref<1x640xf32, #tpu.memory_space<vmem_shared>>
      %dma_start3A_167 = tpu.memref_squeeze %dma_start3A : memref<1x640xf32, #tpu.memory_space<vmem_shared>> -> memref<640xf32, #tpu.memory_space<vmem_shared>>
      %dma_start3A_168 = tpu.memref_slice %arg8[%run_scoped3A_58, %mul3A_57] : memref<16x10240xf32, #tpu.memory_space<vmem_shared>> -> memref<1x640xf32, #tpu.memory_space<vmem_shared>>
      %dma_start3A_169 = tpu.memref_squeeze %dma_start3A_168 : memref<1x640xf32, #tpu.memory_space<vmem_shared>> -> memref<640xf32, #tpu.memory_space<vmem_shared>>
      tpu.enqueue_dma source(%dma_start3A_169 : memref<640xf32, #tpu.memory_space<vmem_shared>>) target(%arg6 : memref<640xf32, #tpu.memory_space<vmem>>) target_semaphore(%run_scoped3A_166 : memref<!tpu.dma_semaphore, #tpu.memory_space<semaphore_mem>>)
      %dma_wait3A = tpu.memref_slice %arg8[%run_scoped3A_58, %mul3A_57] : memref<16x10240xf32, #tpu.memory_space<vmem_shared>> -> memref<1x640xf32, #tpu.memory_space<vmem_shared>>
      %dma_wait3A_170 = tpu.memref_squeeze %dma_wait3A : memref<1x640xf32, #tpu.memory_space<vmem_shared>> -> memref<640xf32, #tpu.memory_space<vmem_shared>>
      %dma_wait3A_171 = tpu.memref_slice %arg8[%run_scoped3A_58, %mul3A_57] : memref<16x10240xf32, #tpu.memory_space<vmem_shared>> -> memref<1x640xf32, #tpu.memory_space<vmem_shared>>
      %dma_wait3A_172 = tpu.memref_squeeze %dma_wait3A_171 : memref<1x640xf32, #tpu.memory_space<vmem_shared>> -> memref<640xf32, #tpu.memory_space<vmem_shared>>
      tpu.wait_dma2 semaphore(%run_scoped3A_166 : memref<!tpu.dma_semaphore, #tpu.memory_space<semaphore_mem>>) src(%dma_wait3A_172 : memref<640xf32, #tpu.memory_space<vmem_shared>>) dst(%arg6 : memref<640xf32, #tpu.memory_space<vmem>>)
      tpu.yield
    }) : () -> ()
    %scan3A_59 = arith.constant 0 : i32
    %scan3A_60 = arith.constant 0 : i32
    %scan3A_61 = arith.constant 40 : i32
    %scan3A_62 = arith.addi %scan3A_60, %scan3A_61 : i32
    %scan3A_63 = arith.constant 1 : i32
    scf.for %scan3A_166 = %scan3A_60 to %scan3A_62 step %scan3A_63  : i32 {
      %mul3A_167 = arith.constant 16 : i32
      %mul3A_168 = arith.muli %scan3A_166, %mul3A_167 : i32
      %get3A = arith.index_cast %mul3A_168 : i32 to index
      %get3A_169 = tpu.vector_load %arg7[%get3A] {strides = array<i32>} : memref<640xf32, #tpu.memory_space<vmem>>, vector<16xf32>,
      %get3A_170 = arith.index_cast %mul3A_168 : i32 to index
      %get3A_171 = tpu.vector_load %arg6[%get3A_170] {strides = array<i32>} : memref<640xf32, #tpu.memory_space<vmem>>, vector<16xf32>,
      %add3A_172 = arith.addf %get3A_169, %get3A_171 : vector<16xf32>
      %swap3A = arith.index_cast %mul3A_168 : i32 to index
      %swap3A_173 = tpu.vector_load %arg7[%swap3A] {strides = array<i32>} : memref<640xf32, #tpu.memory_space<vmem>>, vector<16xf32>,
      tpu.vector_store %arg7[%swap3A], %add3A_172 {strides = array<i32>} : memref<640xf32, #tpu.memory_space<vmem>>, vector<16xf32>,
    }
    %scan3A_64 = arith.constant 40 : i32
    %mul3A_65 = arith.constant 640 : i32
    %mul3A_66 = arith.muli %arg1, %mul3A_65 : i32
    %run_scoped3A_67 = arith.constant 5 : i32
    "tpu.region"() ({
      %run_scoped3A_166 = tpu.sem_alloc : memref<!tpu.dma_semaphore, #tpu.memory_space<semaphore_mem>>
      %dma_start3A = tpu.memref_slice %arg8[%run_scoped3A_67, %mul3A_66] : memref<16x10240xf32, #tpu.memory_space<vmem_shared>> -> memref<1x640xf32, #tpu.memory_space<vmem_shared>>
      %dma_start3A_167 = tpu.memref_squeeze %dma_start3A : memref<1x640xf32, #tpu.memory_space<vmem_shared>> -> memref<640xf32, #tpu.memory_space<vmem_shared>>
      %dma_start3A_168 = tpu.memref_slice %arg8[%run_scoped3A_67, %mul3A_66] : memref<16x10240xf32, #tpu.memory_space<vmem_shared>> -> memref<1x640xf32, #tpu.memory_space<vmem_shared>>
      %dma_start3A_169 = tpu.memref_squeeze %dma_start3A_168 : memref<1x640xf32, #tpu.memory_space<vmem_shared>> -> memref<640xf32, #tpu.memory_space<vmem_shared>>
      tpu.enqueue_dma source(%dma_start3A_169 : memref<640xf32, #tpu.memory_space<vmem_shared>>) target(%arg6 : memref<640xf32, #tpu.memory_space<vmem>>) target_semaphore(%run_scoped3A_166 : memref<!tpu.dma_semaphore, #tpu.memory_space<semaphore_mem>>)
      %dma_wait3A = tpu.memref_slice %arg8[%run_scoped3A_67, %mul3A_66] : memref<16x10240xf32, #tpu.memory_space<vmem_shared>> -> memref<1x640xf32, #tpu.memory_space<vmem_shared>>
      %dma_wait3A_170 = tpu.memref_squeeze %dma_wait3A : memref<1x640xf32, #tpu.memory_space<vmem_shared>> -> memref<640xf32, #tpu.memory_space<vmem_shared>>
      %dma_wait3A_171 = tpu.memref_slice %arg8[%run_scoped3A_67, %mul3A_66] : memref<16x10240xf32, #tpu.memory_space<vmem_shared>> -> memref<1x640xf32, #tpu.memory_space<vmem_shared>>
      %dma_wait3A_172 = tpu.memref_squeeze %dma_wait3A_171 : memref<1x640xf32, #tpu.memory_space<vmem_shared>> -> memref<640xf32, #tpu.memory_space<vmem_shared>>
      tpu.wait_dma2 semaphore(%run_scoped3A_166 : memref<!tpu.dma_semaphore, #tpu.memory_space<semaphore_mem>>) src(%dma_wait3A_172 : memref<640xf32, #tpu.memory_space<vmem_shared>>) dst(%arg6 : memref<640xf32, #tpu.memory_space<vmem>>)
      tpu.yield
    }) : () -> ()
    %scan3A_68 = arith.constant 0 : i32
    %scan3A_69 = arith.constant 0 : i32
    %scan3A_70 = arith.constant 40 : i32
    %scan3A_71 = arith.addi %scan3A_69, %scan3A_70 : i32
    %scan3A_72 = arith.constant 1 : i32
    scf.for %scan3A_166 = %scan3A_69 to %scan3A_71 step %scan3A_72  : i32 {
      %mul3A_167 = arith.constant 16 : i32
      %mul3A_168 = arith.muli %scan3A_166, %mul3A_167 : i32
      %get3A = arith.index_cast %mul3A_168 : i32 to index
      %get3A_169 = tpu.vector_load %arg7[%get3A] {strides = array<i32>} : memref<640xf32, #tpu.memory_space<vmem>>, vector<16xf32>,
      %get3A_170 = arith.index_cast %mul3A_168 : i32 to index
      %get3A_171 = tpu.vector_load %arg6[%get3A_170] {strides = array<i32>} : memref<640xf32, #tpu.memory_space<vmem>>, vector<16xf32>,
      %add3A_172 = arith.addf %get3A_169, %get3A_171 : vector<16xf32>
      %swap3A = arith.index_cast %mul3A_168 : i32 to index
      %swap3A_173 = tpu.vector_load %arg7[%swap3A] {strides = array<i32>} : memref<640xf32, #tpu.memory_space<vmem>>, vector<16xf32>,
      tpu.vector_store %arg7[%swap3A], %add3A_172 {strides = array<i32>} : memref<640xf32, #tpu.memory_space<vmem>>, vector<16xf32>,
    }
    %scan3A_73 = arith.constant 40 : i32
    %mul3A_74 = arith.constant 640 : i32
    %mul3A_75 = arith.muli %arg1, %mul3A_74 : i32
    %run_scoped3A_76 = arith.constant 6 : i32
    "tpu.region"() ({
      %run_scoped3A_166 = tpu.sem_alloc : memref<!tpu.dma_semaphore, #tpu.memory_space<semaphore_mem>>
      %dma_start3A = tpu.memref_slice %arg8[%run_scoped3A_76, %mul3A_75] : memref<16x10240xf32, #tpu.memory_space<vmem_shared>> -> memref<1x640xf32, #tpu.memory_space<vmem_shared>>
      %dma_start3A_167 = tpu.memref_squeeze %dma_start3A : memref<1x640xf32, #tpu.memory_space<vmem_shared>> -> memref<640xf32, #tpu.memory_space<vmem_shared>>
      %dma_start3A_168 = tpu.memref_slice %arg8[%run_scoped3A_76, %mul3A_75] : memref<16x10240xf32, #tpu.memory_space<vmem_shared>> -> memref<1x640xf32, #tpu.memory_space<vmem_shared>>
      %dma_start3A_169 = tpu.memref_squeeze %dma_start3A_168 : memref<1x640xf32, #tpu.memory_space<vmem_shared>> -> memref<640xf32, #tpu.memory_space<vmem_shared>>
      tpu.enqueue_dma source(%dma_start3A_169 : memref<640xf32, #tpu.memory_space<vmem_shared>>) target(%arg6 : memref<640xf32, #tpu.memory_space<vmem>>) target_semaphore(%run_scoped3A_166 : memref<!tpu.dma_semaphore, #tpu.memory_space<semaphore_mem>>)
      %dma_wait3A = tpu.memref_slice %arg8[%run_scoped3A_76, %mul3A_75] : memref<16x10240xf32, #tpu.memory_space<vmem_shared>> -> memref<1x640xf32, #tpu.memory_space<vmem_shared>>
      %dma_wait3A_170 = tpu.memref_squeeze %dma_wait3A : memref<1x640xf32, #tpu.memory_space<vmem_shared>> -> memref<640xf32, #tpu.memory_space<vmem_shared>>
      %dma_wait3A_171 = tpu.memref_slice %arg8[%run_scoped3A_76, %mul3A_75] : memref<16x10240xf32, #tpu.memory_space<vmem_shared>> -> memref<1x640xf32, #tpu.memory_space<vmem_shared>>
      %dma_wait3A_172 = tpu.memref_squeeze %dma_wait3A_171 : memref<1x640xf32, #tpu.memory_space<vmem_shared>> -> memref<640xf32, #tpu.memory_space<vmem_shared>>
      tpu.wait_dma2 semaphore(%run_scoped3A_166 : memref<!tpu.dma_semaphore, #tpu.memory_space<semaphore_mem>>) src(%dma_wait3A_172 : memref<640xf32, #tpu.memory_space<vmem_shared>>) dst(%arg6 : memref<640xf32, #tpu.memory_space<vmem>>)
      tpu.yield
    }) : () -> ()
    %scan3A_77 = arith.constant 0 : i32
    %scan3A_78 = arith.constant 0 : i32
    %scan3A_79 = arith.constant 40 : i32
    %scan3A_80 = arith.addi %scan3A_78, %scan3A_79 : i32
    %scan3A_81 = arith.constant 1 : i32
    scf.for %scan3A_166 = %scan3A_78 to %scan3A_80 step %scan3A_81  : i32 {
      %mul3A_167 = arith.constant 16 : i32
      %mul3A_168 = arith.muli %scan3A_166, %mul3A_167 : i32
      %get3A = arith.index_cast %mul3A_168 : i32 to index
      %get3A_169 = tpu.vector_load %arg7[%get3A] {strides = array<i32>} : memref<640xf32, #tpu.memory_space<vmem>>, vector<16xf32>,
      %get3A_170 = arith.index_cast %mul3A_168 : i32 to index
      %get3A_171 = tpu.vector_load %arg6[%get3A_170] {strides = array<i32>} : memref<640xf32, #tpu.memory_space<vmem>>, vector<16xf32>,
      %add3A_172 = arith.addf %get3A_169, %get3A_171 : vector<16xf32>
      %swap3A = arith.index_cast %mul3A_168 : i32 to index
      %swap3A_173 = tpu.vector_load %arg7[%swap3A] {strides = array<i32>} : memref<640xf32, #tpu.memory_space<vmem>>, vector<16xf32>,
      tpu.vector_store %arg7[%swap3A], %add3A_172 {strides = array<i32>} : memref<640xf32, #tpu.memory_space<vmem>>, vector<16xf32>,
    }
    %scan3A_82 = arith.constant 40 : i32
    %mul3A_83 = arith.constant 640 : i32
    %mul3A_84 = arith.muli %arg1, %mul3A_83 : i32
    %run_scoped3A_85 = arith.constant 7 : i32
    "tpu.region"() ({
      %run_scoped3A_166 = tpu.sem_alloc : memref<!tpu.dma_semaphore, #tpu.memory_space<semaphore_mem>>
      %dma_start3A = tpu.memref_slice %arg8[%run_scoped3A_85, %mul3A_84] : memref<16x10240xf32, #tpu.memory_space<vmem_shared>> -> memref<1x640xf32, #tpu.memory_space<vmem_shared>>
      %dma_start3A_167 = tpu.memref_squeeze %dma_start3A : memref<1x640xf32, #tpu.memory_space<vmem_shared>> -> memref<640xf32, #tpu.memory_space<vmem_shared>>
      %dma_start3A_168 = tpu.memref_slice %arg8[%run_scoped3A_85, %mul3A_84] : memref<16x10240xf32, #tpu.memory_space<vmem_shared>> -> memref<1x640xf32, #tpu.memory_space<vmem_shared>>
      %dma_start3A_169 = tpu.memref_squeeze %dma_start3A_168 : memref<1x640xf32, #tpu.memory_space<vmem_shared>> -> memref<640xf32, #tpu.memory_space<vmem_shared>>
      tpu.enqueue_dma source(%dma_start3A_169 : memref<640xf32, #tpu.memory_space<vmem_shared>>) target(%arg6 : memref<640xf32, #tpu.memory_space<vmem>>) target_semaphore(%run_scoped3A_166 : memref<!tpu.dma_semaphore, #tpu.memory_space<semaphore_mem>>)
      %dma_wait3A = tpu.memref_slice %arg8[%run_scoped3A_85, %mul3A_84] : memref<16x10240xf32, #tpu.memory_space<vmem_shared>> -> memref<1x640xf32, #tpu.memory_space<vmem_shared>>
      %dma_wait3A_170 = tpu.memref_squeeze %dma_wait3A : memref<1x640xf32, #tpu.memory_space<vmem_shared>> -> memref<640xf32, #tpu.memory_space<vmem_shared>>
      %dma_wait3A_171 = tpu.memref_slice %arg8[%run_scoped3A_85, %mul3A_84] : memref<16x10240xf32, #tpu.memory_space<vmem_shared>> -> memref<1x640xf32, #tpu.memory_space<vmem_shared>>
      %dma_wait3A_172 = tpu.memref_squeeze %dma_wait3A_171 : memref<1x640xf32, #tpu.memory_space<vmem_shared>> -> memref<640xf32, #tpu.memory_space<vmem_shared>>
      tpu.wait_dma2 semaphore(%run_scoped3A_166 : memref<!tpu.dma_semaphore, #tpu.memory_space<semaphore_mem>>) src(%dma_wait3A_172 : memref<640xf32, #tpu.memory_space<vmem_shared>>) dst(%arg6 : memref<640xf32, #tpu.memory_space<vmem>>)
      tpu.yield
    }) : () -> ()
    %scan3A_86 = arith.constant 0 : i32
    %scan3A_87 = arith.constant 0 : i32
    %scan3A_88 = arith.constant 40 : i32
    %scan3A_89 = arith.addi %scan3A_87, %scan3A_88 : i32
    %scan3A_90 = arith.constant 1 : i32
    scf.for %scan3A_166 = %scan3A_87 to %scan3A_89 step %scan3A_90  : i32 {
      %mul3A_167 = arith.constant 16 : i32
      %mul3A_168 = arith.muli %scan3A_166, %mul3A_167 : i32
      %get3A = arith.index_cast %mul3A_168 : i32 to index
      %get3A_169 = tpu.vector_load %arg7[%get3A] {strides = array<i32>} : memref<640xf32, #tpu.memory_space<vmem>>, vector<16xf32>,
      %get3A_170 = arith.index_cast %mul3A_168 : i32 to index
      %get3A_171 = tpu.vector_load %arg6[%get3A_170] {strides = array<i32>} : memref<640xf32, #tpu.memory_space<vmem>>, vector<16xf32>,
      %add3A_172 = arith.addf %get3A_169, %get3A_171 : vector<16xf32>
      %swap3A = arith.index_cast %mul3A_168 : i32 to index
      %swap3A_173 = tpu.vector_load %arg7[%swap3A] {strides = array<i32>} : memref<640xf32, #tpu.memory_space<vmem>>, vector<16xf32>,
      tpu.vector_store %arg7[%swap3A], %add3A_172 {strides = array<i32>} : memref<640xf32, #tpu.memory_space<vmem>>, vector<16xf32>,
    }
    %scan3A_91 = arith.constant 40 : i32
    %mul3A_92 = arith.constant 640 : i32
    %mul3A_93 = arith.muli %arg1, %mul3A_92 : i32
    %run_scoped3A_94 = arith.constant 8 : i32
    "tpu.region"() ({
      %run_scoped3A_166 = tpu.sem_alloc : memref<!tpu.dma_semaphore, #tpu.memory_space<semaphore_mem>>
      %dma_start3A = tpu.memref_slice %arg8[%run_scoped3A_94, %mul3A_93] : memref<16x10240xf32, #tpu.memory_space<vmem_shared>> -> memref<1x640xf32, #tpu.memory_space<vmem_shared>>
      %dma_start3A_167 = tpu.memref_squeeze %dma_start3A : memref<1x640xf32, #tpu.memory_space<vmem_shared>> -> memref<640xf32, #tpu.memory_space<vmem_shared>>
      %dma_start3A_168 = tpu.memref_slice %arg8[%run_scoped3A_94, %mul3A_93] : memref<16x10240xf32, #tpu.memory_space<vmem_shared>> -> memref<1x640xf32, #tpu.memory_space<vmem_shared>>
      %dma_start3A_169 = tpu.memref_squeeze %dma_start3A_168 : memref<1x640xf32, #tpu.memory_space<vmem_shared>> -> memref<640xf32, #tpu.memory_space<vmem_shared>>
      tpu.enqueue_dma source(%dma_start3A_169 : memref<640xf32, #tpu.memory_space<vmem_shared>>) target(%arg6 : memref<640xf32, #tpu.memory_space<vmem>>) target_semaphore(%run_scoped3A_166 : memref<!tpu.dma_semaphore, #tpu.memory_space<semaphore_mem>>)
      %dma_wait3A = tpu.memref_slice %arg8[%run_scoped3A_94, %mul3A_93] : memref<16x10240xf32, #tpu.memory_space<vmem_shared>> -> memref<1x640xf32, #tpu.memory_space<vmem_shared>>
      %dma_wait3A_170 = tpu.memref_squeeze %dma_wait3A : memref<1x640xf32, #tpu.memory_space<vmem_shared>> -> memref<640xf32, #tpu.memory_space<vmem_shared>>
      %dma_wait3A_171 = tpu.memref_slice %arg8[%run_scoped3A_94, %mul3A_93] : memref<16x10240xf32, #tpu.memory_space<vmem_shared>> -> memref<1x640xf32, #tpu.memory_space<vmem_shared>>
      %dma_wait3A_172 = tpu.memref_squeeze %dma_wait3A_171 : memref<1x640xf32, #tpu.memory_space<vmem_shared>> -> memref<640xf32, #tpu.memory_space<vmem_shared>>
      tpu.wait_dma2 semaphore(%run_scoped3A_166 : memref<!tpu.dma_semaphore, #tpu.memory_space<semaphore_mem>>) src(%dma_wait3A_172 : memref<640xf32, #tpu.memory_space<vmem_shared>>) dst(%arg6 : memref<640xf32, #tpu.memory_space<vmem>>)
      tpu.yield
    }) : () -> ()
    %scan3A_95 = arith.constant 0 : i32
    %scan3A_96 = arith.constant 0 : i32
    %scan3A_97 = arith.constant 40 : i32
    %scan3A_98 = arith.addi %scan3A_96, %scan3A_97 : i32
    %scan3A_99 = arith.constant 1 : i32
    scf.for %scan3A_166 = %scan3A_96 to %scan3A_98 step %scan3A_99  : i32 {
      %mul3A_167 = arith.constant 16 : i32
      %mul3A_168 = arith.muli %scan3A_166, %mul3A_167 : i32
      %get3A = arith.index_cast %mul3A_168 : i32 to index
      %get3A_169 = tpu.vector_load %arg7[%get3A] {strides = array<i32>} : memref<640xf32, #tpu.memory_space<vmem>>, vector<16xf32>,
      %get3A_170 = arith.index_cast %mul3A_168 : i32 to index
      %get3A_171 = tpu.vector_load %arg6[%get3A_170] {strides = array<i32>} : memref<640xf32, #tpu.memory_space<vmem>>, vector<16xf32>,
      %add3A_172 = arith.addf %get3A_169, %get3A_171 : vector<16xf32>
      %swap3A = arith.index_cast %mul3A_168 : i32 to index
      %swap3A_173 = tpu.vector_load %arg7[%swap3A] {strides = array<i32>} : memref<640xf32, #tpu.memory_space<vmem>>, vector<16xf32>,
      tpu.vector_store %arg7[%swap3A], %add3A_172 {strides = array<i32>} : memref<640xf32, #tpu.memory_space<vmem>>, vector<16xf32>,
    }
    %scan3A_100 = arith.constant 40 : i32
    %mul3A_101 = arith.constant 640 : i32
    %mul3A_102 = arith.muli %arg1, %mul3A_101 : i32
    %run_scoped3A_103 = arith.constant 9 : i32
    "tpu.region"() ({
      %run_scoped3A_166 = tpu.sem_alloc : memref<!tpu.dma_semaphore, #tpu.memory_space<semaphore_mem>>
      %dma_start3A = tpu.memref_slice %arg8[%run_scoped3A_103, %mul3A_102] : memref<16x10240xf32, #tpu.memory_space<vmem_shared>> -> memref<1x640xf32, #tpu.memory_space<vmem_shared>>
      %dma_start3A_167 = tpu.memref_squeeze %dma_start3A : memref<1x640xf32, #tpu.memory_space<vmem_shared>> -> memref<640xf32, #tpu.memory_space<vmem_shared>>
      %dma_start3A_168 = tpu.memref_slice %arg8[%run_scoped3A_103, %mul3A_102] : memref<16x10240xf32, #tpu.memory_space<vmem_shared>> -> memref<1x640xf32, #tpu.memory_space<vmem_shared>>
      %dma_start3A_169 = tpu.memref_squeeze %dma_start3A_168 : memref<1x640xf32, #tpu.memory_space<vmem_shared>> -> memref<640xf32, #tpu.memory_space<vmem_shared>>
      tpu.enqueue_dma source(%dma_start3A_169 : memref<640xf32, #tpu.memory_space<vmem_shared>>) target(%arg6 : memref<640xf32, #tpu.memory_space<vmem>>) target_semaphore(%run_scoped3A_166 : memref<!tpu.dma_semaphore, #tpu.memory_space<semaphore_mem>>)
      %dma_wait3A = tpu.memref_slice %arg8[%run_scoped3A_103, %mul3A_102] : memref<16x10240xf32, #tpu.memory_space<vmem_shared>> -> memref<1x640xf32, #tpu.memory_space<vmem_shared>>
      %dma_wait3A_170 = tpu.memref_squeeze %dma_wait3A : memref<1x640xf32, #tpu.memory_space<vmem_shared>> -> memref<640xf32, #tpu.memory_space<vmem_shared>>
      %dma_wait3A_171 = tpu.memref_slice %arg8[%run_scoped3A_103, %mul3A_102] : memref<16x10240xf32, #tpu.memory_space<vmem_shared>> -> memref<1x640xf32, #tpu.memory_space<vmem_shared>>
      %dma_wait3A_172 = tpu.memref_squeeze %dma_wait3A_171 : memref<1x640xf32, #tpu.memory_space<vmem_shared>> -> memref<640xf32, #tpu.memory_space<vmem_shared>>
      tpu.wait_dma2 semaphore(%run_scoped3A_166 : memref<!tpu.dma_semaphore, #tpu.memory_space<semaphore_mem>>) src(%dma_wait3A_172 : memref<640xf32, #tpu.memory_space<vmem_shared>>) dst(%arg6 : memref<640xf32, #tpu.memory_space<vmem>>)
      tpu.yield
    }) : () -> ()
    %scan3A_104 = arith.constant 0 : i32
    %scan3A_105 = arith.constant 0 : i32
    %scan3A_106 = arith.constant 40 : i32
    %scan3A_107 = arith.addi %scan3A_105, %scan3A_106 : i32
    %scan3A_108 = arith.constant 1 : i32
    scf.for %scan3A_166 = %scan3A_105 to %scan3A_107 step %scan3A_108  : i32 {
      %mul3A_167 = arith.constant 16 : i32
      %mul3A_168 = arith.muli %scan3A_166, %mul3A_167 : i32
      %get3A = arith.index_cast %mul3A_168 : i32 to index
      %get3A_169 = tpu.vector_load %arg7[%get3A] {strides = array<i32>} : memref<640xf32, #tpu.memory_space<vmem>>, vector<16xf32>,
      %get3A_170 = arith.index_cast %mul3A_168 : i32 to index
      %get3A_171 = tpu.vector_load %arg6[%get3A_170] {strides = array<i32>} : memref<640xf32, #tpu.memory_space<vmem>>, vector<16xf32>,
      %add3A_172 = arith.addf %get3A_169, %get3A_171 : vector<16xf32>
      %swap3A = arith.index_cast %mul3A_168 : i32 to index
      %swap3A_173 = tpu.vector_load %arg7[%swap3A] {strides = array<i32>} : memref<640xf32, #tpu.memory_space<vmem>>, vector<16xf32>,
      tpu.vector_store %arg7[%swap3A], %add3A_172 {strides = array<i32>} : memref<640xf32, #tpu.memory_space<vmem>>, vector<16xf32>,
    }
    %scan3A_109 = arith.constant 40 : i32
    %mul3A_110 = arith.constant 640 : i32
    %mul3A_111 = arith.muli %arg1, %mul3A_110 : i32
    %run_scoped3A_112 = arith.constant 10 : i32
    "tpu.region"() ({
      %run_scoped3A_166 = tpu.sem_alloc : memref<!tpu.dma_semaphore, #tpu.memory_space<semaphore_mem>>
      %dma_start3A = tpu.memref_slice %arg8[%run_scoped3A_112, %mul3A_111] : memref<16x10240xf32, #tpu.memory_space<vmem_shared>> -> memref<1x640xf32, #tpu.memory_space<vmem_shared>>
      %dma_start3A_167 = tpu.memref_squeeze %dma_start3A : memref<1x640xf32, #tpu.memory_space<vmem_shared>> -> memref<640xf32, #tpu.memory_space<vmem_shared>>
      %dma_start3A_168 = tpu.memref_slice %arg8[%run_scoped3A_112, %mul3A_111] : memref<16x10240xf32, #tpu.memory_space<vmem_shared>> -> memref<1x640xf32, #tpu.memory_space<vmem_shared>>
      %dma_start3A_169 = tpu.memref_squeeze %dma_start3A_168 : memref<1x640xf32, #tpu.memory_space<vmem_shared>> -> memref<640xf32, #tpu.memory_space<vmem_shared>>
      tpu.enqueue_dma source(%dma_start3A_169 : memref<640xf32, #tpu.memory_space<vmem_shared>>) target(%arg6 : memref<640xf32, #tpu.memory_space<vmem>>) target_semaphore(%run_scoped3A_166 : memref<!tpu.dma_semaphore, #tpu.memory_space<semaphore_mem>>)
      %dma_wait3A = tpu.memref_slice %arg8[%run_scoped3A_112, %mul3A_111] : memref<16x10240xf32, #tpu.memory_space<vmem_shared>> -> memref<1x640xf32, #tpu.memory_space<vmem_shared>>
      %dma_wait3A_170 = tpu.memref_squeeze %dma_wait3A : memref<1x640xf32, #tpu.memory_space<vmem_shared>> -> memref<640xf32, #tpu.memory_space<vmem_shared>>
      %dma_wait3A_171 = tpu.memref_slice %arg8[%run_scoped3A_112, %mul3A_111] : memref<16x10240xf32, #tpu.memory_space<vmem_shared>> -> memref<1x640xf32, #tpu.memory_space<vmem_shared>>
      %dma_wait3A_172 = tpu.memref_squeeze %dma_wait3A_171 : memref<1x640xf32, #tpu.memory_space<vmem_shared>> -> memref<640xf32, #tpu.memory_space<vmem_shared>>
      tpu.wait_dma2 semaphore(%run_scoped3A_166 : memref<!tpu.dma_semaphore, #tpu.memory_space<semaphore_mem>>) src(%dma_wait3A_172 : memref<640xf32, #tpu.memory_space<vmem_shared>>) dst(%arg6 : memref<640xf32, #tpu.memory_space<vmem>>)
      tpu.yield
    }) : () -> ()
    %scan3A_113 = arith.constant 0 : i32
    %scan3A_114 = arith.constant 0 : i32
    %scan3A_115 = arith.constant 40 : i32
    %scan3A_116 = arith.addi %scan3A_114, %scan3A_115 : i32
    %scan3A_117 = arith.constant 1 : i32
    scf.for %scan3A_166 = %scan3A_114 to %scan3A_116 step %scan3A_117  : i32 {
      %mul3A_167 = arith.constant 16 : i32
      %mul3A_168 = arith.muli %scan3A_166, %mul3A_167 : i32
      %get3A = arith.index_cast %mul3A_168 : i32 to index
      %get3A_169 = tpu.vector_load %arg7[%get3A] {strides = array<i32>} : memref<640xf32, #tpu.memory_space<vmem>>, vector<16xf32>,
      %get3A_170 = arith.index_cast %mul3A_168 : i32 to index
      %get3A_171 = tpu.vector_load %arg6[%get3A_170] {strides = array<i32>} : memref<640xf32, #tpu.memory_space<vmem>>, vector<16xf32>,
      %add3A_172 = arith.addf %get3A_169, %get3A_171 : vector<16xf32>
      %swap3A = arith.index_cast %mul3A_168 : i32 to index
      %swap3A_173 = tpu.vector_load %arg7[%swap3A] {strides = array<i32>} : memref<640xf32, #tpu.memory_space<vmem>>, vector<16xf32>,
      tpu.vector_store %arg7[%swap3A], %add3A_172 {strides = array<i32>} : memref<640xf32, #tpu.memory_space<vmem>>, vector<16xf32>,
    }
    %scan3A_118 = arith.constant 40 : i32
    %mul3A_119 = arith.constant 640 : i32
    %mul3A_120 = arith.muli %arg1, %mul3A_119 : i32
    %run_scoped3A_121 = arith.constant 11 : i32
    "tpu.region"() ({
      %run_scoped3A_166 = tpu.sem_alloc : memref<!tpu.dma_semaphore, #tpu.memory_space<semaphore_mem>>
      %dma_start3A = tpu.memref_slice %arg8[%run_scoped3A_121, %mul3A_120] : memref<16x10240xf32, #tpu.memory_space<vmem_shared>> -> memref<1x640xf32, #tpu.memory_space<vmem_shared>>
      %dma_start3A_167 = tpu.memref_squeeze %dma_start3A : memref<1x640xf32, #tpu.memory_space<vmem_shared>> -> memref<640xf32, #tpu.memory_space<vmem_shared>>
      %dma_start3A_168 = tpu.memref_slice %arg8[%run_scoped3A_121, %mul3A_120] : memref<16x10240xf32, #tpu.memory_space<vmem_shared>> -> memref<1x640xf32, #tpu.memory_space<vmem_shared>>
      %dma_start3A_169 = tpu.memref_squeeze %dma_start3A_168 : memref<1x640xf32, #tpu.memory_space<vmem_shared>> -> memref<640xf32, #tpu.memory_space<vmem_shared>>
      tpu.enqueue_dma source(%dma_start3A_169 : memref<640xf32, #tpu.memory_space<vmem_shared>>) target(%arg6 : memref<640xf32, #tpu.memory_space<vmem>>) target_semaphore(%run_scoped3A_166 : memref<!tpu.dma_semaphore, #tpu.memory_space<semaphore_mem>>)
      %dma_wait3A = tpu.memref_slice %arg8[%run_scoped3A_121, %mul3A_120] : memref<16x10240xf32, #tpu.memory_space<vmem_shared>> -> memref<1x640xf32, #tpu.memory_space<vmem_shared>>
      %dma_wait3A_170 = tpu.memref_squeeze %dma_wait3A : memref<1x640xf32, #tpu.memory_space<vmem_shared>> -> memref<640xf32, #tpu.memory_space<vmem_shared>>
      %dma_wait3A_171 = tpu.memref_slice %arg8[%run_scoped3A_121, %mul3A_120] : memref<16x10240xf32, #tpu.memory_space<vmem_shared>> -> memref<1x640xf32, #tpu.memory_space<vmem_shared>>
      %dma_wait3A_172 = tpu.memref_squeeze %dma_wait3A_171 : memref<1x640xf32, #tpu.memory_space<vmem_shared>> -> memref<640xf32, #tpu.memory_space<vmem_shared>>
      tpu.wait_dma2 semaphore(%run_scoped3A_166 : memref<!tpu.dma_semaphore, #tpu.memory_space<semaphore_mem>>) src(%dma_wait3A_172 : memref<640xf32, #tpu.memory_space<vmem_shared>>) dst(%arg6 : memref<640xf32, #tpu.memory_space<vmem>>)
      tpu.yield
    }) : () -> ()
    %scan3A_122 = arith.constant 0 : i32
    %scan3A_123 = arith.constant 0 : i32
    %scan3A_124 = arith.constant 40 : i32
    %scan3A_125 = arith.addi %scan3A_123, %scan3A_124 : i32
    %scan3A_126 = arith.constant 1 : i32
    scf.for %scan3A_166 = %scan3A_123 to %scan3A_125 step %scan3A_126  : i32 {
      %mul3A_167 = arith.constant 16 : i32
      %mul3A_168 = arith.muli %scan3A_166, %mul3A_167 : i32
      %get3A = arith.index_cast %mul3A_168 : i32 to index
      %get3A_169 = tpu.vector_load %arg7[%get3A] {strides = array<i32>} : memref<640xf32, #tpu.memory_space<vmem>>, vector<16xf32>,
      %get3A_170 = arith.index_cast %mul3A_168 : i32 to index
      %get3A_171 = tpu.vector_load %arg6[%get3A_170] {strides = array<i32>} : memref<640xf32, #tpu.memory_space<vmem>>, vector<16xf32>,
      %add3A_172 = arith.addf %get3A_169, %get3A_171 : vector<16xf32>
      %swap3A = arith.index_cast %mul3A_168 : i32 to index
      %swap3A_173 = tpu.vector_load %arg7[%swap3A] {strides = array<i32>} : memref<640xf32, #tpu.memory_space<vmem>>, vector<16xf32>,
      tpu.vector_store %arg7[%swap3A], %add3A_172 {strides = array<i32>} : memref<640xf32, #tpu.memory_space<vmem>>, vector<16xf32>,
    }
    %scan3A_127 = arith.constant 40 : i32
    %mul3A_128 = arith.constant 640 : i32
    %mul3A_129 = arith.muli %arg1, %mul3A_128 : i32
    %run_scoped3A_130 = arith.constant 12 : i32
    "tpu.region"() ({
      %run_scoped3A_166 = tpu.sem_alloc : memref<!tpu.dma_semaphore, #tpu.memory_space<semaphore_mem>>
      %dma_start3A = tpu.memref_slice %arg8[%run_scoped3A_130, %mul3A_129] : memref<16x10240xf32, #tpu.memory_space<vmem_shared>> -> memref<1x640xf32, #tpu.memory_space<vmem_shared>>
      %dma_start3A_167 = tpu.memref_squeeze %dma_start3A : memref<1x640xf32, #tpu.memory_space<vmem_shared>> -> memref<640xf32, #tpu.memory_space<vmem_shared>>
      %dma_start3A_168 = tpu.memref_slice %arg8[%run_scoped3A_130, %mul3A_129] : memref<16x10240xf32, #tpu.memory_space<vmem_shared>> -> memref<1x640xf32, #tpu.memory_space<vmem_shared>>
      %dma_start3A_169 = tpu.memref_squeeze %dma_start3A_168 : memref<1x640xf32, #tpu.memory_space<vmem_shared>> -> memref<640xf32, #tpu.memory_space<vmem_shared>>
      tpu.enqueue_dma source(%dma_start3A_169 : memref<640xf32, #tpu.memory_space<vmem_shared>>) target(%arg6 : memref<640xf32, #tpu.memory_space<vmem>>) target_semaphore(%run_scoped3A_166 : memref<!tpu.dma_semaphore, #tpu.memory_space<semaphore_mem>>)
      %dma_wait3A = tpu.memref_slice %arg8[%run_scoped3A_130, %mul3A_129] : memref<16x10240xf32, #tpu.memory_space<vmem_shared>> -> memref<1x640xf32, #tpu.memory_space<vmem_shared>>
      %dma_wait3A_170 = tpu.memref_squeeze %dma_wait3A : memref<1x640xf32, #tpu.memory_space<vmem_shared>> -> memref<640xf32, #tpu.memory_space<vmem_shared>>
      %dma_wait3A_171 = tpu.memref_slice %arg8[%run_scoped3A_130, %mul3A_129] : memref<16x10240xf32, #tpu.memory_space<vmem_shared>> -> memref<1x640xf32, #tpu.memory_space<vmem_shared>>
      %dma_wait3A_172 = tpu.memref_squeeze %dma_wait3A_171 : memref<1x640xf32, #tpu.memory_space<vmem_shared>> -> memref<640xf32, #tpu.memory_space<vmem_shared>>
      tpu.wait_dma2 semaphore(%run_scoped3A_166 : memref<!tpu.dma_semaphore, #tpu.memory_space<semaphore_mem>>) src(%dma_wait3A_172 : memref<640xf32, #tpu.memory_space<vmem_shared>>) dst(%arg6 : memref<640xf32, #tpu.memory_space<vmem>>)
      tpu.yield
    }) : () -> ()
    %scan3A_131 = arith.constant 0 : i32
    %scan3A_132 = arith.constant 0 : i32
    %scan3A_133 = arith.constant 40 : i32
    %scan3A_134 = arith.addi %scan3A_132, %scan3A_133 : i32
    %scan3A_135 = arith.constant 1 : i32
    scf.for %scan3A_166 = %scan3A_132 to %scan3A_134 step %scan3A_135  : i32 {
      %mul3A_167 = arith.constant 16 : i32
      %mul3A_168 = arith.muli %scan3A_166, %mul3A_167 : i32
      %get3A = arith.index_cast %mul3A_168 : i32 to index
      %get3A_169 = tpu.vector_load %arg7[%get3A] {strides = array<i32>} : memref<640xf32, #tpu.memory_space<vmem>>, vector<16xf32>,
      %get3A_170 = arith.index_cast %mul3A_168 : i32 to index
      %get3A_171 = tpu.vector_load %arg6[%get3A_170] {strides = array<i32>} : memref<640xf32, #tpu.memory_space<vmem>>, vector<16xf32>,
      %add3A_172 = arith.addf %get3A_169, %get3A_171 : vector<16xf32>
      %swap3A = arith.index_cast %mul3A_168 : i32 to index
      %swap3A_173 = tpu.vector_load %arg7[%swap3A] {strides = array<i32>} : memref<640xf32, #tpu.memory_space<vmem>>, vector<16xf32>,
      tpu.vector_store %arg7[%swap3A], %add3A_172 {strides = array<i32>} : memref<640xf32, #tpu.memory_space<vmem>>, vector<16xf32>,
    }
    %scan3A_136 = arith.constant 40 : i32
    %mul3A_137 = arith.constant 640 : i32
    %mul3A_138 = arith.muli %arg1, %mul3A_137 : i32
    %run_scoped3A_139 = arith.constant 13 : i32
    "tpu.region"() ({
      %run_scoped3A_166 = tpu.sem_alloc : memref<!tpu.dma_semaphore, #tpu.memory_space<semaphore_mem>>
      %dma_start3A = tpu.memref_slice %arg8[%run_scoped3A_139, %mul3A_138] : memref<16x10240xf32, #tpu.memory_space<vmem_shared>> -> memref<1x640xf32, #tpu.memory_space<vmem_shared>>
      %dma_start3A_167 = tpu.memref_squeeze %dma_start3A : memref<1x640xf32, #tpu.memory_space<vmem_shared>> -> memref<640xf32, #tpu.memory_space<vmem_shared>>
      %dma_start3A_168 = tpu.memref_slice %arg8[%run_scoped3A_139, %mul3A_138] : memref<16x10240xf32, #tpu.memory_space<vmem_shared>> -> memref<1x640xf32, #tpu.memory_space<vmem_shared>>
      %dma_start3A_169 = tpu.memref_squeeze %dma_start3A_168 : memref<1x640xf32, #tpu.memory_space<vmem_shared>> -> memref<640xf32, #tpu.memory_space<vmem_shared>>
      tpu.enqueue_dma source(%dma_start3A_169 : memref<640xf32, #tpu.memory_space<vmem_shared>>) target(%arg6 : memref<640xf32, #tpu.memory_space<vmem>>) target_semaphore(%run_scoped3A_166 : memref<!tpu.dma_semaphore, #tpu.memory_space<semaphore_mem>>)
      %dma_wait3A = tpu.memref_slice %arg8[%run_scoped3A_139, %mul3A_138] : memref<16x10240xf32, #tpu.memory_space<vmem_shared>> -> memref<1x640xf32, #tpu.memory_space<vmem_shared>>
      %dma_wait3A_170 = tpu.memref_squeeze %dma_wait3A : memref<1x640xf32, #tpu.memory_space<vmem_shared>> -> memref<640xf32, #tpu.memory_space<vmem_shared>>
      %dma_wait3A_171 = tpu.memref_slice %arg8[%run_scoped3A_139, %mul3A_138] : memref<16x10240xf32, #tpu.memory_space<vmem_shared>> -> memref<1x640xf32, #tpu.memory_space<vmem_shared>>
      %dma_wait3A_172 = tpu.memref_squeeze %dma_wait3A_171 : memref<1x640xf32, #tpu.memory_space<vmem_shared>> -> memref<640xf32, #tpu.memory_space<vmem_shared>>
      tpu.wait_dma2 semaphore(%run_scoped3A_166 : memref<!tpu.dma_semaphore, #tpu.memory_space<semaphore_mem>>) src(%dma_wait3A_172 : memref<640xf32, #tpu.memory_space<vmem_shared>>) dst(%arg6 : memref<640xf32, #tpu.memory_space<vmem>>)
      tpu.yield
    }) : () -> ()
    %scan3A_140 = arith.constant 0 : i32
    %scan3A_141 = arith.constant 0 : i32
    %scan3A_142 = arith.constant 40 : i32
    %scan3A_143 = arith.addi %scan3A_141, %scan3A_142 : i32
    %scan3A_144 = arith.constant 1 : i32
    scf.for %scan3A_166 = %scan3A_141 to %scan3A_143 step %scan3A_144  : i32 {
      %mul3A_167 = arith.constant 16 : i32
      %mul3A_168 = arith.muli %scan3A_166, %mul3A_167 : i32
      %get3A = arith.index_cast %mul3A_168 : i32 to index
      %get3A_169 = tpu.vector_load %arg7[%get3A] {strides = array<i32>} : memref<640xf32, #tpu.memory_space<vmem>>, vector<16xf32>,
      %get3A_170 = arith.index_cast %mul3A_168 : i32 to index
      %get3A_171 = tpu.vector_load %arg6[%get3A_170] {strides = array<i32>} : memref<640xf32, #tpu.memory_space<vmem>>, vector<16xf32>,
      %add3A_172 = arith.addf %get3A_169, %get3A_171 : vector<16xf32>
      %swap3A = arith.index_cast %mul3A_168 : i32 to index
      %swap3A_173 = tpu.vector_load %arg7[%swap3A] {strides = array<i32>} : memref<640xf32, #tpu.memory_space<vmem>>, vector<16xf32>,
      tpu.vector_store %arg7[%swap3A], %add3A_172 {strides = array<i32>} : memref<640xf32, #tpu.memory_space<vmem>>, vector<16xf32>,
    }
    %scan3A_145 = arith.constant 40 : i32
    %mul3A_146 = arith.constant 640 : i32
    %mul3A_147 = arith.muli %arg1, %mul3A_146 : i32
    %run_scoped3A_148 = arith.constant 14 : i32
    "tpu.region"() ({
      %run_scoped3A_166 = tpu.sem_alloc : memref<!tpu.dma_semaphore, #tpu.memory_space<semaphore_mem>>
      %dma_start3A = tpu.memref_slice %arg8[%run_scoped3A_148, %mul3A_147] : memref<16x10240xf32, #tpu.memory_space<vmem_shared>> -> memref<1x640xf32, #tpu.memory_space<vmem_shared>>
      %dma_start3A_167 = tpu.memref_squeeze %dma_start3A : memref<1x640xf32, #tpu.memory_space<vmem_shared>> -> memref<640xf32, #tpu.memory_space<vmem_shared>>
      %dma_start3A_168 = tpu.memref_slice %arg8[%run_scoped3A_148, %mul3A_147] : memref<16x10240xf32, #tpu.memory_space<vmem_shared>> -> memref<1x640xf32, #tpu.memory_space<vmem_shared>>
      %dma_start3A_169 = tpu.memref_squeeze %dma_start3A_168 : memref<1x640xf32, #tpu.memory_space<vmem_shared>> -> memref<640xf32, #tpu.memory_space<vmem_shared>>
      tpu.enqueue_dma source(%dma_start3A_169 : memref<640xf32, #tpu.memory_space<vmem_shared>>) target(%arg6 : memref<640xf32, #tpu.memory_space<vmem>>) target_semaphore(%run_scoped3A_166 : memref<!tpu.dma_semaphore, #tpu.memory_space<semaphore_mem>>)
      %dma_wait3A = tpu.memref_slice %arg8[%run_scoped3A_148, %mul3A_147] : memref<16x10240xf32, #tpu.memory_space<vmem_shared>> -> memref<1x640xf32, #tpu.memory_space<vmem_shared>>
      %dma_wait3A_170 = tpu.memref_squeeze %dma_wait3A : memref<1x640xf32, #tpu.memory_space<vmem_shared>> -> memref<640xf32, #tpu.memory_space<vmem_shared>>
      %dma_wait3A_171 = tpu.memref_slice %arg8[%run_scoped3A_148, %mul3A_147] : memref<16x10240xf32, #tpu.memory_space<vmem_shared>> -> memref<1x640xf32, #tpu.memory_space<vmem_shared>>
      %dma_wait3A_172 = tpu.memref_squeeze %dma_wait3A_171 : memref<1x640xf32, #tpu.memory_space<vmem_shared>> -> memref<640xf32, #tpu.memory_space<vmem_shared>>
      tpu.wait_dma2 semaphore(%run_scoped3A_166 : memref<!tpu.dma_semaphore, #tpu.memory_space<semaphore_mem>>) src(%dma_wait3A_172 : memref<640xf32, #tpu.memory_space<vmem_shared>>) dst(%arg6 : memref<640xf32, #tpu.memory_space<vmem>>)
      tpu.yield
    }) : () -> ()
    %scan3A_149 = arith.constant 0 : i32
    %scan3A_150 = arith.constant 0 : i32
    %scan3A_151 = arith.constant 40 : i32
    %scan3A_152 = arith.addi %scan3A_150, %scan3A_151 : i32
    %scan3A_153 = arith.constant 1 : i32
    scf.for %scan3A_166 = %scan3A_150 to %scan3A_152 step %scan3A_153  : i32 {
      %mul3A_167 = arith.constant 16 : i32
      %mul3A_168 = arith.muli %scan3A_166, %mul3A_167 : i32
      %get3A = arith.index_cast %mul3A_168 : i32 to index
      %get3A_169 = tpu.vector_load %arg7[%get3A] {strides = array<i32>} : memref<640xf32, #tpu.memory_space<vmem>>, vector<16xf32>,
      %get3A_170 = arith.index_cast %mul3A_168 : i32 to index
      %get3A_171 = tpu.vector_load %arg6[%get3A_170] {strides = array<i32>} : memref<640xf32, #tpu.memory_space<vmem>>, vector<16xf32>,
      %add3A_172 = arith.addf %get3A_169, %get3A_171 : vector<16xf32>
      %swap3A = arith.index_cast %mul3A_168 : i32 to index
      %swap3A_173 = tpu.vector_load %arg7[%swap3A] {strides = array<i32>} : memref<640xf32, #tpu.memory_space<vmem>>, vector<16xf32>,
      tpu.vector_store %arg7[%swap3A], %add3A_172 {strides = array<i32>} : memref<640xf32, #tpu.memory_space<vmem>>, vector<16xf32>,
    }
    %scan3A_154 = arith.constant 40 : i32
    %mul3A_155 = arith.constant 640 : i32
    %mul3A_156 = arith.muli %arg1, %mul3A_155 : i32
    %run_scoped3A_157 = arith.constant 15 : i32
    "tpu.region"() ({
      %run_scoped3A_166 = tpu.sem_alloc : memref<!tpu.dma_semaphore, #tpu.memory_space<semaphore_mem>>
      %dma_start3A = tpu.memref_slice %arg8[%run_scoped3A_157, %mul3A_156] : memref<16x10240xf32, #tpu.memory_space<vmem_shared>> -> memref<1x640xf32, #tpu.memory_space<vmem_shared>>
      %dma_start3A_167 = tpu.memref_squeeze %dma_start3A : memref<1x640xf32, #tpu.memory_space<vmem_shared>> -> memref<640xf32, #tpu.memory_space<vmem_shared>>
      %dma_start3A_168 = tpu.memref_slice %arg8[%run_scoped3A_157, %mul3A_156] : memref<16x10240xf32, #tpu.memory_space<vmem_shared>> -> memref<1x640xf32, #tpu.memory_space<vmem_shared>>
      %dma_start3A_169 = tpu.memref_squeeze %dma_start3A_168 : memref<1x640xf32, #tpu.memory_space<vmem_shared>> -> memref<640xf32, #tpu.memory_space<vmem_shared>>
      tpu.enqueue_dma source(%dma_start3A_169 : memref<640xf32, #tpu.memory_space<vmem_shared>>) target(%arg6 : memref<640xf32, #tpu.memory_space<vmem>>) target_semaphore(%run_scoped3A_166 : memref<!tpu.dma_semaphore, #tpu.memory_space<semaphore_mem>>)
      %dma_wait3A = tpu.memref_slice %arg8[%run_scoped3A_157, %mul3A_156] : memref<16x10240xf32, #tpu.memory_space<vmem_shared>> -> memref<1x640xf32, #tpu.memory_space<vmem_shared>>
      %dma_wait3A_170 = tpu.memref_squeeze %dma_wait3A : memref<1x640xf32, #tpu.memory_space<vmem_shared>> -> memref<640xf32, #tpu.memory_space<vmem_shared>>
      %dma_wait3A_171 = tpu.memref_slice %arg8[%run_scoped3A_157, %mul3A_156] : memref<16x10240xf32, #tpu.memory_space<vmem_shared>> -> memref<1x640xf32, #tpu.memory_space<vmem_shared>>
      %dma_wait3A_172 = tpu.memref_squeeze %dma_wait3A_171 : memref<1x640xf32, #tpu.memory_space<vmem_shared>> -> memref<640xf32, #tpu.memory_space<vmem_shared>>
      tpu.wait_dma2 semaphore(%run_scoped3A_166 : memref<!tpu.dma_semaphore, #tpu.memory_space<semaphore_mem>>) src(%dma_wait3A_172 : memref<640xf32, #tpu.memory_space<vmem_shared>>) dst(%arg6 : memref<640xf32, #tpu.memory_space<vmem>>)
      tpu.yield
    }) : () -> ()
    %scan3A_158 = arith.constant 0 : i32
    %scan3A_159 = arith.constant 0 : i32
    %scan3A_160 = arith.constant 40 : i32
    %scan3A_161 = arith.addi %scan3A_159, %scan3A_160 : i32
    %scan3A_162 = arith.constant 1 : i32
    scf.for %scan3A_166 = %scan3A_159 to %scan3A_161 step %scan3A_162  : i32 {
      %mul3A_167 = arith.constant 16 : i32
      %mul3A_168 = arith.muli %scan3A_166, %mul3A_167 : i32
      %get3A = arith.index_cast %mul3A_168 : i32 to index
      %get3A_169 = tpu.vector_load %arg7[%get3A] {strides = array<i32>} : memref<640xf32, #tpu.memory_space<vmem>>, vector<16xf32>,
      %get3A_170 = arith.index_cast %mul3A_168 : i32 to index
      %get3A_171 = tpu.vector_load %arg6[%get3A_170] {strides = array<i32>} : memref<640xf32, #tpu.memory_space<vmem>>, vector<16xf32>,
      %add3A_172 = arith.addf %get3A_169, %get3A_171 : vector<16xf32>
      %swap3A = arith.index_cast %mul3A_168 : i32 to index
      %swap3A_173 = tpu.vector_load %arg7[%swap3A] {strides = array<i32>} : memref<640xf32, #tpu.memory_space<vmem>>, vector<16xf32>,
      tpu.vector_store %arg7[%swap3A], %add3A_172 {strides = array<i32>} : memref<640xf32, #tpu.memory_space<vmem>>, vector<16xf32>,
    }
    %scan3A_163 = arith.constant 40 : i32
    %mul3A_164 = arith.constant 640 : i32
    %mul3A_165 = arith.muli %arg1, %mul3A_164 : i32
    "tpu.region"() ({
      %run_scoped3A_166 = tpu.sem_alloc : memref<!tpu.dma_semaphore, #tpu.memory_space<semaphore_mem>>
      %dma_start3A = tpu.memref_slice %arg3[%arg0, %mul3A_165] : memref<2x10240xf32, #tpu.memory_space<hbm>> -> memref<1x640xf32, #tpu.memory_space<hbm>>
      %dma_start3A_167 = tpu.memref_squeeze %dma_start3A : memref<1x640xf32, #tpu.memory_space<hbm>> -> memref<640xf32, #tpu.memory_space<hbm>>
      %dma_start3A_168 = tpu.memref_slice %arg3[%arg0, %mul3A_165] : memref<2x10240xf32, #tpu.memory_space<hbm>> -> memref<1x640xf32, #tpu.memory_space<hbm>>
      %dma_start3A_169 = tpu.memref_squeeze %dma_start3A_168 : memref<1x640xf32, #tpu.memory_space<hbm>> -> memref<640xf32, #tpu.memory_space<hbm>>
      tpu.enqueue_dma source(%arg7 : memref<640xf32, #tpu.memory_space<vmem>>) target(%dma_start3A_169 : memref<640xf32, #tpu.memory_space<hbm>>) target_semaphore(%run_scoped3A_166 : memref<!tpu.dma_semaphore, #tpu.memory_space<semaphore_mem>>)
      %dma_wait3A = tpu.memref_slice %arg3[%arg0, %mul3A_165] : memref<2x10240xf32, #tpu.memory_space<hbm>> -> memref<1x640xf32, #tpu.memory_space<hbm>>
      %dma_wait3A_170 = tpu.memref_squeeze %dma_wait3A : memref<1x640xf32, #tpu.memory_space<hbm>> -> memref<640xf32, #tpu.memory_space<hbm>>
      %dma_wait3A_171 = tpu.memref_slice %arg3[%arg0, %mul3A_165] : memref<2x10240xf32, #tpu.memory_space<hbm>> -> memref<1x640xf32, #tpu.memory_space<hbm>>
      %dma_wait3A_172 = tpu.memref_squeeze %dma_wait3A_171 : memref<1x640xf32, #tpu.memory_space<hbm>> -> memref<640xf32, #tpu.memory_space<hbm>>
      tpu.wait_dma2 semaphore(%run_scoped3A_166 : memref<!tpu.dma_semaphore, #tpu.memory_space<semaphore_mem>>) src(%arg7 : memref<640xf32, #tpu.memory_space<vmem>>) dst(%dma_wait3A_172 : memref<640xf32, #tpu.memory_space<hbm>>)
      tpu.yield
    }) : () -> ()
    return
  }
}

#map = affine_map<(d0, d1) -> (0, 0)>
#map1 = affine_map<(d0, d1) -> (0, 0, 0)>
module attributes {stable_mosaic.version = 14 : i64} {
  func.func @_aggregate_kernel(%arg0: i32, %arg1: i32, %arg2: memref<20000x64xf32, #tpu.memory_space<hbm>>, %arg3: memref<16x158x128xi32, #tpu.memory_space<hbm>>, %arg4: memref<16x158x128xi32, #tpu.memory_space<hbm>>, %arg5: memref<633x64xf32, #tpu.memory_space<hbm>>, %arg6: memref<2x10128x64xf32, #tpu.memory_space<hbm>>, %arg7: memref<158x128xi32, #tpu.memory_space<vmem>>, %arg8: memref<158x128xi32, #tpu.memory_space<vmem>>, %arg9: memref<5x128x64xf32, #tpu.memory_space<vmem>>, %arg10: memref<10128x64xf32, #tpu.memory_space<vmem_shared>>, %arg11: memref<!tpu.dma_semaphore, #tpu.memory_space<semaphore_mem>>, %arg12: memref<!tpu.dma_semaphore, #tpu.memory_space<semaphore_mem>>) attributes {dimension_semantics = [#tpu.dimension_semantics<core_parallel>, #tpu.dimension_semantics<subcore_parallel>], iteration_bounds = array<i64: 2, 16>, scalar_prefetch = 0 : i64, scratch_operands = 6 : i64, tpu.core_type = #tpu.core_type<sc_vector_subcore>, window_params = [{transform_indices = #map}, {transform_indices = #map1}, {transform_indices = #map1}, {transform_indices = #map}, {transform_indices = #map1}]} {
    "tpu.region"() ({
      %run_scoped3A = tpu.sem_alloc : memref<!tpu.dma_semaphore, #tpu.memory_space<semaphore_mem>>
      %dma_start3A_79 = arith.constant 0 : i32
      %dma_start3A_80 = arith.constant 0 : i32
      %dma_start3A_81 = tpu.memref_slice %arg3[%arg1, %dma_start3A_79, %dma_start3A_80] : memref<16x158x128xi32, #tpu.memory_space<hbm>> -> memref<1x158x128xi32, #tpu.memory_space<hbm>>
      %dma_start3A_82 = tpu.memref_squeeze %dma_start3A_81 : memref<1x158x128xi32, #tpu.memory_space<hbm>> -> memref<158x128xi32, #tpu.memory_space<hbm>>
      %dma_start3A_83 = arith.constant 0 : i32
      %dma_start3A_84 = arith.constant 0 : i32
      %dma_start3A_85 = tpu.memref_slice %arg3[%arg1, %dma_start3A_83, %dma_start3A_84] : memref<16x158x128xi32, #tpu.memory_space<hbm>> -> memref<1x158x128xi32, #tpu.memory_space<hbm>>
      %dma_start3A_86 = tpu.memref_squeeze %dma_start3A_85 : memref<1x158x128xi32, #tpu.memory_space<hbm>> -> memref<158x128xi32, #tpu.memory_space<hbm>>
      tpu.enqueue_dma source(%dma_start3A_86 : memref<158x128xi32, #tpu.memory_space<hbm>>) target(%arg7 : memref<158x128xi32, #tpu.memory_space<vmem>>) target_semaphore(%run_scoped3A : memref<!tpu.dma_semaphore, #tpu.memory_space<semaphore_mem>>)
      %dma_wait3A_87 = arith.constant 0 : i32
      %dma_wait3A_88 = arith.constant 0 : i32
      %dma_wait3A_89 = tpu.memref_slice %arg3[%arg1, %dma_wait3A_87, %dma_wait3A_88] : memref<16x158x128xi32, #tpu.memory_space<hbm>> -> memref<1x158x128xi32, #tpu.memory_space<hbm>>
      %dma_wait3A_90 = tpu.memref_squeeze %dma_wait3A_89 : memref<1x158x128xi32, #tpu.memory_space<hbm>> -> memref<158x128xi32, #tpu.memory_space<hbm>>
      %dma_wait3A_91 = arith.constant 0 : i32
      %dma_wait3A_92 = arith.constant 0 : i32
      %dma_wait3A_93 = tpu.memref_slice %arg3[%arg1, %dma_wait3A_91, %dma_wait3A_92] : memref<16x158x128xi32, #tpu.memory_space<hbm>> -> memref<1x158x128xi32, #tpu.memory_space<hbm>>
      %dma_wait3A_94 = tpu.memref_squeeze %dma_wait3A_93 : memref<1x158x128xi32, #tpu.memory_space<hbm>> -> memref<158x128xi32, #tpu.memory_space<hbm>>
      tpu.wait_dma2 semaphore(%run_scoped3A : memref<!tpu.dma_semaphore, #tpu.memory_space<semaphore_mem>>) src(%dma_wait3A_94 : memref<158x128xi32, #tpu.memory_space<hbm>>) dst(%arg7 : memref<158x128xi32, #tpu.memory_space<vmem>>)
      tpu.yield
    }) : () -> ()
    "tpu.region"() ({
      %run_scoped3A = tpu.sem_alloc : memref<!tpu.dma_semaphore, #tpu.memory_space<semaphore_mem>>
      %dma_start3A_79 = arith.constant 0 : i32
      %dma_start3A_80 = arith.constant 0 : i32
      %dma_start3A_81 = tpu.memref_slice %arg4[%arg1, %dma_start3A_79, %dma_start3A_80] : memref<16x158x128xi32, #tpu.memory_space<hbm>> -> memref<1x158x128xi32, #tpu.memory_space<hbm>>
      %dma_start3A_82 = tpu.memref_squeeze %dma_start3A_81 : memref<1x158x128xi32, #tpu.memory_space<hbm>> -> memref<158x128xi32, #tpu.memory_space<hbm>>
      %dma_start3A_83 = arith.constant 0 : i32
      %dma_start3A_84 = arith.constant 0 : i32
      %dma_start3A_85 = tpu.memref_slice %arg4[%arg1, %dma_start3A_83, %dma_start3A_84] : memref<16x158x128xi32, #tpu.memory_space<hbm>> -> memref<1x158x128xi32, #tpu.memory_space<hbm>>
      %dma_start3A_86 = tpu.memref_squeeze %dma_start3A_85 : memref<1x158x128xi32, #tpu.memory_space<hbm>> -> memref<158x128xi32, #tpu.memory_space<hbm>>
      tpu.enqueue_dma source(%dma_start3A_86 : memref<158x128xi32, #tpu.memory_space<hbm>>) target(%arg8 : memref<158x128xi32, #tpu.memory_space<vmem>>) target_semaphore(%run_scoped3A : memref<!tpu.dma_semaphore, #tpu.memory_space<semaphore_mem>>)
      %dma_wait3A_87 = arith.constant 0 : i32
      %dma_wait3A_88 = arith.constant 0 : i32
      %dma_wait3A_89 = tpu.memref_slice %arg4[%arg1, %dma_wait3A_87, %dma_wait3A_88] : memref<16x158x128xi32, #tpu.memory_space<hbm>> -> memref<1x158x128xi32, #tpu.memory_space<hbm>>
      %dma_wait3A_90 = tpu.memref_squeeze %dma_wait3A_89 : memref<1x158x128xi32, #tpu.memory_space<hbm>> -> memref<158x128xi32, #tpu.memory_space<hbm>>
      %dma_wait3A_91 = arith.constant 0 : i32
      %dma_wait3A_92 = arith.constant 0 : i32
      %dma_wait3A_93 = tpu.memref_slice %arg4[%arg1, %dma_wait3A_91, %dma_wait3A_92] : memref<16x158x128xi32, #tpu.memory_space<hbm>> -> memref<1x158x128xi32, #tpu.memory_space<hbm>>
      %dma_wait3A_94 = tpu.memref_squeeze %dma_wait3A_93 : memref<1x158x128xi32, #tpu.memory_space<hbm>> -> memref<158x128xi32, #tpu.memory_space<hbm>>
      tpu.wait_dma2 semaphore(%run_scoped3A : memref<!tpu.dma_semaphore, #tpu.memory_space<semaphore_mem>>) src(%dma_wait3A_94 : memref<158x128xi32, #tpu.memory_space<hbm>>) dst(%arg8 : memref<158x128xi32, #tpu.memory_space<vmem>>)
      tpu.yield
    }) : () -> ()
    %broadcast_in_dim3A = arith.constant 0 : i32
    %broadcast_in_dim3A_0 = vector.broadcast %broadcast_in_dim3A : i32 to vector<16xi32>
    %mul3A = arith.constant 10000 : i32
    %mul3A_1 = arith.muli %arg0, %mul3A : i32
    %add3A = vector.broadcast %mul3A_1 : i32 to vector<16xi32>
    %add3A_2 = arith.addi %broadcast_in_dim3A_0, %add3A : vector<16xi32>
    %scan3A = arith.constant 0 : i32
    %scan3A_3 = arith.constant 0 : i32
    %scan3A_4 = arith.constant 1264 : i32
    %scan3A_5 = arith.addi %scan3A_3, %scan3A_4 : i32
    %scan3A_6 = arith.constant 1 : i32
    scf.for %scan3A_79 = %scan3A_3 to %scan3A_5 step %scan3A_6  : i32 {
      %shift_right_arithmetic3A = arith.constant 3 : i32
      %shift_right_arithmetic3A_80 = arith.shrsi %scan3A_79, %shift_right_arithmetic3A : i32
      %and3A = arith.constant 7 : i32
      %and3A_81 = arith.andi %scan3A_79, %and3A : i32
      %mul3A_82 = arith.constant 16 : i32
      %mul3A_83 = arith.muli %and3A_81, %mul3A_82 : i32
      %get3A = arith.index_cast %shift_right_arithmetic3A_80 : i32 to index
      %get3A_84 = arith.index_cast %mul3A_83 : i32 to index
      %get3A_85 = tpu.vector_load %arg7[%get3A, %get3A_84] {strides = array<i32>} : memref<158x128xi32, #tpu.memory_space<vmem>>, vector<16xi32>,
      %add3A_86 = arith.addi %get3A_85, %add3A_2 : vector<16xi32>
      %swap3A = arith.index_cast %shift_right_arithmetic3A_80 : i32 to index
      %swap3A_87 = arith.index_cast %mul3A_83 : i32 to index
      %swap3A_88 = tpu.vector_load %arg7[%swap3A, %swap3A_87] {strides = array<i32>} : memref<158x128xi32, #tpu.memory_space<vmem>>, vector<16xi32>,
      tpu.vector_store %arg7[%swap3A, %swap3A_87], %add3A_86 {strides = array<i32>} : memref<158x128xi32, #tpu.memory_space<vmem>>, vector<16xi32>,
    }
    %scan3A_7 = arith.constant 1264 : i32
    %mul3A_8 = arith.constant 633 : i32
    %mul3A_9 = arith.muli %arg1, %mul3A_8 : i32
    "tpu.region"() ({
      %run_scoped3A = tpu.sem_alloc : memref<!tpu.dma_semaphore, #tpu.memory_space<semaphore_mem>>
      %dma_start3A_79 = arith.constant 0 : i32
      %dma_start3A_80 = tpu.memref_slice %arg10[%mul3A_9, %dma_start3A_79] : memref<10128x64xf32, #tpu.memory_space<vmem_shared>> -> memref<633x64xf32, #tpu.memory_space<vmem_shared>>
      tpu.enqueue_dma source(%arg5 : memref<633x64xf32, #tpu.memory_space<hbm>>) target(%dma_start3A_80 : memref<633x64xf32, #tpu.memory_space<vmem_shared>>) target_semaphore(%run_scoped3A : memref<!tpu.dma_semaphore, #tpu.memory_space<semaphore_mem>>)
      %dma_wait3A_81 = arith.constant 0 : i32
      %dma_wait3A_82 = tpu.memref_slice %arg10[%mul3A_9, %dma_wait3A_81] : memref<10128x64xf32, #tpu.memory_space<vmem_shared>> -> memref<633x64xf32, #tpu.memory_space<vmem_shared>>
      tpu.wait_dma2 semaphore(%run_scoped3A : memref<!tpu.dma_semaphore, #tpu.memory_space<semaphore_mem>>) src(%arg5 : memref<633x64xf32, #tpu.memory_space<hbm>>) dst(%dma_wait3A_82 : memref<633x64xf32, #tpu.memory_space<vmem_shared>>)
      tpu.yield
    }) : () -> ()
    %dma_start3A = arith.constant 0 : i32
    %dma_start3A_10 = arith.constant 0 : i32
    %dma_start3A_11 = arith.constant 0 : i32
    %dma_start3A_12 = arith.constant 0 : i32
    %dma_start3A_13 = tpu.memref_slice %arg9[%dma_start3A_10, %dma_start3A_11, %dma_start3A_12] : memref<5x128x64xf32, #tpu.memory_space<vmem>> -> memref<1x128x64xf32, #tpu.memory_space<vmem>>
    %dma_start3A_14 = tpu.memref_squeeze %dma_start3A_13 : memref<1x128x64xf32, #tpu.memory_space<vmem>> -> memref<128x64xf32, #tpu.memory_space<vmem>>
    %dma_start3A_15 = arith.constant 0 : i32
    %dma_start3A_16 = tpu.memref_slice %arg7[%dma_start3A, %dma_start3A_15] : memref<158x128xi32, #tpu.memory_space<vmem>> -> memref<1x128xi32, #tpu.memory_space<vmem>>
    %dma_start3A_17 = tpu.memref_squeeze %dma_start3A_16 : memref<1x128xi32, #tpu.memory_space<vmem>> -> memref<128xi32, #tpu.memory_space<vmem>>
    %dma_start3A_18 = arith.constant 0 : i32
    %dma_start3A_19 = arith.constant 0 : i32
    %dma_start3A_20 = tpu.memref_slice %arg2[%dma_start3A_18, %dma_start3A_19] : memref<20000x64xf32, #tpu.memory_space<hbm>> -> memref<20000x64xf32, #tpu.memory_space<hbm>>
    tpu.enqueue_indirect_dma source(%dma_start3A_20 : memref<20000x64xf32, #tpu.memory_space<hbm>>) target(%dma_start3A_14 : memref<128x64xf32, #tpu.memory_space<vmem>>) offsets(%dma_start3A_17 : memref<128xi32, #tpu.memory_space<vmem>>) semaphore(%arg11 : memref<!tpu.dma_semaphore, #tpu.memory_space<semaphore_mem>>)
    %dma_start3A_21 = arith.constant 1 : i32
    %dma_start3A_22 = arith.constant 1 : i32
    %dma_start3A_23 = arith.constant 0 : i32
    %dma_start3A_24 = arith.constant 0 : i32
    %dma_start3A_25 = tpu.memref_slice %arg9[%dma_start3A_22, %dma_start3A_23, %dma_start3A_24] : memref<5x128x64xf32, #tpu.memory_space<vmem>> -> memref<1x128x64xf32, #tpu.memory_space<vmem>>
    %dma_start3A_26 = tpu.memref_squeeze %dma_start3A_25 : memref<1x128x64xf32, #tpu.memory_space<vmem>> -> memref<128x64xf32, #tpu.memory_space<vmem>>
    %dma_start3A_27 = arith.constant 0 : i32
    %dma_start3A_28 = tpu.memref_slice %arg7[%dma_start3A_21, %dma_start3A_27] : memref<158x128xi32, #tpu.memory_space<vmem>> -> memref<1x128xi32, #tpu.memory_space<vmem>>
    %dma_start3A_29 = tpu.memref_squeeze %dma_start3A_28 : memref<1x128xi32, #tpu.memory_space<vmem>> -> memref<128xi32, #tpu.memory_space<vmem>>
    %dma_start3A_30 = arith.constant 0 : i32
    %dma_start3A_31 = arith.constant 0 : i32
    %dma_start3A_32 = tpu.memref_slice %arg2[%dma_start3A_30, %dma_start3A_31] : memref<20000x64xf32, #tpu.memory_space<hbm>> -> memref<20000x64xf32, #tpu.memory_space<hbm>>
    tpu.enqueue_indirect_dma source(%dma_start3A_32 : memref<20000x64xf32, #tpu.memory_space<hbm>>) target(%dma_start3A_26 : memref<128x64xf32, #tpu.memory_space<vmem>>) offsets(%dma_start3A_29 : memref<128xi32, #tpu.memory_space<vmem>>) semaphore(%arg11 : memref<!tpu.dma_semaphore, #tpu.memory_space<semaphore_mem>>)
    %dma_start3A_33 = arith.constant 2 : i32
    %dma_start3A_34 = arith.constant 2 : i32
    %dma_start3A_35 = arith.constant 0 : i32
    %dma_start3A_36 = arith.constant 0 : i32
    %dma_start3A_37 = tpu.memref_slice %arg9[%dma_start3A_34, %dma_start3A_35, %dma_start3A_36] : memref<5x128x64xf32, #tpu.memory_space<vmem>> -> memref<1x128x64xf32, #tpu.memory_space<vmem>>
    %dma_start3A_38 = tpu.memref_squeeze %dma_start3A_37 : memref<1x128x64xf32, #tpu.memory_space<vmem>> -> memref<128x64xf32, #tpu.memory_space<vmem>>
    %dma_start3A_39 = arith.constant 0 : i32
    %dma_start3A_40 = tpu.memref_slice %arg7[%dma_start3A_33, %dma_start3A_39] : memref<158x128xi32, #tpu.memory_space<vmem>> -> memref<1x128xi32, #tpu.memory_space<vmem>>
    %dma_start3A_41 = tpu.memref_squeeze %dma_start3A_40 : memref<1x128xi32, #tpu.memory_space<vmem>> -> memref<128xi32, #tpu.memory_space<vmem>>
    %dma_start3A_42 = arith.constant 0 : i32
    %dma_start3A_43 = arith.constant 0 : i32
    %dma_start3A_44 = tpu.memref_slice %arg2[%dma_start3A_42, %dma_start3A_43] : memref<20000x64xf32, #tpu.memory_space<hbm>> -> memref<20000x64xf32, #tpu.memory_space<hbm>>
    tpu.enqueue_indirect_dma source(%dma_start3A_44 : memref<20000x64xf32, #tpu.memory_space<hbm>>) target(%dma_start3A_38 : memref<128x64xf32, #tpu.memory_space<vmem>>) offsets(%dma_start3A_41 : memref<128xi32, #tpu.memory_space<vmem>>) semaphore(%arg11 : memref<!tpu.dma_semaphore, #tpu.memory_space<semaphore_mem>>)
    %barrier3A = arith.constant 0 : index
    tpu.barrier barrier_id(%barrier3A)
    %scan3A_45 = arith.constant 0 : i32
    %scan3A_46 = arith.constant 0 : i32
    %scan3A_47 = arith.constant 158 : i32
    %scan3A_48 = arith.addi %scan3A_46, %scan3A_47 : i32
    %scan3A_49 = arith.constant 1 : i32
    scf.for %scan3A_79 = %scan3A_46 to %scan3A_48 step %scan3A_49  : i32 {
      %jit3A = arith.constant 5 : i32
      %eq3A = arith.constant 0 : i32
      %eq3A_80 = arith.cmpi eq, %jit3A, %eq3A : i32
      %jit3A_81 = arith.constant 1 : i32
      %select_n3A = arith.select %eq3A_80, %jit3A_81, %jit3A : i32
      %rem3A = arith.remsi %scan3A_79, %select_n3A : i32
      %ne3A = arith.constant 0 : i32
      %ne3A_82 = arith.cmpi ne, %rem3A, %ne3A : i32
      %lt3A = arith.constant 0 : i32
      %lt3A_83 = arith.cmpi slt, %rem3A, %lt3A : i32
      %lt3A_84 = arith.constant 0 : i32
      %lt3A_85 = arith.cmpi slt, %select_n3A, %lt3A_84 : i32
      %ne3A_86 = arith.xori %lt3A_83, %lt3A_85 : i1
      %and3A = arith.andi %ne3A_86, %ne3A_82 : i1
      %add3A_87 = arith.addi %rem3A, %select_n3A : i32
      %select_n3A_88 = arith.select %and3A, %add3A_87, %rem3A : i32
      %ge3A = arith.constant 2 : i32
      %ge3A_89 = arith.cmpi sge, %scan3A_79, %ge3A : i32
      %convert_element_type3A = arith.extui %ge3A_89 : i1 to i32
      %cond3A = arith.constant 0 : i32
      %cond3A_90 = arith.cmpi ne, %convert_element_type3A, %cond3A : i32
      scf.if %cond3A_90 {
        %sub3A = arith.constant 2 : i32
        %sub3A_118 = arith.subi %scan3A_79, %sub3A : i32
        %jit3A_119 = arith.constant 5 : i32
        %eq3A_120 = arith.constant 0 : i32
        %eq3A_121 = arith.cmpi eq, %jit3A_119, %eq3A_120 : i32
        %jit3A_122 = arith.constant 1 : i32
        %select_n3A_123 = arith.select %eq3A_121, %jit3A_122, %jit3A_119 : i32
        %rem3A_124 = arith.remsi %sub3A_118, %select_n3A_123 : i32
        %ne3A_125 = arith.constant 0 : i32
        %ne3A_126 = arith.cmpi ne, %rem3A_124, %ne3A_125 : i32
        %lt3A_127 = arith.constant 0 : i32
        %lt3A_128 = arith.cmpi slt, %rem3A_124, %lt3A_127 : i32
        %lt3A_129 = arith.constant 0 : i32
        %lt3A_130 = arith.cmpi slt, %select_n3A_123, %lt3A_129 : i32
        %ne3A_131 = arith.xori %lt3A_128, %lt3A_130 : i1
        %and3A_132 = arith.andi %ne3A_131, %ne3A_126 : i1
        %add3A_133 = arith.addi %rem3A_124, %select_n3A_123 : i32
        %select_n3A_134 = arith.select %and3A_132, %add3A_133, %rem3A_124 : i32
        %sub3A_135 = arith.constant 2 : i32
        %sub3A_136 = arith.subi %scan3A_79, %sub3A_135 : i32
        %dma_wait3A_137 = arith.constant 0 : i32
        %dma_wait3A_138 = arith.constant 0 : i32
        %dma_wait3A_139 = tpu.memref_slice %arg9[%select_n3A_134, %dma_wait3A_137, %dma_wait3A_138] : memref<5x128x64xf32, #tpu.memory_space<vmem>> -> memref<1x128x64xf32, #tpu.memory_space<vmem>>
        %dma_wait3A_140 = tpu.memref_squeeze %dma_wait3A_139 : memref<1x128x64xf32, #tpu.memory_space<vmem>> -> memref<128x64xf32, #tpu.memory_space<vmem>>
        %dma_wait3A_141 = arith.constant 0 : i32
        %dma_wait3A_142 = tpu.memref_slice %arg8[%sub3A_136, %dma_wait3A_141] : memref<158x128xi32, #tpu.memory_space<vmem>> -> memref<1x128xi32, #tpu.memory_space<vmem>>
        %dma_wait3A_143 = tpu.memref_squeeze %dma_wait3A_142 : memref<1x128xi32, #tpu.memory_space<vmem>> -> memref<128xi32, #tpu.memory_space<vmem>>
        %dma_wait3A_144 = arith.constant 0 : i32
        %dma_wait3A_145 = arith.constant 0 : i32
        %dma_wait3A_146 = tpu.memref_slice %arg10[%dma_wait3A_144, %dma_wait3A_145] : memref<10128x64xf32, #tpu.memory_space<vmem_shared>> -> memref<10128x64xf32, #tpu.memory_space<vmem_shared>>
        tpu.wait_indirect_dma semaphore(%arg12 : memref<!tpu.dma_semaphore, #tpu.memory_space<semaphore_mem>>) src(%dma_wait3A_140 : memref<128x64xf32, #tpu.memory_space<vmem>>) dst(%dma_wait3A_146 : memref<10128x64xf32, #tpu.memory_space<vmem_shared>>)
      } else {
      }
      %add3A_91 = arith.constant 3 : i32
      %add3A_92 = arith.addi %scan3A_79, %add3A_91 : i32
      %lt3A_93 = arith.constant 158 : i32
      %lt3A_94 = arith.cmpi slt, %add3A_92, %lt3A_93 : i32
      %convert_element_type3A_95 = arith.extui %lt3A_94 : i1 to i32
      %cond3A_96 = arith.constant 0 : i32
      %cond3A_97 = arith.cmpi ne, %convert_element_type3A_95, %cond3A_96 : i32
      scf.if %cond3A_97 {
        %add3A_118 = arith.constant 3 : i32
        %add3A_119 = arith.addi %scan3A_79, %add3A_118 : i32
        %add3A_120 = arith.constant 3 : i32
        %add3A_121 = arith.addi %scan3A_79, %add3A_120 : i32
        %jit3A_122 = arith.constant 5 : i32
        %eq3A_123 = arith.constant 0 : i32
        %eq3A_124 = arith.cmpi eq, %jit3A_122, %eq3A_123 : i32
        %jit3A_125 = arith.constant 1 : i32
        %select_n3A_126 = arith.select %eq3A_124, %jit3A_125, %jit3A_122 : i32
        %rem3A_127 = arith.remsi %add3A_121, %select_n3A_126 : i32
        %ne3A_128 = arith.constant 0 : i32
        %ne3A_129 = arith.cmpi ne, %rem3A_127, %ne3A_128 : i32
        %lt3A_130 = arith.constant 0 : i32
        %lt3A_131 = arith.cmpi slt, %rem3A_127, %lt3A_130 : i32
        %lt3A_132 = arith.constant 0 : i32
        %lt3A_133 = arith.cmpi slt, %select_n3A_126, %lt3A_132 : i32
        %ne3A_134 = arith.xori %lt3A_131, %lt3A_133 : i1
        %and3A_135 = arith.andi %ne3A_134, %ne3A_129 : i1
        %add3A_136 = arith.addi %rem3A_127, %select_n3A_126 : i32
        %select_n3A_137 = arith.select %and3A_135, %add3A_136, %rem3A_127 : i32
        %dma_start3A_138 = arith.constant 0 : i32
        %dma_start3A_139 = arith.constant 0 : i32
        %dma_start3A_140 = tpu.memref_slice %arg9[%select_n3A_137, %dma_start3A_138, %dma_start3A_139] : memref<5x128x64xf32, #tpu.memory_space<vmem>> -> memref<1x128x64xf32, #tpu.memory_space<vmem>>
        %dma_start3A_141 = tpu.memref_squeeze %dma_start3A_140 : memref<1x128x64xf32, #tpu.memory_space<vmem>> -> memref<128x64xf32, #tpu.memory_space<vmem>>
        %dma_start3A_142 = arith.constant 0 : i32
        %dma_start3A_143 = tpu.memref_slice %arg7[%add3A_119, %dma_start3A_142] : memref<158x128xi32, #tpu.memory_space<vmem>> -> memref<1x128xi32, #tpu.memory_space<vmem>>
        %dma_start3A_144 = tpu.memref_squeeze %dma_start3A_143 : memref<1x128xi32, #tpu.memory_space<vmem>> -> memref<128xi32, #tpu.memory_space<vmem>>
        %dma_start3A_145 = arith.constant 0 : i32
        %dma_start3A_146 = arith.constant 0 : i32
        %dma_start3A_147 = tpu.memref_slice %arg2[%dma_start3A_145, %dma_start3A_146] : memref<20000x64xf32, #tpu.memory_space<hbm>> -> memref<20000x64xf32, #tpu.memory_space<hbm>>
        tpu.enqueue_indirect_dma source(%dma_start3A_147 : memref<20000x64xf32, #tpu.memory_space<hbm>>) target(%dma_start3A_141 : memref<128x64xf32, #tpu.memory_space<vmem>>) offsets(%dma_start3A_144 : memref<128xi32, #tpu.memory_space<vmem>>) semaphore(%arg11 : memref<!tpu.dma_semaphore, #tpu.memory_space<semaphore_mem>>)
      } else {
      }
      %dma_wait3A_98 = arith.constant 0 : i32
      %dma_wait3A_99 = arith.constant 0 : i32
      %dma_wait3A_100 = tpu.memref_slice %arg9[%select_n3A_88, %dma_wait3A_98, %dma_wait3A_99] : memref<5x128x64xf32, #tpu.memory_space<vmem>> -> memref<1x128x64xf32, #tpu.memory_space<vmem>>
      %dma_wait3A_101 = tpu.memref_squeeze %dma_wait3A_100 : memref<1x128x64xf32, #tpu.memory_space<vmem>> -> memref<128x64xf32, #tpu.memory_space<vmem>>
      %dma_wait3A_102 = arith.constant 0 : i32
      %dma_wait3A_103 = tpu.memref_slice %arg7[%scan3A_79, %dma_wait3A_102] : memref<158x128xi32, #tpu.memory_space<vmem>> -> memref<1x128xi32, #tpu.memory_space<vmem>>
      %dma_wait3A_104 = tpu.memref_squeeze %dma_wait3A_103 : memref<1x128xi32, #tpu.memory_space<vmem>> -> memref<128xi32, #tpu.memory_space<vmem>>
      %dma_wait3A_105 = arith.constant 0 : i32
      %dma_wait3A_106 = arith.constant 0 : i32
      %dma_wait3A_107 = tpu.memref_slice %arg2[%dma_wait3A_105, %dma_wait3A_106] : memref<20000x64xf32, #tpu.memory_space<hbm>> -> memref<20000x64xf32, #tpu.memory_space<hbm>>
      tpu.wait_indirect_dma semaphore(%arg11 : memref<!tpu.dma_semaphore, #tpu.memory_space<semaphore_mem>>) src(%dma_wait3A_107 : memref<20000x64xf32, #tpu.memory_space<hbm>>) dst(%dma_wait3A_101 : memref<128x64xf32, #tpu.memory_space<vmem>>)
      %dma_start3A_108 = arith.constant 0 : i32
      %dma_start3A_109 = arith.constant 0 : i32
      %dma_start3A_110 = tpu.memref_slice %arg9[%select_n3A_88, %dma_start3A_108, %dma_start3A_109] : memref<5x128x64xf32, #tpu.memory_space<vmem>> -> memref<1x128x64xf32, #tpu.memory_space<vmem>>
      %dma_start3A_111 = tpu.memref_squeeze %dma_start3A_110 : memref<1x128x64xf32, #tpu.memory_space<vmem>> -> memref<128x64xf32, #tpu.memory_space<vmem>>
      %dma_start3A_112 = arith.constant 0 : i32
      %dma_start3A_113 = tpu.memref_slice %arg8[%scan3A_79, %dma_start3A_112] : memref<158x128xi32, #tpu.memory_space<vmem>> -> memref<1x128xi32, #tpu.memory_space<vmem>>
      %dma_start3A_114 = tpu.memref_squeeze %dma_start3A_113 : memref<1x128xi32, #tpu.memory_space<vmem>> -> memref<128xi32, #tpu.memory_space<vmem>>
      %dma_start3A_115 = arith.constant 0 : i32
      %dma_start3A_116 = arith.constant 0 : i32
      %dma_start3A_117 = tpu.memref_slice %arg10[%dma_start3A_115, %dma_start3A_116] : memref<10128x64xf32, #tpu.memory_space<vmem_shared>> -> memref<10128x64xf32, #tpu.memory_space<vmem_shared>>
      tpu.enqueue_indirect_dma source(%dma_start3A_111 : memref<128x64xf32, #tpu.memory_space<vmem>>) target(%dma_start3A_117 : memref<10128x64xf32, #tpu.memory_space<vmem_shared>>) offsets(%dma_start3A_114 : memref<128xi32, #tpu.memory_space<vmem>>) semaphore(%arg12 : memref<!tpu.dma_semaphore, #tpu.memory_space<semaphore_mem>>) {add = true}
    }
    %scan3A_50 = arith.constant 158 : i32
    %dma_wait3A = arith.constant 1 : i32
    %dma_wait3A_51 = arith.constant 156 : i32
    %dma_wait3A_52 = arith.constant 0 : i32
    %dma_wait3A_53 = arith.constant 0 : i32
    %dma_wait3A_54 = tpu.memref_slice %arg9[%dma_wait3A, %dma_wait3A_52, %dma_wait3A_53] : memref<5x128x64xf32, #tpu.memory_space<vmem>> -> memref<1x128x64xf32, #tpu.memory_space<vmem>>
    %dma_wait3A_55 = tpu.memref_squeeze %dma_wait3A_54 : memref<1x128x64xf32, #tpu.memory_space<vmem>> -> memref<128x64xf32, #tpu.memory_space<vmem>>
    %dma_wait3A_56 = arith.constant 0 : i32
    %dma_wait3A_57 = tpu.memref_slice %arg8[%dma_wait3A_51, %dma_wait3A_56] : memref<158x128xi32, #tpu.memory_space<vmem>> -> memref<1x128xi32, #tpu.memory_space<vmem>>
    %dma_wait3A_58 = tpu.memref_squeeze %dma_wait3A_57 : memref<1x128xi32, #tpu.memory_space<vmem>> -> memref<128xi32, #tpu.memory_space<vmem>>
    %dma_wait3A_59 = arith.constant 0 : i32
    %dma_wait3A_60 = arith.constant 0 : i32
    %dma_wait3A_61 = tpu.memref_slice %arg10[%dma_wait3A_59, %dma_wait3A_60] : memref<10128x64xf32, #tpu.memory_space<vmem_shared>> -> memref<10128x64xf32, #tpu.memory_space<vmem_shared>>
    tpu.wait_indirect_dma semaphore(%arg12 : memref<!tpu.dma_semaphore, #tpu.memory_space<semaphore_mem>>) src(%dma_wait3A_55 : memref<128x64xf32, #tpu.memory_space<vmem>>) dst(%dma_wait3A_61 : memref<10128x64xf32, #tpu.memory_space<vmem_shared>>)
    %dma_wait3A_62 = arith.constant 2 : i32
    %dma_wait3A_63 = arith.constant 157 : i32
    %dma_wait3A_64 = arith.constant 0 : i32
    %dma_wait3A_65 = arith.constant 0 : i32
    %dma_wait3A_66 = tpu.memref_slice %arg9[%dma_wait3A_62, %dma_wait3A_64, %dma_wait3A_65] : memref<5x128x64xf32, #tpu.memory_space<vmem>> -> memref<1x128x64xf32, #tpu.memory_space<vmem>>
    %dma_wait3A_67 = tpu.memref_squeeze %dma_wait3A_66 : memref<1x128x64xf32, #tpu.memory_space<vmem>> -> memref<128x64xf32, #tpu.memory_space<vmem>>
    %dma_wait3A_68 = arith.constant 0 : i32
    %dma_wait3A_69 = tpu.memref_slice %arg8[%dma_wait3A_63, %dma_wait3A_68] : memref<158x128xi32, #tpu.memory_space<vmem>> -> memref<1x128xi32, #tpu.memory_space<vmem>>
    %dma_wait3A_70 = tpu.memref_squeeze %dma_wait3A_69 : memref<1x128xi32, #tpu.memory_space<vmem>> -> memref<128xi32, #tpu.memory_space<vmem>>
    %dma_wait3A_71 = arith.constant 0 : i32
    %dma_wait3A_72 = arith.constant 0 : i32
    %dma_wait3A_73 = tpu.memref_slice %arg10[%dma_wait3A_71, %dma_wait3A_72] : memref<10128x64xf32, #tpu.memory_space<vmem_shared>> -> memref<10128x64xf32, #tpu.memory_space<vmem_shared>>
    tpu.wait_indirect_dma semaphore(%arg12 : memref<!tpu.dma_semaphore, #tpu.memory_space<semaphore_mem>>) src(%dma_wait3A_67 : memref<128x64xf32, #tpu.memory_space<vmem>>) dst(%dma_wait3A_73 : memref<10128x64xf32, #tpu.memory_space<vmem_shared>>)
    %barrier3A_74 = arith.constant 0 : index
    tpu.barrier barrier_id(%barrier3A_74)
    %mul3A_75 = arith.constant 633 : i32
    %mul3A_76 = arith.muli %arg1, %mul3A_75 : i32
    %mul3A_77 = arith.constant 633 : i32
    %mul3A_78 = arith.muli %arg1, %mul3A_77 : i32
    "tpu.region"() ({
      %run_scoped3A = tpu.sem_alloc : memref<!tpu.dma_semaphore, #tpu.memory_space<semaphore_mem>>
      %dma_start3A_79 = arith.constant 0 : i32
      %dma_start3A_80 = tpu.memref_slice %arg6[%arg0, %mul3A_78, %dma_start3A_79] : memref<2x10128x64xf32, #tpu.memory_space<hbm>> -> memref<1x633x64xf32, #tpu.memory_space<hbm>>
      %dma_start3A_81 = tpu.memref_squeeze %dma_start3A_80 : memref<1x633x64xf32, #tpu.memory_space<hbm>> -> memref<633x64xf32, #tpu.memory_space<hbm>>
      %dma_start3A_82 = arith.constant 0 : i32
      %dma_start3A_83 = tpu.memref_slice %arg10[%mul3A_76, %dma_start3A_82] : memref<10128x64xf32, #tpu.memory_space<vmem_shared>> -> memref<633x64xf32, #tpu.memory_space<vmem_shared>>
      tpu.enqueue_dma source(%dma_start3A_83 : memref<633x64xf32, #tpu.memory_space<vmem_shared>>) target(%dma_start3A_81 : memref<633x64xf32, #tpu.memory_space<hbm>>) target_semaphore(%run_scoped3A : memref<!tpu.dma_semaphore, #tpu.memory_space<semaphore_mem>>)
      %dma_wait3A_84 = arith.constant 0 : i32
      %dma_wait3A_85 = tpu.memref_slice %arg6[%arg0, %mul3A_78, %dma_wait3A_84] : memref<2x10128x64xf32, #tpu.memory_space<hbm>> -> memref<1x633x64xf32, #tpu.memory_space<hbm>>
      %dma_wait3A_86 = tpu.memref_squeeze %dma_wait3A_85 : memref<1x633x64xf32, #tpu.memory_space<hbm>> -> memref<633x64xf32, #tpu.memory_space<hbm>>
      %dma_wait3A_87 = arith.constant 0 : i32
      %dma_wait3A_88 = tpu.memref_slice %arg10[%mul3A_76, %dma_wait3A_87] : memref<10128x64xf32, #tpu.memory_space<vmem_shared>> -> memref<633x64xf32, #tpu.memory_space<vmem_shared>>
      tpu.wait_dma2 semaphore(%run_scoped3A : memref<!tpu.dma_semaphore, #tpu.memory_space<semaphore_mem>>) src(%dma_wait3A_88 : memref<633x64xf32, #tpu.memory_space<vmem_shared>>) dst(%dma_wait3A_86 : memref<633x64xf32, #tpu.memory_space<hbm>>)
      tpu.yield
    }) : () -> ()
    return
  }
}

#map = affine_map<(d0, d1) -> (0, 0)>
#map1 = affine_map<(d0, d1) -> (0, 0, 0)>
module attributes {stable_mosaic.version = 14 : i64} {
  func.func @_aggregate_kernel(%arg0: i32, %arg1: i32, %arg2: memref<20000x64xf32, #tpu.memory_space<hbm>>, %arg3: memref<16x158x128xi32, #tpu.memory_space<hbm>>, %arg4: memref<16x158x128xi32, #tpu.memory_space<hbm>>, %arg5: memref<633x64xf32, #tpu.memory_space<hbm>>, %arg6: memref<2x10128x64xf32, #tpu.memory_space<hbm>>, %arg7: memref<158x128xi32, #tpu.memory_space<vmem>>, %arg8: memref<158x128xi32, #tpu.memory_space<vmem>>, %arg9: memref<5x128x64xf32, #tpu.memory_space<vmem>>, %arg10: memref<10128x64xf32, #tpu.memory_space<vmem_shared>>, %arg11: memref<!tpu.dma_semaphore, #tpu.memory_space<semaphore_mem>>, %arg12: memref<!tpu.dma_semaphore, #tpu.memory_space<semaphore_mem>>) attributes {dimension_semantics = [#tpu.dimension_semantics<core_parallel>, #tpu.dimension_semantics<subcore_parallel>], iteration_bounds = array<i64: 2, 16>, scalar_prefetch = 0 : i64, scratch_operands = 6 : i64, tpu.core_type = #tpu.core_type<sc_vector_subcore>, window_params = [{transform_indices = #map}, {transform_indices = #map1}, {transform_indices = #map1}, {transform_indices = #map}, {transform_indices = #map1}]} {
    "tpu.region"() ({
      %run_scoped3A = tpu.sem_alloc : memref<!tpu.dma_semaphore, #tpu.memory_space<semaphore_mem>>
      %dma_start3A_79 = arith.constant 0 : i32
      %dma_start3A_80 = arith.constant 0 : i32
      %dma_start3A_81 = tpu.memref_slice %arg3[%arg1, %dma_start3A_79, %dma_start3A_80] : memref<16x158x128xi32, #tpu.memory_space<hbm>> -> memref<1x158x128xi32, #tpu.memory_space<hbm>>
      %dma_start3A_82 = tpu.memref_squeeze %dma_start3A_81 : memref<1x158x128xi32, #tpu.memory_space<hbm>> -> memref<158x128xi32, #tpu.memory_space<hbm>>
      %dma_start3A_83 = arith.constant 0 : i32
      %dma_start3A_84 = arith.constant 0 : i32
      %dma_start3A_85 = tpu.memref_slice %arg3[%arg1, %dma_start3A_83, %dma_start3A_84] : memref<16x158x128xi32, #tpu.memory_space<hbm>> -> memref<1x158x128xi32, #tpu.memory_space<hbm>>
      %dma_start3A_86 = tpu.memref_squeeze %dma_start3A_85 : memref<1x158x128xi32, #tpu.memory_space<hbm>> -> memref<158x128xi32, #tpu.memory_space<hbm>>
      tpu.enqueue_dma source(%dma_start3A_86 : memref<158x128xi32, #tpu.memory_space<hbm>>) target(%arg7 : memref<158x128xi32, #tpu.memory_space<vmem>>) target_semaphore(%run_scoped3A : memref<!tpu.dma_semaphore, #tpu.memory_space<semaphore_mem>>)
      %dma_wait3A_87 = arith.constant 0 : i32
      %dma_wait3A_88 = arith.constant 0 : i32
      %dma_wait3A_89 = tpu.memref_slice %arg3[%arg1, %dma_wait3A_87, %dma_wait3A_88] : memref<16x158x128xi32, #tpu.memory_space<hbm>> -> memref<1x158x128xi32, #tpu.memory_space<hbm>>
      %dma_wait3A_90 = tpu.memref_squeeze %dma_wait3A_89 : memref<1x158x128xi32, #tpu.memory_space<hbm>> -> memref<158x128xi32, #tpu.memory_space<hbm>>
      %dma_wait3A_91 = arith.constant 0 : i32
      %dma_wait3A_92 = arith.constant 0 : i32
      %dma_wait3A_93 = tpu.memref_slice %arg3[%arg1, %dma_wait3A_91, %dma_wait3A_92] : memref<16x158x128xi32, #tpu.memory_space<hbm>> -> memref<1x158x128xi32, #tpu.memory_space<hbm>>
      %dma_wait3A_94 = tpu.memref_squeeze %dma_wait3A_93 : memref<1x158x128xi32, #tpu.memory_space<hbm>> -> memref<158x128xi32, #tpu.memory_space<hbm>>
      tpu.wait_dma2 semaphore(%run_scoped3A : memref<!tpu.dma_semaphore, #tpu.memory_space<semaphore_mem>>) src(%dma_wait3A_94 : memref<158x128xi32, #tpu.memory_space<hbm>>) dst(%arg7 : memref<158x128xi32, #tpu.memory_space<vmem>>)
      tpu.yield
    }) : () -> ()
    "tpu.region"() ({
      %run_scoped3A = tpu.sem_alloc : memref<!tpu.dma_semaphore, #tpu.memory_space<semaphore_mem>>
      %dma_start3A_79 = arith.constant 0 : i32
      %dma_start3A_80 = arith.constant 0 : i32
      %dma_start3A_81 = tpu.memref_slice %arg4[%arg1, %dma_start3A_79, %dma_start3A_80] : memref<16x158x128xi32, #tpu.memory_space<hbm>> -> memref<1x158x128xi32, #tpu.memory_space<hbm>>
      %dma_start3A_82 = tpu.memref_squeeze %dma_start3A_81 : memref<1x158x128xi32, #tpu.memory_space<hbm>> -> memref<158x128xi32, #tpu.memory_space<hbm>>
      %dma_start3A_83 = arith.constant 0 : i32
      %dma_start3A_84 = arith.constant 0 : i32
      %dma_start3A_85 = tpu.memref_slice %arg4[%arg1, %dma_start3A_83, %dma_start3A_84] : memref<16x158x128xi32, #tpu.memory_space<hbm>> -> memref<1x158x128xi32, #tpu.memory_space<hbm>>
      %dma_start3A_86 = tpu.memref_squeeze %dma_start3A_85 : memref<1x158x128xi32, #tpu.memory_space<hbm>> -> memref<158x128xi32, #tpu.memory_space<hbm>>
      tpu.enqueue_dma source(%dma_start3A_86 : memref<158x128xi32, #tpu.memory_space<hbm>>) target(%arg8 : memref<158x128xi32, #tpu.memory_space<vmem>>) target_semaphore(%run_scoped3A : memref<!tpu.dma_semaphore, #tpu.memory_space<semaphore_mem>>)
      %dma_wait3A_87 = arith.constant 0 : i32
      %dma_wait3A_88 = arith.constant 0 : i32
      %dma_wait3A_89 = tpu.memref_slice %arg4[%arg1, %dma_wait3A_87, %dma_wait3A_88] : memref<16x158x128xi32, #tpu.memory_space<hbm>> -> memref<1x158x128xi32, #tpu.memory_space<hbm>>
      %dma_wait3A_90 = tpu.memref_squeeze %dma_wait3A_89 : memref<1x158x128xi32, #tpu.memory_space<hbm>> -> memref<158x128xi32, #tpu.memory_space<hbm>>
      %dma_wait3A_91 = arith.constant 0 : i32
      %dma_wait3A_92 = arith.constant 0 : i32
      %dma_wait3A_93 = tpu.memref_slice %arg4[%arg1, %dma_wait3A_91, %dma_wait3A_92] : memref<16x158x128xi32, #tpu.memory_space<hbm>> -> memref<1x158x128xi32, #tpu.memory_space<hbm>>
      %dma_wait3A_94 = tpu.memref_squeeze %dma_wait3A_93 : memref<1x158x128xi32, #tpu.memory_space<hbm>> -> memref<158x128xi32, #tpu.memory_space<hbm>>
      tpu.wait_dma2 semaphore(%run_scoped3A : memref<!tpu.dma_semaphore, #tpu.memory_space<semaphore_mem>>) src(%dma_wait3A_94 : memref<158x128xi32, #tpu.memory_space<hbm>>) dst(%arg8 : memref<158x128xi32, #tpu.memory_space<vmem>>)
      tpu.yield
    }) : () -> ()
    %broadcast_in_dim3A = arith.constant 0 : i32
    %broadcast_in_dim3A_0 = vector.broadcast %broadcast_in_dim3A : i32 to vector<16xi32>
    %mul3A = arith.constant 10000 : i32
    %mul3A_1 = arith.muli %arg0, %mul3A : i32
    %add3A = vector.broadcast %mul3A_1 : i32 to vector<16xi32>
    %add3A_2 = arith.addi %broadcast_in_dim3A_0, %add3A : vector<16xi32>
    %scan3A = arith.constant 0 : i32
    %scan3A_3 = arith.constant 0 : i32
    %scan3A_4 = arith.constant 1264 : i32
    %scan3A_5 = arith.addi %scan3A_3, %scan3A_4 : i32
    %scan3A_6 = arith.constant 1 : i32
    scf.for %scan3A_79 = %scan3A_3 to %scan3A_5 step %scan3A_6  : i32 {
      %shift_right_arithmetic3A = arith.constant 3 : i32
      %shift_right_arithmetic3A_80 = arith.shrsi %scan3A_79, %shift_right_arithmetic3A : i32
      %and3A = arith.constant 7 : i32
      %and3A_81 = arith.andi %scan3A_79, %and3A : i32
      %mul3A_82 = arith.constant 16 : i32
      %mul3A_83 = arith.muli %and3A_81, %mul3A_82 : i32
      %get3A = arith.index_cast %shift_right_arithmetic3A_80 : i32 to index
      %get3A_84 = arith.index_cast %mul3A_83 : i32 to index
      %get3A_85 = tpu.vector_load %arg7[%get3A, %get3A_84] {strides = array<i32>} : memref<158x128xi32, #tpu.memory_space<vmem>>, vector<16xi32>,
      %add3A_86 = arith.addi %get3A_85, %add3A_2 : vector<16xi32>
      %swap3A = arith.index_cast %shift_right_arithmetic3A_80 : i32 to index
      %swap3A_87 = arith.index_cast %mul3A_83 : i32 to index
      %swap3A_88 = tpu.vector_load %arg7[%swap3A, %swap3A_87] {strides = array<i32>} : memref<158x128xi32, #tpu.memory_space<vmem>>, vector<16xi32>,
      tpu.vector_store %arg7[%swap3A, %swap3A_87], %add3A_86 {strides = array<i32>} : memref<158x128xi32, #tpu.memory_space<vmem>>, vector<16xi32>,
    }
    %scan3A_7 = arith.constant 1264 : i32
    %mul3A_8 = arith.constant 633 : i32
    %mul3A_9 = arith.muli %arg1, %mul3A_8 : i32
    "tpu.region"() ({
      %run_scoped3A = tpu.sem_alloc : memref<!tpu.dma_semaphore, #tpu.memory_space<semaphore_mem>>
      %dma_start3A_79 = arith.constant 0 : i32
      %dma_start3A_80 = tpu.memref_slice %arg10[%mul3A_9, %dma_start3A_79] : memref<10128x64xf32, #tpu.memory_space<vmem_shared>> -> memref<633x64xf32, #tpu.memory_space<vmem_shared>>
      tpu.enqueue_dma source(%arg5 : memref<633x64xf32, #tpu.memory_space<hbm>>) target(%dma_start3A_80 : memref<633x64xf32, #tpu.memory_space<vmem_shared>>) target_semaphore(%run_scoped3A : memref<!tpu.dma_semaphore, #tpu.memory_space<semaphore_mem>>)
      %dma_wait3A_81 = arith.constant 0 : i32
      %dma_wait3A_82 = tpu.memref_slice %arg10[%mul3A_9, %dma_wait3A_81] : memref<10128x64xf32, #tpu.memory_space<vmem_shared>> -> memref<633x64xf32, #tpu.memory_space<vmem_shared>>
      tpu.wait_dma2 semaphore(%run_scoped3A : memref<!tpu.dma_semaphore, #tpu.memory_space<semaphore_mem>>) src(%arg5 : memref<633x64xf32, #tpu.memory_space<hbm>>) dst(%dma_wait3A_82 : memref<633x64xf32, #tpu.memory_space<vmem_shared>>)
      tpu.yield
    }) : () -> ()
    %dma_start3A = arith.constant 0 : i32
    %dma_start3A_10 = arith.constant 0 : i32
    %dma_start3A_11 = arith.constant 0 : i32
    %dma_start3A_12 = arith.constant 0 : i32
    %dma_start3A_13 = tpu.memref_slice %arg9[%dma_start3A_10, %dma_start3A_11, %dma_start3A_12] : memref<5x128x64xf32, #tpu.memory_space<vmem>> -> memref<1x128x64xf32, #tpu.memory_space<vmem>>
    %dma_start3A_14 = tpu.memref_squeeze %dma_start3A_13 : memref<1x128x64xf32, #tpu.memory_space<vmem>> -> memref<128x64xf32, #tpu.memory_space<vmem>>
    %dma_start3A_15 = arith.constant 0 : i32
    %dma_start3A_16 = tpu.memref_slice %arg7[%dma_start3A, %dma_start3A_15] : memref<158x128xi32, #tpu.memory_space<vmem>> -> memref<1x128xi32, #tpu.memory_space<vmem>>
    %dma_start3A_17 = tpu.memref_squeeze %dma_start3A_16 : memref<1x128xi32, #tpu.memory_space<vmem>> -> memref<128xi32, #tpu.memory_space<vmem>>
    %dma_start3A_18 = arith.constant 0 : i32
    %dma_start3A_19 = arith.constant 0 : i32
    %dma_start3A_20 = tpu.memref_slice %arg2[%dma_start3A_18, %dma_start3A_19] : memref<20000x64xf32, #tpu.memory_space<hbm>> -> memref<20000x64xf32, #tpu.memory_space<hbm>>
    tpu.enqueue_indirect_dma source(%dma_start3A_20 : memref<20000x64xf32, #tpu.memory_space<hbm>>) target(%dma_start3A_14 : memref<128x64xf32, #tpu.memory_space<vmem>>) offsets(%dma_start3A_17 : memref<128xi32, #tpu.memory_space<vmem>>) semaphore(%arg11 : memref<!tpu.dma_semaphore, #tpu.memory_space<semaphore_mem>>)
    %dma_start3A_21 = arith.constant 1 : i32
    %dma_start3A_22 = arith.constant 1 : i32
    %dma_start3A_23 = arith.constant 0 : i32
    %dma_start3A_24 = arith.constant 0 : i32
    %dma_start3A_25 = tpu.memref_slice %arg9[%dma_start3A_22, %dma_start3A_23, %dma_start3A_24] : memref<5x128x64xf32, #tpu.memory_space<vmem>> -> memref<1x128x64xf32, #tpu.memory_space<vmem>>
    %dma_start3A_26 = tpu.memref_squeeze %dma_start3A_25 : memref<1x128x64xf32, #tpu.memory_space<vmem>> -> memref<128x64xf32, #tpu.memory_space<vmem>>
    %dma_start3A_27 = arith.constant 0 : i32
    %dma_start3A_28 = tpu.memref_slice %arg7[%dma_start3A_21, %dma_start3A_27] : memref<158x128xi32, #tpu.memory_space<vmem>> -> memref<1x128xi32, #tpu.memory_space<vmem>>
    %dma_start3A_29 = tpu.memref_squeeze %dma_start3A_28 : memref<1x128xi32, #tpu.memory_space<vmem>> -> memref<128xi32, #tpu.memory_space<vmem>>
    %dma_start3A_30 = arith.constant 0 : i32
    %dma_start3A_31 = arith.constant 0 : i32
    %dma_start3A_32 = tpu.memref_slice %arg2[%dma_start3A_30, %dma_start3A_31] : memref<20000x64xf32, #tpu.memory_space<hbm>> -> memref<20000x64xf32, #tpu.memory_space<hbm>>
    tpu.enqueue_indirect_dma source(%dma_start3A_32 : memref<20000x64xf32, #tpu.memory_space<hbm>>) target(%dma_start3A_26 : memref<128x64xf32, #tpu.memory_space<vmem>>) offsets(%dma_start3A_29 : memref<128xi32, #tpu.memory_space<vmem>>) semaphore(%arg11 : memref<!tpu.dma_semaphore, #tpu.memory_space<semaphore_mem>>)
    %dma_start3A_33 = arith.constant 2 : i32
    %dma_start3A_34 = arith.constant 2 : i32
    %dma_start3A_35 = arith.constant 0 : i32
    %dma_start3A_36 = arith.constant 0 : i32
    %dma_start3A_37 = tpu.memref_slice %arg9[%dma_start3A_34, %dma_start3A_35, %dma_start3A_36] : memref<5x128x64xf32, #tpu.memory_space<vmem>> -> memref<1x128x64xf32, #tpu.memory_space<vmem>>
    %dma_start3A_38 = tpu.memref_squeeze %dma_start3A_37 : memref<1x128x64xf32, #tpu.memory_space<vmem>> -> memref<128x64xf32, #tpu.memory_space<vmem>>
    %dma_start3A_39 = arith.constant 0 : i32
    %dma_start3A_40 = tpu.memref_slice %arg7[%dma_start3A_33, %dma_start3A_39] : memref<158x128xi32, #tpu.memory_space<vmem>> -> memref<1x128xi32, #tpu.memory_space<vmem>>
    %dma_start3A_41 = tpu.memref_squeeze %dma_start3A_40 : memref<1x128xi32, #tpu.memory_space<vmem>> -> memref<128xi32, #tpu.memory_space<vmem>>
    %dma_start3A_42 = arith.constant 0 : i32
    %dma_start3A_43 = arith.constant 0 : i32
    %dma_start3A_44 = tpu.memref_slice %arg2[%dma_start3A_42, %dma_start3A_43] : memref<20000x64xf32, #tpu.memory_space<hbm>> -> memref<20000x64xf32, #tpu.memory_space<hbm>>
    tpu.enqueue_indirect_dma source(%dma_start3A_44 : memref<20000x64xf32, #tpu.memory_space<hbm>>) target(%dma_start3A_38 : memref<128x64xf32, #tpu.memory_space<vmem>>) offsets(%dma_start3A_41 : memref<128xi32, #tpu.memory_space<vmem>>) semaphore(%arg11 : memref<!tpu.dma_semaphore, #tpu.memory_space<semaphore_mem>>)
    %barrier3A = arith.constant 0 : index
    tpu.barrier barrier_id(%barrier3A)
    %scan3A_45 = arith.constant 0 : i32
    %scan3A_46 = arith.constant 0 : i32
    %scan3A_47 = arith.constant 158 : i32
    %scan3A_48 = arith.addi %scan3A_46, %scan3A_47 : i32
    %scan3A_49 = arith.constant 1 : i32
    scf.for %scan3A_79 = %scan3A_46 to %scan3A_48 step %scan3A_49  : i32 {
      %jit3A = arith.constant 5 : i32
      %eq3A = arith.constant 0 : i32
      %eq3A_80 = arith.cmpi eq, %jit3A, %eq3A : i32
      %jit3A_81 = arith.constant 1 : i32
      %select_n3A = arith.select %eq3A_80, %jit3A_81, %jit3A : i32
      %rem3A = arith.remsi %scan3A_79, %select_n3A : i32
      %ne3A = arith.constant 0 : i32
      %ne3A_82 = arith.cmpi ne, %rem3A, %ne3A : i32
      %lt3A = arith.constant 0 : i32
      %lt3A_83 = arith.cmpi slt, %rem3A, %lt3A : i32
      %lt3A_84 = arith.constant 0 : i32
      %lt3A_85 = arith.cmpi slt, %select_n3A, %lt3A_84 : i32
      %ne3A_86 = arith.xori %lt3A_83, %lt3A_85 : i1
      %and3A = arith.andi %ne3A_86, %ne3A_82 : i1
      %add3A_87 = arith.addi %rem3A, %select_n3A : i32
      %select_n3A_88 = arith.select %and3A, %add3A_87, %rem3A : i32
      %ge3A = arith.constant 2 : i32
      %ge3A_89 = arith.cmpi sge, %scan3A_79, %ge3A : i32
      %convert_element_type3A = arith.extui %ge3A_89 : i1 to i32
      %cond3A = arith.constant 0 : i32
      %cond3A_90 = arith.cmpi ne, %convert_element_type3A, %cond3A : i32
      scf.if %cond3A_90 {
        %sub3A = arith.constant 2 : i32
        %sub3A_118 = arith.subi %scan3A_79, %sub3A : i32
        %jit3A_119 = arith.constant 5 : i32
        %eq3A_120 = arith.constant 0 : i32
        %eq3A_121 = arith.cmpi eq, %jit3A_119, %eq3A_120 : i32
        %jit3A_122 = arith.constant 1 : i32
        %select_n3A_123 = arith.select %eq3A_121, %jit3A_122, %jit3A_119 : i32
        %rem3A_124 = arith.remsi %sub3A_118, %select_n3A_123 : i32
        %ne3A_125 = arith.constant 0 : i32
        %ne3A_126 = arith.cmpi ne, %rem3A_124, %ne3A_125 : i32
        %lt3A_127 = arith.constant 0 : i32
        %lt3A_128 = arith.cmpi slt, %rem3A_124, %lt3A_127 : i32
        %lt3A_129 = arith.constant 0 : i32
        %lt3A_130 = arith.cmpi slt, %select_n3A_123, %lt3A_129 : i32
        %ne3A_131 = arith.xori %lt3A_128, %lt3A_130 : i1
        %and3A_132 = arith.andi %ne3A_131, %ne3A_126 : i1
        %add3A_133 = arith.addi %rem3A_124, %select_n3A_123 : i32
        %select_n3A_134 = arith.select %and3A_132, %add3A_133, %rem3A_124 : i32
        %sub3A_135 = arith.constant 2 : i32
        %sub3A_136 = arith.subi %scan3A_79, %sub3A_135 : i32
        %dma_wait3A_137 = arith.constant 0 : i32
        %dma_wait3A_138 = arith.constant 0 : i32
        %dma_wait3A_139 = tpu.memref_slice %arg9[%select_n3A_134, %dma_wait3A_137, %dma_wait3A_138] : memref<5x128x64xf32, #tpu.memory_space<vmem>> -> memref<1x128x64xf32, #tpu.memory_space<vmem>>
        %dma_wait3A_140 = tpu.memref_squeeze %dma_wait3A_139 : memref<1x128x64xf32, #tpu.memory_space<vmem>> -> memref<128x64xf32, #tpu.memory_space<vmem>>
        %dma_wait3A_141 = arith.constant 0 : i32
        %dma_wait3A_142 = tpu.memref_slice %arg8[%sub3A_136, %dma_wait3A_141] : memref<158x128xi32, #tpu.memory_space<vmem>> -> memref<1x128xi32, #tpu.memory_space<vmem>>
        %dma_wait3A_143 = tpu.memref_squeeze %dma_wait3A_142 : memref<1x128xi32, #tpu.memory_space<vmem>> -> memref<128xi32, #tpu.memory_space<vmem>>
        %dma_wait3A_144 = arith.constant 0 : i32
        %dma_wait3A_145 = arith.constant 0 : i32
        %dma_wait3A_146 = tpu.memref_slice %arg10[%dma_wait3A_144, %dma_wait3A_145] : memref<10128x64xf32, #tpu.memory_space<vmem_shared>> -> memref<10128x64xf32, #tpu.memory_space<vmem_shared>>
        tpu.wait_indirect_dma semaphore(%arg12 : memref<!tpu.dma_semaphore, #tpu.memory_space<semaphore_mem>>) src(%dma_wait3A_140 : memref<128x64xf32, #tpu.memory_space<vmem>>) dst(%dma_wait3A_146 : memref<10128x64xf32, #tpu.memory_space<vmem_shared>>)
      } else {
      }
      %add3A_91 = arith.constant 3 : i32
      %add3A_92 = arith.addi %scan3A_79, %add3A_91 : i32
      %lt3A_93 = arith.constant 158 : i32
      %lt3A_94 = arith.cmpi slt, %add3A_92, %lt3A_93 : i32
      %convert_element_type3A_95 = arith.extui %lt3A_94 : i1 to i32
      %cond3A_96 = arith.constant 0 : i32
      %cond3A_97 = arith.cmpi ne, %convert_element_type3A_95, %cond3A_96 : i32
      scf.if %cond3A_97 {
        %add3A_118 = arith.constant 3 : i32
        %add3A_119 = arith.addi %scan3A_79, %add3A_118 : i32
        %add3A_120 = arith.constant 3 : i32
        %add3A_121 = arith.addi %scan3A_79, %add3A_120 : i32
        %jit3A_122 = arith.constant 5 : i32
        %eq3A_123 = arith.constant 0 : i32
        %eq3A_124 = arith.cmpi eq, %jit3A_122, %eq3A_123 : i32
        %jit3A_125 = arith.constant 1 : i32
        %select_n3A_126 = arith.select %eq3A_124, %jit3A_125, %jit3A_122 : i32
        %rem3A_127 = arith.remsi %add3A_121, %select_n3A_126 : i32
        %ne3A_128 = arith.constant 0 : i32
        %ne3A_129 = arith.cmpi ne, %rem3A_127, %ne3A_128 : i32
        %lt3A_130 = arith.constant 0 : i32
        %lt3A_131 = arith.cmpi slt, %rem3A_127, %lt3A_130 : i32
        %lt3A_132 = arith.constant 0 : i32
        %lt3A_133 = arith.cmpi slt, %select_n3A_126, %lt3A_132 : i32
        %ne3A_134 = arith.xori %lt3A_131, %lt3A_133 : i1
        %and3A_135 = arith.andi %ne3A_134, %ne3A_129 : i1
        %add3A_136 = arith.addi %rem3A_127, %select_n3A_126 : i32
        %select_n3A_137 = arith.select %and3A_135, %add3A_136, %rem3A_127 : i32
        %dma_start3A_138 = arith.constant 0 : i32
        %dma_start3A_139 = arith.constant 0 : i32
        %dma_start3A_140 = tpu.memref_slice %arg9[%select_n3A_137, %dma_start3A_138, %dma_start3A_139] : memref<5x128x64xf32, #tpu.memory_space<vmem>> -> memref<1x128x64xf32, #tpu.memory_space<vmem>>
        %dma_start3A_141 = tpu.memref_squeeze %dma_start3A_140 : memref<1x128x64xf32, #tpu.memory_space<vmem>> -> memref<128x64xf32, #tpu.memory_space<vmem>>
        %dma_start3A_142 = arith.constant 0 : i32
        %dma_start3A_143 = tpu.memref_slice %arg7[%add3A_119, %dma_start3A_142] : memref<158x128xi32, #tpu.memory_space<vmem>> -> memref<1x128xi32, #tpu.memory_space<vmem>>
        %dma_start3A_144 = tpu.memref_squeeze %dma_start3A_143 : memref<1x128xi32, #tpu.memory_space<vmem>> -> memref<128xi32, #tpu.memory_space<vmem>>
        %dma_start3A_145 = arith.constant 0 : i32
        %dma_start3A_146 = arith.constant 0 : i32
        %dma_start3A_147 = tpu.memref_slice %arg2[%dma_start3A_145, %dma_start3A_146] : memref<20000x64xf32, #tpu.memory_space<hbm>> -> memref<20000x64xf32, #tpu.memory_space<hbm>>
        tpu.enqueue_indirect_dma source(%dma_start3A_147 : memref<20000x64xf32, #tpu.memory_space<hbm>>) target(%dma_start3A_141 : memref<128x64xf32, #tpu.memory_space<vmem>>) offsets(%dma_start3A_144 : memref<128xi32, #tpu.memory_space<vmem>>) semaphore(%arg11 : memref<!tpu.dma_semaphore, #tpu.memory_space<semaphore_mem>>)
      } else {
      }
      %dma_wait3A_98 = arith.constant 0 : i32
      %dma_wait3A_99 = arith.constant 0 : i32
      %dma_wait3A_100 = tpu.memref_slice %arg9[%select_n3A_88, %dma_wait3A_98, %dma_wait3A_99] : memref<5x128x64xf32, #tpu.memory_space<vmem>> -> memref<1x128x64xf32, #tpu.memory_space<vmem>>
      %dma_wait3A_101 = tpu.memref_squeeze %dma_wait3A_100 : memref<1x128x64xf32, #tpu.memory_space<vmem>> -> memref<128x64xf32, #tpu.memory_space<vmem>>
      %dma_wait3A_102 = arith.constant 0 : i32
      %dma_wait3A_103 = tpu.memref_slice %arg7[%scan3A_79, %dma_wait3A_102] : memref<158x128xi32, #tpu.memory_space<vmem>> -> memref<1x128xi32, #tpu.memory_space<vmem>>
      %dma_wait3A_104 = tpu.memref_squeeze %dma_wait3A_103 : memref<1x128xi32, #tpu.memory_space<vmem>> -> memref<128xi32, #tpu.memory_space<vmem>>
      %dma_wait3A_105 = arith.constant 0 : i32
      %dma_wait3A_106 = arith.constant 0 : i32
      %dma_wait3A_107 = tpu.memref_slice %arg2[%dma_wait3A_105, %dma_wait3A_106] : memref<20000x64xf32, #tpu.memory_space<hbm>> -> memref<20000x64xf32, #tpu.memory_space<hbm>>
      tpu.wait_indirect_dma semaphore(%arg11 : memref<!tpu.dma_semaphore, #tpu.memory_space<semaphore_mem>>) src(%dma_wait3A_107 : memref<20000x64xf32, #tpu.memory_space<hbm>>) dst(%dma_wait3A_101 : memref<128x64xf32, #tpu.memory_space<vmem>>)
      %dma_start3A_108 = arith.constant 0 : i32
      %dma_start3A_109 = arith.constant 0 : i32
      %dma_start3A_110 = tpu.memref_slice %arg9[%select_n3A_88, %dma_start3A_108, %dma_start3A_109] : memref<5x128x64xf32, #tpu.memory_space<vmem>> -> memref<1x128x64xf32, #tpu.memory_space<vmem>>
      %dma_start3A_111 = tpu.memref_squeeze %dma_start3A_110 : memref<1x128x64xf32, #tpu.memory_space<vmem>> -> memref<128x64xf32, #tpu.memory_space<vmem>>
      %dma_start3A_112 = arith.constant 0 : i32
      %dma_start3A_113 = tpu.memref_slice %arg8[%scan3A_79, %dma_start3A_112] : memref<158x128xi32, #tpu.memory_space<vmem>> -> memref<1x128xi32, #tpu.memory_space<vmem>>
      %dma_start3A_114 = tpu.memref_squeeze %dma_start3A_113 : memref<1x128xi32, #tpu.memory_space<vmem>> -> memref<128xi32, #tpu.memory_space<vmem>>
      %dma_start3A_115 = arith.constant 0 : i32
      %dma_start3A_116 = arith.constant 0 : i32
      %dma_start3A_117 = tpu.memref_slice %arg10[%dma_start3A_115, %dma_start3A_116] : memref<10128x64xf32, #tpu.memory_space<vmem_shared>> -> memref<10128x64xf32, #tpu.memory_space<vmem_shared>>
      tpu.enqueue_indirect_dma source(%dma_start3A_111 : memref<128x64xf32, #tpu.memory_space<vmem>>) target(%dma_start3A_117 : memref<10128x64xf32, #tpu.memory_space<vmem_shared>>) offsets(%dma_start3A_114 : memref<128xi32, #tpu.memory_space<vmem>>) semaphore(%arg12 : memref<!tpu.dma_semaphore, #tpu.memory_space<semaphore_mem>>) {add = true}
    }
    %scan3A_50 = arith.constant 158 : i32
    %dma_wait3A = arith.constant 1 : i32
    %dma_wait3A_51 = arith.constant 156 : i32
    %dma_wait3A_52 = arith.constant 0 : i32
    %dma_wait3A_53 = arith.constant 0 : i32
    %dma_wait3A_54 = tpu.memref_slice %arg9[%dma_wait3A, %dma_wait3A_52, %dma_wait3A_53] : memref<5x128x64xf32, #tpu.memory_space<vmem>> -> memref<1x128x64xf32, #tpu.memory_space<vmem>>
    %dma_wait3A_55 = tpu.memref_squeeze %dma_wait3A_54 : memref<1x128x64xf32, #tpu.memory_space<vmem>> -> memref<128x64xf32, #tpu.memory_space<vmem>>
    %dma_wait3A_56 = arith.constant 0 : i32
    %dma_wait3A_57 = tpu.memref_slice %arg8[%dma_wait3A_51, %dma_wait3A_56] : memref<158x128xi32, #tpu.memory_space<vmem>> -> memref<1x128xi32, #tpu.memory_space<vmem>>
    %dma_wait3A_58 = tpu.memref_squeeze %dma_wait3A_57 : memref<1x128xi32, #tpu.memory_space<vmem>> -> memref<128xi32, #tpu.memory_space<vmem>>
    %dma_wait3A_59 = arith.constant 0 : i32
    %dma_wait3A_60 = arith.constant 0 : i32
    %dma_wait3A_61 = tpu.memref_slice %arg10[%dma_wait3A_59, %dma_wait3A_60] : memref<10128x64xf32, #tpu.memory_space<vmem_shared>> -> memref<10128x64xf32, #tpu.memory_space<vmem_shared>>
    tpu.wait_indirect_dma semaphore(%arg12 : memref<!tpu.dma_semaphore, #tpu.memory_space<semaphore_mem>>) src(%dma_wait3A_55 : memref<128x64xf32, #tpu.memory_space<vmem>>) dst(%dma_wait3A_61 : memref<10128x64xf32, #tpu.memory_space<vmem_shared>>)
    %dma_wait3A_62 = arith.constant 2 : i32
    %dma_wait3A_63 = arith.constant 157 : i32
    %dma_wait3A_64 = arith.constant 0 : i32
    %dma_wait3A_65 = arith.constant 0 : i32
    %dma_wait3A_66 = tpu.memref_slice %arg9[%dma_wait3A_62, %dma_wait3A_64, %dma_wait3A_65] : memref<5x128x64xf32, #tpu.memory_space<vmem>> -> memref<1x128x64xf32, #tpu.memory_space<vmem>>
    %dma_wait3A_67 = tpu.memref_squeeze %dma_wait3A_66 : memref<1x128x64xf32, #tpu.memory_space<vmem>> -> memref<128x64xf32, #tpu.memory_space<vmem>>
    %dma_wait3A_68 = arith.constant 0 : i32
    %dma_wait3A_69 = tpu.memref_slice %arg8[%dma_wait3A_63, %dma_wait3A_68] : memref<158x128xi32, #tpu.memory_space<vmem>> -> memref<1x128xi32, #tpu.memory_space<vmem>>
    %dma_wait3A_70 = tpu.memref_squeeze %dma_wait3A_69 : memref<1x128xi32, #tpu.memory_space<vmem>> -> memref<128xi32, #tpu.memory_space<vmem>>
    %dma_wait3A_71 = arith.constant 0 : i32
    %dma_wait3A_72 = arith.constant 0 : i32
    %dma_wait3A_73 = tpu.memref_slice %arg10[%dma_wait3A_71, %dma_wait3A_72] : memref<10128x64xf32, #tpu.memory_space<vmem_shared>> -> memref<10128x64xf32, #tpu.memory_space<vmem_shared>>
    tpu.wait_indirect_dma semaphore(%arg12 : memref<!tpu.dma_semaphore, #tpu.memory_space<semaphore_mem>>) src(%dma_wait3A_67 : memref<128x64xf32, #tpu.memory_space<vmem>>) dst(%dma_wait3A_73 : memref<10128x64xf32, #tpu.memory_space<vmem_shared>>)
    %barrier3A_74 = arith.constant 0 : index
    tpu.barrier barrier_id(%barrier3A_74)
    %mul3A_75 = arith.constant 633 : i32
    %mul3A_76 = arith.muli %arg1, %mul3A_75 : i32
    %mul3A_77 = arith.constant 633 : i32
    %mul3A_78 = arith.muli %arg1, %mul3A_77 : i32
    "tpu.region"() ({
      %run_scoped3A = tpu.sem_alloc : memref<!tpu.dma_semaphore, #tpu.memory_space<semaphore_mem>>
      %dma_start3A_79 = arith.constant 0 : i32
      %dma_start3A_80 = tpu.memref_slice %arg6[%arg0, %mul3A_78, %dma_start3A_79] : memref<2x10128x64xf32, #tpu.memory_space<hbm>> -> memref<1x633x64xf32, #tpu.memory_space<hbm>>
      %dma_start3A_81 = tpu.memref_squeeze %dma_start3A_80 : memref<1x633x64xf32, #tpu.memory_space<hbm>> -> memref<633x64xf32, #tpu.memory_space<hbm>>
      %dma_start3A_82 = arith.constant 0 : i32
      %dma_start3A_83 = tpu.memref_slice %arg10[%mul3A_76, %dma_start3A_82] : memref<10128x64xf32, #tpu.memory_space<vmem_shared>> -> memref<633x64xf32, #tpu.memory_space<vmem_shared>>
      tpu.enqueue_dma source(%dma_start3A_83 : memref<633x64xf32, #tpu.memory_space<vmem_shared>>) target(%dma_start3A_81 : memref<633x64xf32, #tpu.memory_space<hbm>>) target_semaphore(%run_scoped3A : memref<!tpu.dma_semaphore, #tpu.memory_space<semaphore_mem>>)
      %dma_wait3A_84 = arith.constant 0 : i32
      %dma_wait3A_85 = tpu.memref_slice %arg6[%arg0, %mul3A_78, %dma_wait3A_84] : memref<2x10128x64xf32, #tpu.memory_space<hbm>> -> memref<1x633x64xf32, #tpu.memory_space<hbm>>
      %dma_wait3A_86 = tpu.memref_squeeze %dma_wait3A_85 : memref<1x633x64xf32, #tpu.memory_space<hbm>> -> memref<633x64xf32, #tpu.memory_space<hbm>>
      %dma_wait3A_87 = arith.constant 0 : i32
      %dma_wait3A_88 = tpu.memref_slice %arg10[%mul3A_76, %dma_wait3A_87] : memref<10128x64xf32, #tpu.memory_space<vmem_shared>> -> memref<633x64xf32, #tpu.memory_space<vmem_shared>>
      tpu.wait_dma2 semaphore(%run_scoped3A : memref<!tpu.dma_semaphore, #tpu.memory_space<semaphore_mem>>) src(%dma_wait3A_88 : memref<633x64xf32, #tpu.memory_space<vmem_shared>>) dst(%dma_wait3A_86 : memref<633x64xf32, #tpu.memory_space<hbm>>)
      tpu.yield
    }) : () -> ()
    return
  }
}

module attributes {stable_mosaic.version = 14 : i64} {
  func.func @_mmh0_body(%arg0: i32, %arg1: memref<2000x128xf32, #tpu.memory_space<vmem>>, %arg2: memref<128x128xf32, #tpu.memory_space<vmem>>, %arg3: memref<1x128xf32, #tpu.memory_space<vmem>>, %arg4: memref<2000x128xf32, #tpu.memory_space<vmem>>) attributes {dimension_semantics = [#tpu.dimension_semantics<arbitrary>], iteration_bounds = array<i64: 5>, scalar_prefetch = 0 : i64, scratch_operands = 0 : i64, tpu.core_type = #tpu.core_type<tc>, window_params = [{transform_indices = @transform_0, window_bounds = array<i64: 2000, 128>}, {pipeline_mode = #tpu.pipeline_mode<synchronous>, transform_indices = @transform_1, window_bounds = array<i64: 128, 128>}, {pipeline_mode = #tpu.pipeline_mode<synchronous>, transform_indices = @transform_2, window_bounds = array<i64: 1, 128>}, {transform_indices = @transform_3, window_bounds = array<i64: 2000, 128>}]} {
    %get3A = arith.constant 0 : index
    %get3A_0 = arith.constant 0 : index
    %get3A_1 = vector.load %arg1[%get3A, %get3A_0] : memref<2000x128xf32, #tpu.memory_space<vmem>>, vector<2000x128xf32>
    %get3A_2 = arith.constant 0 : index
    %get3A_3 = arith.constant 0 : index
    %get3A_4 = vector.load %arg2[%get3A_2, %get3A_3] : memref<128x128xf32, #tpu.memory_space<vmem>>, vector<128x128xf32>
    %dot_general3A = arith.constant dense<0.000000e+00> : vector<2000x128xf32>
    %dot_general3A_5 = tpu.matmul %get3A_1, %get3A_4, %dot_general3A {dimension_numbers = #tpu.dot_dimension_numbers<[1], [0], [0], [1], [0, 0, 1, 1], [], []>, transpose_lhs_hint = false} : vector<2000x128xf32>, vector<128x128xf32>, vector<2000x128xf32> -> vector<2000x128xf32>
    %get3A_6 = arith.constant 0 : index
    %get3A_7 = arith.constant 0 : index
    %get3A_8 = vector.load %arg3[%get3A_6, %get3A_7] : memref<1x128xf32, #tpu.memory_space<vmem>>, vector<1x128xf32>
    %add3A = vector.broadcast %get3A_8 : vector<1x128xf32> to vector<2000x128xf32>
    %add3A_9 = arith.addf %dot_general3A_5, %add3A : vector<2000x128xf32>
    %max3A = arith.constant 0.000000e+00 : f32
    %max3A_10 = vector.broadcast %max3A : f32 to vector<2000x128xf32>
    %max3A_11 = arith.maximumf %add3A_9, %max3A_10 : vector<2000x128xf32>
    %swap3A = arith.constant 0 : index
    %swap3A_12 = arith.constant 0 : index
    %swap3A_13 = vector.load %arg4[%swap3A, %swap3A_12] : memref<2000x128xf32, #tpu.memory_space<vmem>>, vector<2000x128xf32>
    tpu.vector_store %arg4[%swap3A, %swap3A_12], %max3A_11 {strides = array<i32>} : memref<2000x128xf32, #tpu.memory_space<vmem>>, vector<2000x128xf32>,
    return
  }
  func.func @transform_0(%arg0: i32) -> (i32, i32) {
    %c0_i32 = arith.constant 0 : i32
    %c0_i32_0 = arith.constant 0 : i32
    return %arg0, %c0_i32 : i32, i32
  }
  func.func @transform_1(%arg0: i32) -> (i32, i32) {
    %c0_i32 = arith.constant 0 : i32
    %c0_i32_0 = arith.constant 0 : i32
    %c0_i32_1 = arith.constant 0 : i32
    return %c0_i32, %c0_i32_0 : i32, i32
  }
  func.func @transform_2(%arg0: i32) -> (i32, i32) {
    %c0_i32 = arith.constant 0 : i32
    %c0_i32_0 = arith.constant 0 : i32
    %c0_i32_1 = arith.constant 0 : i32
    return %c0_i32, %c0_i32_0 : i32, i32
  }
  func.func @transform_3(%arg0: i32) -> (i32, i32) {
    %c0_i32 = arith.constant 0 : i32
    %c0_i32_0 = arith.constant 0 : i32
    return %arg0, %c0_i32 : i32, i32
  }
}

module attributes {stable_mosaic.version = 14 : i64} {
  func.func @_mmA_body(%arg0: i32, %arg1: memref<2000x128xf32, #tpu.memory_space<vmem>>, %arg2: memref<2x128x64xf32, #tpu.memory_space<vmem>>, %arg3: memref<2000x2xf32, #tpu.memory_space<vmem>>, %arg4: memref<2000x1xf32, #tpu.memory_space<vmem>>, %arg5: memref<2x2000x64xf32, #tpu.memory_space<vmem>>) attributes {dimension_semantics = [#tpu.dimension_semantics<arbitrary>], iteration_bounds = array<i64: 5>, scalar_prefetch = 0 : i64, scratch_operands = 0 : i64, tpu.core_type = #tpu.core_type<tc>, window_params = [{transform_indices = @transform_0, window_bounds = array<i64: 2000, 128>}, {pipeline_mode = #tpu.pipeline_mode<synchronous>, transform_indices = @transform_1, window_bounds = array<i64: 2, 128, 64>}, {transform_indices = @transform_2, window_bounds = array<i64: 2000, 2>}, {transform_indices = @transform_3, window_bounds = array<i64: 2000, 1>}, {transform_indices = @transform_4, window_bounds = array<i64: 2, 2000, 64>}]} {
    %get3A = arith.constant 0 : index
    %get3A_0 = arith.constant 0 : index
    %get3A_1 = vector.load %arg1[%get3A, %get3A_0] : memref<2000x128xf32, #tpu.memory_space<vmem>>, vector<2000x128xf32>
    %get3A_2 = arith.constant 0 : index
    %get3A_3 = arith.constant 0 : index
    %get3A_4 = vector.load %arg3[%get3A_2, %get3A_3] : memref<2000x2xf32, #tpu.memory_space<vmem>>, vector<2000x2xf32>
    %reduce_sum3A = arith.constant dense<0.000000e+00> : vector<2000xf32>
    %reduce_sum3A_5 = vector.multi_reduction <add>, %get3A_4, %reduce_sum3A [1] : vector<2000x2xf32> to vector<2000xf32>
    %broadcast_in_dim3A = vector.shape_cast %reduce_sum3A_5 : vector<2000xf32> to vector<2000x1xf32>
    %gt3A = arith.constant 0.000000e+00 : f32
    %gt3A_6 = vector.broadcast %gt3A : f32 to vector<2000x1xf32>
    %gt3A_7 = arith.cmpf ogt, %broadcast_in_dim3A, %gt3A_6 : vector<2000x1xf32>
    %rsqrt3A = math.rsqrt %broadcast_in_dim3A : vector<2000x1xf32>
    %jit3A = arith.constant 0.000000e+00 : f32
    %broadcast_in_dim3A_8 = vector.broadcast %jit3A : f32 to vector<2000x1xf32>
    %select_n3A = arith.select %gt3A_7, %rsqrt3A, %broadcast_in_dim3A_8 : vector<2000x1xi1>, vector<2000x1xf32>
    %swap3A = arith.constant 0 : index
    %swap3A_9 = arith.constant 0 : index
    %swap3A_10 = vector.load %arg4[%swap3A, %swap3A_9] : memref<2000x1xf32, #tpu.memory_space<vmem>>, vector<2000x1xf32>
    tpu.vector_store %arg4[%swap3A, %swap3A_9], %select_n3A {strides = array<i32>} : memref<2000x1xf32, #tpu.memory_space<vmem>>, vector<2000x1xf32>,
    %get3A_11 = arith.constant 0 : index
    %get3A_12 = arith.constant 0 : index
    %get3A_13 = arith.constant 0 : index
    %get3A_14 = vector.load %arg2[%get3A_11, %get3A_12, %get3A_13] : memref<2x128x64xf32, #tpu.memory_space<vmem>>, vector<1x128x64xf32>
    %get3A_15 = vector.shape_cast %get3A_14 : vector<1x128x64xf32> to vector<128x64xf32>
    %dot_general3A = arith.constant dense<0.000000e+00> : vector<2000x64xf32>
    %dot_general3A_16 = tpu.matmul %get3A_1, %get3A_15, %dot_general3A {dimension_numbers = #tpu.dot_dimension_numbers<[1], [0], [0], [1], [0, 0, 1, 1], [], []>, transpose_lhs_hint = false} : vector<2000x128xf32>, vector<128x64xf32>, vector<2000x64xf32> -> vector<2000x64xf32>
    %mul3A = vector.broadcast %select_n3A : vector<2000x1xf32> to vector<2000x64xf32>
    %mul3A_17 = arith.mulf %dot_general3A_16, %mul3A : vector<2000x64xf32>
    %get3A_18 = arith.constant 1 : index
    %get3A_19 = arith.constant 0 : index
    %get3A_20 = arith.constant 0 : index
    %get3A_21 = vector.load %arg2[%get3A_18, %get3A_19, %get3A_20] : memref<2x128x64xf32, #tpu.memory_space<vmem>>, vector<1x128x64xf32>
    %get3A_22 = vector.shape_cast %get3A_21 : vector<1x128x64xf32> to vector<128x64xf32>
    %dot_general3A_23 = arith.constant dense<0.000000e+00> : vector<2000x64xf32>
    %dot_general3A_24 = tpu.matmul %get3A_1, %get3A_22, %dot_general3A_23 {dimension_numbers = #tpu.dot_dimension_numbers<[1], [0], [0], [1], [0, 0, 1, 1], [], []>, transpose_lhs_hint = false} : vector<2000x128xf32>, vector<128x64xf32>, vector<2000x64xf32> -> vector<2000x64xf32>
    %mul3A_25 = vector.broadcast %select_n3A : vector<2000x1xf32> to vector<2000x64xf32>
    %mul3A_26 = arith.mulf %dot_general3A_24, %mul3A_25 : vector<2000x64xf32>
    %stack3A = vector.shape_cast %mul3A_17 : vector<2000x64xf32> to vector<1x2000x64xf32>
    %stack3A_27 = vector.shape_cast %mul3A_26 : vector<2000x64xf32> to vector<1x2000x64xf32>
    %stack3A_28 = tpu.concatenate %stack3A, %stack3A_27 in 0 : vector<1x2000x64xf32>, vector<1x2000x64xf32> -> vector<2x2000x64xf32>
    %swap3A_29 = arith.constant 0 : index
    %swap3A_30 = arith.constant 0 : index
    %swap3A_31 = arith.constant 0 : index
    %swap3A_32 = vector.load %arg5[%swap3A_29, %swap3A_30, %swap3A_31] : memref<2x2000x64xf32, #tpu.memory_space<vmem>>, vector<2x2000x64xf32>
    tpu.vector_store %arg5[%swap3A_29, %swap3A_30, %swap3A_31], %stack3A_28 {strides = array<i32>} : memref<2x2000x64xf32, #tpu.memory_space<vmem>>, vector<2x2000x64xf32>,
    return
  }
  func.func @transform_0(%arg0: i32) -> (i32, i32) {
    %c0_i32 = arith.constant 0 : i32
    %c0_i32_0 = arith.constant 0 : i32
    return %arg0, %c0_i32 : i32, i32
  }
  func.func @transform_1(%arg0: i32) -> (i32, i32, i32) {
    %c0_i32 = arith.constant 0 : i32
    %c0_i32_0 = arith.constant 0 : i32
    %c0_i32_1 = arith.constant 0 : i32
    %c0_i32_2 = arith.constant 0 : i32
    return %c0_i32, %c0_i32_0, %c0_i32_1 : i32, i32, i32
  }
  func.func @transform_2(%arg0: i32) -> (i32, i32) {
    %c0_i32 = arith.constant 0 : i32
    %c0_i32_0 = arith.constant 0 : i32
    return %arg0, %c0_i32 : i32, i32
  }
  func.func @transform_3(%arg0: i32) -> (i32, i32) {
    %c0_i32 = arith.constant 0 : i32
    %c0_i32_0 = arith.constant 0 : i32
    return %arg0, %c0_i32 : i32, i32
  }
  func.func @transform_4(%arg0: i32) -> (i32, i32, i32) {
    %c0_i32 = arith.constant 0 : i32
    %c0_i32_0 = arith.constant 0 : i32
    %c0_i32_1 = arith.constant 0 : i32
    return %c0_i32, %arg0, %c0_i32_0 : i32, i32, i32
  }
}

module attributes {stable_mosaic.version = 14 : i64} {
  func.func @_mmB_body(%arg0: i32, %arg1: memref<1x2000x64xf32, #tpu.memory_space<vmem>>, %arg2: memref<1x2000x64xf32, #tpu.memory_space<vmem>>, %arg3: memref<2000x1xf32, #tpu.memory_space<vmem>>, %arg4: memref<1x128xf32, #tpu.memory_space<vmem>>, %arg5: memref<2x128x64xf32, #tpu.memory_space<vmem>>, %arg6: memref<2000x128xf32, #tpu.memory_space<vmem>>, %arg7: memref<2x2000x64xf32, #tpu.memory_space<vmem>>) attributes {dimension_semantics = [#tpu.dimension_semantics<arbitrary>], iteration_bounds = array<i64: 5>, scalar_prefetch = 0 : i64, scratch_operands = 0 : i64, tpu.core_type = #tpu.core_type<tc>, window_params = [{transform_indices = @transform_0, window_bounds = array<i64: 1, 2000, 64>}, {transform_indices = @transform_1, window_bounds = array<i64: 1, 2000, 64>}, {transform_indices = @transform_2, window_bounds = array<i64: 2000, 1>}, {pipeline_mode = #tpu.pipeline_mode<synchronous>, transform_indices = @transform_3, window_bounds = array<i64: 1, 128>}, {pipeline_mode = #tpu.pipeline_mode<synchronous>, transform_indices = @transform_4, window_bounds = array<i64: 2, 128, 64>}, {transform_indices = @transform_5, window_bounds = array<i64: 2000, 128>}, {transform_indices = @transform_6, window_bounds = array<i64: 2, 2000, 64>}]} {
    %get3A = arith.constant 0 : index
    %get3A_0 = arith.constant 0 : index
    %get3A_1 = vector.load %arg3[%get3A, %get3A_0] : memref<2000x1xf32, #tpu.memory_space<vmem>>, vector<2000x1xf32>
    %get3A_2 = arith.constant 0 : index
    %get3A_3 = arith.constant 0 : index
    %get3A_4 = arith.constant 0 : index
    %get3A_5 = vector.load %arg1[%get3A_2, %get3A_3, %get3A_4] : memref<1x2000x64xf32, #tpu.memory_space<vmem>>, vector<1x2000x64xf32>
    %get3A_6 = vector.shape_cast %get3A_5 : vector<1x2000x64xf32> to vector<2000x64xf32>
    %get3A_7 = arith.constant 0 : index
    %get3A_8 = arith.constant 0 : index
    %get3A_9 = arith.constant 0 : index
    %get3A_10 = vector.load %arg2[%get3A_7, %get3A_8, %get3A_9] : memref<1x2000x64xf32, #tpu.memory_space<vmem>>, vector<1x2000x64xf32>
    %get3A_11 = vector.shape_cast %get3A_10 : vector<1x2000x64xf32> to vector<2000x64xf32>
    %concatenate3A = tpu.concatenate %get3A_6, %get3A_11 in 1 : vector<2000x64xf32>, vector<2000x64xf32> -> vector<2000x128xf32>
    %mul3A = vector.broadcast %get3A_1 : vector<2000x1xf32> to vector<2000x128xf32>
    %mul3A_12 = arith.mulf %concatenate3A, %mul3A : vector<2000x128xf32>
    %get3A_13 = arith.constant 0 : index
    %get3A_14 = arith.constant 0 : index
    %get3A_15 = vector.load %arg4[%get3A_13, %get3A_14] : memref<1x128xf32, #tpu.memory_space<vmem>>, vector<1x128xf32>
    %add3A = vector.broadcast %get3A_15 : vector<1x128xf32> to vector<2000x128xf32>
    %add3A_16 = arith.addf %mul3A_12, %add3A : vector<2000x128xf32>
    %max3A = arith.constant 0.000000e+00 : f32
    %max3A_17 = vector.broadcast %max3A : f32 to vector<2000x128xf32>
    %max3A_18 = arith.maximumf %add3A_16, %max3A_17 : vector<2000x128xf32>
    %swap3A = arith.constant 0 : index
    %swap3A_19 = arith.constant 0 : index
    %swap3A_20 = vector.load %arg6[%swap3A, %swap3A_19] : memref<2000x128xf32, #tpu.memory_space<vmem>>, vector<2000x128xf32>
    tpu.vector_store %arg6[%swap3A, %swap3A_19], %max3A_18 {strides = array<i32>} : memref<2000x128xf32, #tpu.memory_space<vmem>>, vector<2000x128xf32>,
    %get3A_21 = arith.constant 0 : index
    %get3A_22 = arith.constant 0 : index
    %get3A_23 = arith.constant 0 : index
    %get3A_24 = vector.load %arg5[%get3A_21, %get3A_22, %get3A_23] : memref<2x128x64xf32, #tpu.memory_space<vmem>>, vector<1x128x64xf32>
    %get3A_25 = vector.shape_cast %get3A_24 : vector<1x128x64xf32> to vector<128x64xf32>
    %dot_general3A = arith.constant dense<0.000000e+00> : vector<2000x64xf32>
    %dot_general3A_26 = tpu.matmul %max3A_18, %get3A_25, %dot_general3A {dimension_numbers = #tpu.dot_dimension_numbers<[1], [0], [0], [1], [0, 0, 1, 1], [], []>, transpose_lhs_hint = false} : vector<2000x128xf32>, vector<128x64xf32>, vector<2000x64xf32> -> vector<2000x64xf32>
    %mul3A_27 = vector.broadcast %get3A_1 : vector<2000x1xf32> to vector<2000x64xf32>
    %mul3A_28 = arith.mulf %dot_general3A_26, %mul3A_27 : vector<2000x64xf32>
    %get3A_29 = arith.constant 1 : index
    %get3A_30 = arith.constant 0 : index
    %get3A_31 = arith.constant 0 : index
    %get3A_32 = vector.load %arg5[%get3A_29, %get3A_30, %get3A_31] : memref<2x128x64xf32, #tpu.memory_space<vmem>>, vector<1x128x64xf32>
    %get3A_33 = vector.shape_cast %get3A_32 : vector<1x128x64xf32> to vector<128x64xf32>
    %dot_general3A_34 = arith.constant dense<0.000000e+00> : vector<2000x64xf32>
    %dot_general3A_35 = tpu.matmul %max3A_18, %get3A_33, %dot_general3A_34 {dimension_numbers = #tpu.dot_dimension_numbers<[1], [0], [0], [1], [0, 0, 1, 1], [], []>, transpose_lhs_hint = false} : vector<2000x128xf32>, vector<128x64xf32>, vector<2000x64xf32> -> vector<2000x64xf32>
    %mul3A_36 = vector.broadcast %get3A_1 : vector<2000x1xf32> to vector<2000x64xf32>
    %mul3A_37 = arith.mulf %dot_general3A_35, %mul3A_36 : vector<2000x64xf32>
    %stack3A = vector.shape_cast %mul3A_28 : vector<2000x64xf32> to vector<1x2000x64xf32>
    %stack3A_38 = vector.shape_cast %mul3A_37 : vector<2000x64xf32> to vector<1x2000x64xf32>
    %stack3A_39 = tpu.concatenate %stack3A, %stack3A_38 in 0 : vector<1x2000x64xf32>, vector<1x2000x64xf32> -> vector<2x2000x64xf32>
    %swap3A_40 = arith.constant 0 : index
    %swap3A_41 = arith.constant 0 : index
    %swap3A_42 = arith.constant 0 : index
    %swap3A_43 = vector.load %arg7[%swap3A_40, %swap3A_41, %swap3A_42] : memref<2x2000x64xf32, #tpu.memory_space<vmem>>, vector<2x2000x64xf32>
    tpu.vector_store %arg7[%swap3A_40, %swap3A_41, %swap3A_42], %stack3A_39 {strides = array<i32>} : memref<2x2000x64xf32, #tpu.memory_space<vmem>>, vector<2x2000x64xf32>,
    return
  }
  func.func @transform_0(%arg0: i32) -> (i32, i32, i32) {
    %c0_i32 = arith.constant 0 : i32
    %c0_i32_0 = arith.constant 0 : i32
    %c0_i32_1 = arith.constant 0 : i32
    return %c0_i32, %arg0, %c0_i32_0 : i32, i32, i32
  }
  func.func @transform_1(%arg0: i32) -> (i32, i32, i32) {
    %c1_i32 = arith.constant 1 : i32
    %c0_i32 = arith.constant 0 : i32
    %c0_i32_0 = arith.constant 0 : i32
    return %c1_i32, %arg0, %c0_i32 : i32, i32, i32
  }
  func.func @transform_2(%arg0: i32) -> (i32, i32) {
    %c0_i32 = arith.constant 0 : i32
    %c0_i32_0 = arith.constant 0 : i32
    return %arg0, %c0_i32 : i32, i32
  }
  func.func @transform_3(%arg0: i32) -> (i32, i32) {
    %c0_i32 = arith.constant 0 : i32
    %c0_i32_0 = arith.constant 0 : i32
    %c0_i32_1 = arith.constant 0 : i32
    return %c0_i32, %c0_i32_0 : i32, i32
  }
  func.func @transform_4(%arg0: i32) -> (i32, i32, i32) {
    %c0_i32 = arith.constant 0 : i32
    %c0_i32_0 = arith.constant 0 : i32
    %c0_i32_1 = arith.constant 0 : i32
    %c0_i32_2 = arith.constant 0 : i32
    return %c0_i32, %c0_i32_0, %c0_i32_1 : i32, i32, i32
  }
  func.func @transform_5(%arg0: i32) -> (i32, i32) {
    %c0_i32 = arith.constant 0 : i32
    %c0_i32_0 = arith.constant 0 : i32
    return %arg0, %c0_i32 : i32, i32
  }
  func.func @transform_6(%arg0: i32) -> (i32, i32, i32) {
    %c0_i32 = arith.constant 0 : i32
    %c0_i32_0 = arith.constant 0 : i32
    %c0_i32_1 = arith.constant 0 : i32
    return %c0_i32, %arg0, %c0_i32_0 : i32, i32, i32
  }
}

module attributes {stable_mosaic.version = 14 : i64} {
  func.func @_mmC_body(%arg0: i32, %arg1: memref<1x2000x64xf32, #tpu.memory_space<vmem>>, %arg2: memref<1x2000x64xf32, #tpu.memory_space<vmem>>, %arg3: memref<2000x1xf32, #tpu.memory_space<vmem>>, %arg4: memref<1x128xf32, #tpu.memory_space<vmem>>, %arg5: memref<2000x128xf32, #tpu.memory_space<vmem>>, %arg6: memref<2000x128xf32, #tpu.memory_space<vmem>>, %arg7: memref<128x64xf32, #tpu.memory_space<vmem>>, %arg8: memref<128x64xf32, #tpu.memory_space<vmem>>, %arg9: memref<128x64xf32, #tpu.memory_space<vmem>>, %arg10: memref<1x64xf32, #tpu.memory_space<vmem>>, %arg11: memref<2000x64xf32, #tpu.memory_space<vmem>>) attributes {dimension_semantics = [#tpu.dimension_semantics<arbitrary>], iteration_bounds = array<i64: 5>, scalar_prefetch = 0 : i64, scratch_operands = 0 : i64, tpu.core_type = #tpu.core_type<tc>, window_params = [{transform_indices = @transform_0, window_bounds = array<i64: 1, 2000, 64>}, {transform_indices = @transform_1, window_bounds = array<i64: 1, 2000, 64>}, {transform_indices = @transform_2, window_bounds = array<i64: 2000, 1>}, {pipeline_mode = #tpu.pipeline_mode<synchronous>, transform_indices = @transform_3, window_bounds = array<i64: 1, 128>}, {transform_indices = @transform_4, window_bounds = array<i64: 2000, 128>}, {transform_indices = @transform_5, window_bounds = array<i64: 2000, 128>}, {pipeline_mode = #tpu.pipeline_mode<synchronous>, transform_indices = @transform_6, window_bounds = array<i64: 128, 64>}, {pipeline_mode = #tpu.pipeline_mode<synchronous>, transform_indices = @transform_7, window_bounds = array<i64: 128, 64>}, {pipeline_mode = #tpu.pipeline_mode<synchronous>, transform_indices = @transform_8, window_bounds = array<i64: 128, 64>}, {pipeline_mode = #tpu.pipeline_mode<synchronous>, transform_indices = @transform_9, window_bounds = array<i64: 1, 64>}, {transform_indices = @transform_10, window_bounds = array<i64: 2000, 64>}]} {
    %get3A = arith.constant 0 : index
    %get3A_0 = arith.constant 0 : index
    %get3A_1 = arith.constant 0 : index
    %get3A_2 = vector.load %arg1[%get3A, %get3A_0, %get3A_1] : memref<1x2000x64xf32, #tpu.memory_space<vmem>>, vector<1x2000x64xf32>
    %get3A_3 = vector.shape_cast %get3A_2 : vector<1x2000x64xf32> to vector<2000x64xf32>
    %get3A_4 = arith.constant 0 : index
    %get3A_5 = arith.constant 0 : index
    %get3A_6 = arith.constant 0 : index
    %get3A_7 = vector.load %arg2[%get3A_4, %get3A_5, %get3A_6] : memref<1x2000x64xf32, #tpu.memory_space<vmem>>, vector<1x2000x64xf32>
    %get3A_8 = vector.shape_cast %get3A_7 : vector<1x2000x64xf32> to vector<2000x64xf32>
    %concatenate3A = tpu.concatenate %get3A_3, %get3A_8 in 1 : vector<2000x64xf32>, vector<2000x64xf32> -> vector<2000x128xf32>
    %get3A_9 = arith.constant 0 : index
    %get3A_10 = arith.constant 0 : index
    %get3A_11 = vector.load %arg3[%get3A_9, %get3A_10] : memref<2000x1xf32, #tpu.memory_space<vmem>>, vector<2000x1xf32>
    %mul3A = vector.broadcast %get3A_11 : vector<2000x1xf32> to vector<2000x128xf32>
    %mul3A_12 = arith.mulf %concatenate3A, %mul3A : vector<2000x128xf32>
    %get3A_13 = arith.constant 0 : index
    %get3A_14 = arith.constant 0 : index
    %get3A_15 = vector.load %arg4[%get3A_13, %get3A_14] : memref<1x128xf32, #tpu.memory_space<vmem>>, vector<1x128xf32>
    %add3A = vector.broadcast %get3A_15 : vector<1x128xf32> to vector<2000x128xf32>
    %add3A_16 = arith.addf %mul3A_12, %add3A : vector<2000x128xf32>
    %max3A = arith.constant 0.000000e+00 : f32
    %max3A_17 = vector.broadcast %max3A : f32 to vector<2000x128xf32>
    %max3A_18 = arith.maximumf %add3A_16, %max3A_17 : vector<2000x128xf32>
    %get3A_19 = arith.constant 0 : index
    %get3A_20 = arith.constant 0 : index
    %get3A_21 = vector.load %arg5[%get3A_19, %get3A_20] : memref<2000x128xf32, #tpu.memory_space<vmem>>, vector<2000x128xf32>
    %get3A_22 = arith.constant 0 : index
    %get3A_23 = arith.constant 0 : index
    %get3A_24 = vector.load %arg7[%get3A_22, %get3A_23] : memref<128x64xf32, #tpu.memory_space<vmem>>, vector<128x64xf32>
    %dot_general3A = arith.constant dense<0.000000e+00> : vector<2000x64xf32>
    %dot_general3A_25 = tpu.matmul %get3A_21, %get3A_24, %dot_general3A {dimension_numbers = #tpu.dot_dimension_numbers<[1], [0], [0], [1], [0, 0, 1, 1], [], []>, transpose_lhs_hint = false} : vector<2000x128xf32>, vector<128x64xf32>, vector<2000x64xf32> -> vector<2000x64xf32>
    %get3A_26 = arith.constant 0 : index
    %get3A_27 = arith.constant 0 : index
    %get3A_28 = vector.load %arg6[%get3A_26, %get3A_27] : memref<2000x128xf32, #tpu.memory_space<vmem>>, vector<2000x128xf32>
    %get3A_29 = arith.constant 0 : index
    %get3A_30 = arith.constant 0 : index
    %get3A_31 = vector.load %arg8[%get3A_29, %get3A_30] : memref<128x64xf32, #tpu.memory_space<vmem>>, vector<128x64xf32>
    %dot_general3A_32 = arith.constant dense<0.000000e+00> : vector<2000x64xf32>
    %dot_general3A_33 = tpu.matmul %get3A_28, %get3A_31, %dot_general3A_32 {dimension_numbers = #tpu.dot_dimension_numbers<[1], [0], [0], [1], [0, 0, 1, 1], [], []>, transpose_lhs_hint = false} : vector<2000x128xf32>, vector<128x64xf32>, vector<2000x64xf32> -> vector<2000x64xf32>
    %add3A_34 = arith.addf %dot_general3A_25, %dot_general3A_33 : vector<2000x64xf32>
    %get3A_35 = arith.constant 0 : index
    %get3A_36 = arith.constant 0 : index
    %get3A_37 = vector.load %arg9[%get3A_35, %get3A_36] : memref<128x64xf32, #tpu.memory_space<vmem>>, vector<128x64xf32>
    %dot_general3A_38 = arith.constant dense<0.000000e+00> : vector<2000x64xf32>
    %dot_general3A_39 = tpu.matmul %max3A_18, %get3A_37, %dot_general3A_38 {dimension_numbers = #tpu.dot_dimension_numbers<[1], [0], [0], [1], [0, 0, 1, 1], [], []>, transpose_lhs_hint = false} : vector<2000x128xf32>, vector<128x64xf32>, vector<2000x64xf32> -> vector<2000x64xf32>
    %add3A_40 = arith.addf %add3A_34, %dot_general3A_39 : vector<2000x64xf32>
    %get3A_41 = arith.constant 0 : index
    %get3A_42 = arith.constant 0 : index
    %get3A_43 = vector.load %arg10[%get3A_41, %get3A_42] : memref<1x64xf32, #tpu.memory_space<vmem>>, vector<1x64xf32>
    %add3A_44 = vector.broadcast %get3A_43 : vector<1x64xf32> to vector<2000x64xf32>
    %add3A_45 = arith.addf %add3A_40, %add3A_44 : vector<2000x64xf32>
    %swap3A = arith.constant 0 : index
    %swap3A_46 = arith.constant 0 : index
    %swap3A_47 = vector.load %arg11[%swap3A, %swap3A_46] : memref<2000x64xf32, #tpu.memory_space<vmem>>, vector<2000x64xf32>
    tpu.vector_store %arg11[%swap3A, %swap3A_46], %add3A_45 {strides = array<i32>} : memref<2000x64xf32, #tpu.memory_space<vmem>>, vector<2000x64xf32>,
    return
  }
  func.func @transform_0(%arg0: i32) -> (i32, i32, i32) {
    %c0_i32 = arith.constant 0 : i32
    %c0_i32_0 = arith.constant 0 : i32
    %c0_i32_1 = arith.constant 0 : i32
    return %c0_i32, %arg0, %c0_i32_0 : i32, i32, i32
  }
  func.func @transform_1(%arg0: i32) -> (i32, i32, i32) {
    %c1_i32 = arith.constant 1 : i32
    %c0_i32 = arith.constant 0 : i32
    %c0_i32_0 = arith.constant 0 : i32
    return %c1_i32, %arg0, %c0_i32 : i32, i32, i32
  }
  func.func @transform_2(%arg0: i32) -> (i32, i32) {
    %c0_i32 = arith.constant 0 : i32
    %c0_i32_0 = arith.constant 0 : i32
    return %arg0, %c0_i32 : i32, i32
  }
  func.func @transform_3(%arg0: i32) -> (i32, i32) {
    %c0_i32 = arith.constant 0 : i32
    %c0_i32_0 = arith.constant 0 : i32
    %c0_i32_1 = arith.constant 0 : i32
    return %c0_i32, %c0_i32_0 : i32, i32
  }
  func.func @transform_4(%arg0: i32) -> (i32, i32) {
    %c0_i32 = arith.constant 0 : i32
    %c0_i32_0 = arith.constant 0 : i32
    return %arg0, %c0_i32 : i32, i32
  }
  func.func @transform_5(%arg0: i32) -> (i32, i32) {
    %c0_i32 = arith.constant 0 : i32
    %c0_i32_0 = arith.constant 0 : i32
    return %arg0, %c0_i32 : i32, i32
  }
  func.func @transform_6(%arg0: i32) -> (i32, i32) {
    %c0_i32 = arith.constant 0 : i32
    %c0_i32_0 = arith.constant 0 : i32
    %c0_i32_1 = arith.constant 0 : i32
    return %c0_i32, %c0_i32_0 : i32, i32
  }
  func.func @transform_7(%arg0: i32) -> (i32, i32) {
    %c0_i32 = arith.constant 0 : i32
    %c0_i32_0 = arith.constant 0 : i32
    %c0_i32_1 = arith.constant 0 : i32
    return %c0_i32, %c0_i32_0 : i32, i32
  }
  func.func @transform_8(%arg0: i32) -> (i32, i32) {
    %c0_i32 = arith.constant 0 : i32
    %c0_i32_0 = arith.constant 0 : i32
    %c0_i32_1 = arith.constant 0 : i32
    return %c0_i32, %c0_i32_0 : i32, i32
  }
  func.func @transform_9(%arg0: i32) -> (i32, i32) {
    %c0_i32 = arith.constant 0 : i32
    %c0_i32_0 = arith.constant 0 : i32
    %c0_i32_1 = arith.constant 0 : i32
    return %c0_i32, %c0_i32_0 : i32, i32
  }
  func.func @transform_10(%arg0: i32) -> (i32, i32) {
    %c0_i32 = arith.constant 0 : i32
    %c0_i32_0 = arith.constant 0 : i32
    return %arg0, %c0_i32 : i32, i32
  }
}

</mosaic_0001>

<sc_bundles>
// kernel: kernel.12.cloned.1.call-start
scs
__scs_entry_jumppad:
0x0: {  	(pc) =	sbr.rel $0x88, $3  }
0x1: {  	(tag) =	ssettag $0x0;
	lr =	simm.s32 $0x1  }
0x2: {  	[smem:$0x3F97] =	sst lr;
	_ =	strace $0xD0000000  }
0x3: {  	_ = 	snop  }
0x4: {  	_ = 	snop  }
0x5: {  	_ = 	snop  }
0x6: {  	_ = 	snop  }
0x7: {  	_ = 	snop  }
__scs_overlays_trampoline_lowered:
0x8: {  	[smem:$0x3FA6] =	sst s0  }
0x9: {  	[smem:$0x3FA7] =	sst s1  }
0xa: {  	[smem:$0x3FA8] =	sst s2  }
0xb: {  	[smem:$0x3FA9] =	sst s3  }
0xc: {  	[smem:$0x3FAA] =	sst s4  }
0xd: {  	[smem:$0x3FAB] =	sst s5  }
0xe: {  	[smem:$0x3FAC] =	sst s6  }
0xf: {  	[smem:$0x3FAD] =	sst s7  }
0x10: {  	[smem:$0x3FAE] =	sst s8  }
0x11: {  	[smem:$0x3FAF] =	sst s9;
	s0 =	simm.s32 @!p0 $0x0  }
0x12: {  	s1 =	sld [smem:$0x3F95];
	s0 =	simm.s32 @p0 $0x1  }
0x13: {  	[smem:$0x3FB0] =	sst s0;
	s0 =	simm.s32 @!p1 $0x0  }
0x14: {  	s2 =	sld [smem:$0x3F94];
	s0 =	simm.s32 @p1 $0x1  }
0x15: {  	[smem:$0x3FB1] =	sst s0;
	s0 =	simm.s32 @!p2 $0x0  }
0x16: {  	s3 =	sld [smem:$0x3FDB];
	s0 =	simm.s32 @p2 $0x1  }
0x17: {  	s4 =	simm.s32 $0x1BF5;
	[smem:$0x3FB3] =	sst s0  }
0x18: {  	s0 =	sld [smem:$0x3F96];
	_ =	swait.ge [sflag:s4], $0x0  }
0x19: {  	s7 =	sld [smem:$0x3F97]  }
0x1a: {  	s8 =	sadd.s32 $0xFFFFE003, lr  }
0x1b: {  	s9 =	sadd.s32 $0xFFFFFEF7, lr;
	s5 =	simm.s32 $0xFFFFFFFF;
	p2 =	slt.u32 s8, $0xFFFFF086  }
0x1c: {  	p1 =	slt.u32 s9, $0xF7A;
	s5 =	simm.s32 @!p2 $0x0  }
0x1d: {  	s5 =	simm.s32 @p1 $0x1;
	p0 =	seq.s32 s7, s2  }
0x1e: {  	s7 =	smul.u32 @!p0 $0xF7A, s2;
	p2 =	seq.s32 @!p0 s5, $0x0  }
0x1f: {  	s9 =	smul.u32 $0xF7A, s1;
	s8 =	simm.s32 @!p0 $0x1BF5;
	p2 =	por !p2, p0  }
0x20: {  	[sflag:s8] =	ssyncset.s32 @!p0 $0xFFFFF086;
	s6 =	sadd.s32 @!p0 s3, s7;
	s7 =	simm.s32 @!p0 $0x108  }
0x21: {  	s3 =	sadd.s32 s3, s9;
	s6 =	sadd.s32 @!p0 $0x88, s6;
	s7 =	simm.s32 @p2 $0x1082  }
0x22: {  	[simem:s7], [sflag:s8] =	dma.local @!p0 [hbm:s6], $0xF7A  }
0x23: {  	s9 =	sor.u32 $0xD0000000, s2;
	s6 =	simm.s32 $0x108;
	_ =	swait.ge @!p0 [sflag:s8], $0x0  }
0x24: {  	s3 =	sadd.s32 $0x88, s3;
	s6 =	simm.s32 @!p1 $0x1082;
	[sflag:s4] =	ssyncset.s32 $0xFFFFF086  }
0x25: {  	[simem:s6], [sflag:s4] =	dma.local [hbm:s3], $0xF7A  }
0x26: {  	[smem:$0x3F97] =	sst s1;
	(tag) =	ssettag s2;
	_ =	strace s9  }
0x27: {  	s1 =	sld [smem:$0x3FA7]  }
0x28: {  	s2 =	sld [smem:$0x3FA8]  }
0x29: {  	s4 =	sld [smem:$0x3FAA]  }
0x2a: {  	p0 =	seq.s32 s5, $0x0;
	s5 =	sld [smem:$0x3FAB]  }
0x2b: {  	s6 =	sld [smem:$0x3FAC]  }
0x2c: {  	s7 =	sld [smem:$0x3FAD]  }
0x2d: {  	s3 =	simm.s32 $0x108;
	s8 =	sld [smem:$0x3FAE]  }
0x2e: {  	s3 =	simm.s32 @!p0 $0x1082;
	s9 =	sld [smem:$0x3FAF]  }
0x2f: {  	lr =	sadd.s32 s0, s3;
	s0 =	sld [smem:$0x3FA6]  }
0x30: {  	s3 =	sld [smem:$0x3FA9]  }
0x31: {  	[smem:$0x3FB2] =	sst s10  }
0x32: {  	s10 =	sld [smem:$0x3FB0];
	_ =	sdelay $0x3  }
0x33: {  	p0 =	seq.s32 s10, $0x1;
	s10 =	sld [smem:$0x3FB2];
	_ =	sdelay $0x3  }
0x34: {  	[smem:$0x3FB2] =	sst s10  }
0x35: {  	s10 =	sld [smem:$0x3FB1];
	_ =	sdelay $0x3  }
0x36: {  	p1 =	seq.s32 s10, $0x1;
	s10 =	sld [smem:$0x3FB2];
	_ =	sdelay $0x3  }
0x37: {  	[smem:$0x3FB2] =	sst s10  }
0x38: {  	s10 =	sld [smem:$0x3FB3]  }
0x39: {  	_ = 	snop;
	(pc) =	sbr.ind lr, $3  }
0x3a: {  	_ = 	snop  }
0x3b: {  	_ = 	snop  }
0x3c: {  	p2 =	seq.s32 s10, $0x1;
	s10 =	sld [smem:$0x3FB2]  }
0x3d: {  	_ =	shalt  }
0x3e: {  	_ =	shalt  }
0x3f: {  	_ =	shalt  }
0x40: {  	_ =	shalt  }
0x41: {  	_ =	shalt  }
0x42: {  	_ =	shalt  }
0x43: {  	_ =	shalt  }
0x44: {  	_ =	shalt  }
0x45: {  	_ =	shalt  }
0x46: {  	_ =	shalt  }
0x47: {  	_ =	shalt  }
0x48: {  	_ =	shalt  }
0x49: {  	_ =	shalt  }
0x4a: {  	_ =	shalt  }
0x4b: {  	_ =	shalt  }
0x4c: {  	_ =	shalt  }
0x4d: {  	_ =	shalt  }
0x4e: {  	_ =	shalt  }
0x4f: {  	_ =	shalt  }
0x50: {  	_ =	shalt  }
0x51: {  	_ =	shalt  }
0x52: {  	_ =	shalt  }
0x53: {  	_ =	shalt  }
0x54: {  	_ =	shalt  }
0x55: {  	_ =	shalt  }
0x56: {  	_ =	shalt  }
0x57: {  	_ =	shalt  }
0x58: {  	_ =	shalt  }
0x59: {  	_ =	shalt  }
0x5a: {  	_ =	shalt  }
0x5b: {  	_ =	shalt  }
0x5c: {  	_ =	shalt  }
0x5d: {  	_ =	shalt  }
0x5e: {  	_ =	shalt  }
0x5f: {  	_ =	shalt  }
0x60: {  	_ =	shalt  }
0x61: {  	_ =	shalt  }
0x62: {  	_ =	shalt  }
0x63: {  	_ =	shalt  }
0x64: {  	_ =	shalt  }
0x65: {  	_ =	shalt  }
0x66: {  	_ =	shalt  }
0x67: {  	_ =	shalt  }
0x68: {  	_ =	shalt  }
0x69: {  	_ =	shalt  }
0x6a: {  	_ =	shalt  }
0x6b: {  	_ =	shalt  }
0x6c: {  	_ =	shalt  }
0x6d: {  	_ =	shalt  }
0x6e: {  	_ =	shalt  }
0x6f: {  	_ =	shalt  }
0x70: {  	_ =	shalt  }
0x71: {  	_ =	shalt  }
0x72: {  	_ =	shalt  }
0x73: {  	_ =	shalt  }
0x74: {  	_ =	shalt  }
0x75: {  	_ =	shalt  }
0x76: {  	_ =	shalt  }
0x77: {  	_ =	shalt  }
0x78: {  	_ =	shalt  }
0x79: {  	_ =	shalt  }
0x7a: {  	_ =	shalt  }
0x7b: {  	_ =	shalt  }
0x7c: {  	_ =	shalt  }
0x7d: {  	_ =	shalt  }
0x7e: {  	_ =	shalt  }
0x7f: {  	_ =	shalt  }
0x80: {  	_ =	shalt  }
0x81: {  	_ =	shalt  }
0x82: {  	_ =	shalt  }
0x83: {  	_ =	shalt  }
0x84: {  	_ =	shalt  }
0x85: {  	_ =	shalt  }
0x86: {  	_ =	shalt  }
0x87: {  	_ =	shalt  }
.Lfunc_end0:
.L_simem_size_0:
called_computation.1_lowered:
.L_overlay_start_0:
0x88: {  	s2 =	sld [smem:$0x3FD9]  }
0x89: {  	s3 =	sld [smem:$0x3FFE];
	_ =	sdelay $0x1  }
0x8a: {  	s1 =	srdreg.scid  }
0x8b: {  	s0 =	sand.u32 $0x1, s1  }
0x8c: {  	s17 =	sshll.u32 s0, $0xA;
	s2 =	sadd.s32 s3, s2  }
0x8d: {  	s2 =	sadd.s32 s2, s17  }
0x8e: {  	[smem:$0x3FBE] =	sst s2  }
0x8f: {  	_ = 	snop  }
0x90: {  	s2 =	sld [smem:$0x3FD0];
	(tm) =	ssettm $0x1  }
0x91: {  	s18 =	sld [smem:$0x3FFB];
	_ =	sdelay $0x3  }
0x92: {  	_ =	strace s18  }
0x93: {  	s3 =	sld [smem:$0x3FFC];
	_ =	sdelay $0x3  }
0x94: {  	_ =	strace s3  }
0x95: {  	s3 =	sld [smem:$0x3FFD];
	_ =	sdelay $0x3  }
0x96: {  	_ =	strace s3  }
0x97: {  	_ =	strace $0x8FFFFFFF  }
0x98: {  	s19 =	sld [smem:$0x3FDB];
	_ =	sdelay $0x1  }
0x99: {  	s4 =	simm.s32 $_scs_section_size  }
0x9a: {  	s5 =	simm.s32 $_size__tile_overlayer_lowered;
	s6 =	simm.s32 $_tile_overlayer_lowered  }
0x9b: {  	s22 =	simm.s32 $0x1BFF;
	s21 =	sshll.u32 s6, $0x1;
	s3 =	sadd.s32 s4, s19  }
0x9c: {  	s7 =	simm.s32 $0x0;
	s20 =	sshll.u32 s5, $0x1;
	s5 =	sadd.s32 s21, s3  }
0x9d: {  	[timem:s7], [sflag:s22] =	dma.local [hbm:s5], s20  }
0x9e: {  	_ =	swait.ge [sflag:s22], s20  }
0x9f: {  	s4 =	ssub.s32 $0x0, s20;
	[sflag:s22] =	ssyncset.done $0x0  }
0xa0: {  	[sflag:s22] =	ssyncadd.s32 s4;
	_ =	sdelay $0x1  }
0xa1: {  	s23 =	simm.s32 $0x1B8B  }
0xa2: {  	_ =	swait.ge [sflag:s23], $0x1  }
0xa3: {  	[sflag:s23] =	ssyncset.done $0x0  }
0xa4: {  	s25 =	simm.s32 $0x1B8E;
	s24 =	sld [smem:$0x3FFE];
	[sflag:s23] =	ssyncadd.s32 $0xFFFFFFFF  }
0xa5: {  	s26 =	simm.s32 $execute0_lowered;
	[smem:$0x3FD2] =	sst s25  }
0xa6: {  	s5 =	sshll.u32 s26, $0x1;
	_ =	strace $0x80000049;
	[dreg:$0x1] =	wrdreg $0xFFFFFFFF  }
0xa7: {  	s28 =	simm.s32 $_size_execute0_lowered;
	s3 =	sadd.s32 s3, s5;
	[dreg:$0x0] =	wrdreg $0x0  }
0xa8: {  	s5 =	sshll.u32 s28, $0x1;
	[dreg:$0x2] =	wrdreg s3  }
0xa9: {  	[dreg:$0x3] =	wrdreg s5  }
0xaa: {  	[dreg:$0x4] =	wrdreg $0xC0  }
0xab: {  	_ =	task [dreg:s7], $0x5FFFF  }
0xac: {  	[dreg:$0x1] =	wrdreg $0xFFFFFFFF  }
0xad: {  	[dreg:$0x0] =	wrdreg $0x60  }
0xae: {  	[dreg:$0x2] =	wrdreg s24  }
0xaf: {  	[dreg:$0x3] =	wrdreg s2  }
0xb0: {  	[dreg:$0x4] =	wrdreg $0x13E000  }
0xb1: {  	[dreg:$0x5] =	wrdreg $0x9  }
0xb2: {  	_ =	task.clear_ibuf [dreg:s7], $0x6FFFF;
	_ =	strace $0x90000049  }
0xb3: {  	s29 =	simm.s32 $0x9;
	_ =	strace $0x8000004B  }
0xb4: {  	_ =	swait.ge [sflag:s29], $0x1  }
0xb5: {  	[sflag:s29] =	ssyncadd.s32 $0xFFFFFFFF  }
0xb6: {  	_ =	strace $0x9000004B  }
0xb7: {  	_ =	sfence  }
0xb8: {  	s30 =	sld [smem:$0x0];
	_ =	sdelay $0x2  }
0xb9: {  	s31 =	sshll.u32 s1, $0xD;
	s1 =	sshrl.u32 s1, $0x2  }
0xba: {  	s3 =	sand.u32 $0x4000, s31;
	s1 =	sadd.s32 s1, s30  }
0xbb: {  	s0 =	sor.u32 s3, s0;
	s1 =	sshll.u32 s1, $0x11  }
0xbc: {  	s0 =	sor.u32 s1, s0  }
0xbd: {  	s0 =	sadd.s32 $0x8F2B, s0  }
0xbe: {  	[sflag:s0] =	ssyncadd.remote.s32 $0x1  }
0xbf: {  	_ =	sfence.sel $0xFFFF  }
0xc0: {  	[dreg:$0x0] =	wrdreg $0xFFFFFFFF;
	(pc) =	sbr.abs _section_cstart, $3  }
0xc1: {  	[dreg:$0x1] =	wrdreg $0xFFFFFFFF  }
0xc2: {  	_ =	task.clear_ibuf [dreg:s7], $0x2FFFF;
	_ =	strace $0x9FFFFFFF  }
0xc3: {  	(tm) =	ssettm $0x7FFFFFFF  }
tec
execute0_lowered:
.L_overlay_start_1:
0x0: {  	(tag) =	ssettag $0x1  }
0x1: {  	s6 =	rddreg [dreg:$0x0]  }
0x2: {  	s7 =	rddreg [dreg:$0x1]  }
0x3: {  	s2 =	rddreg [dreg:$0x2]  }
0x4: {  	s0 =	rddreg [dreg:$0x3];
	s1 =	stileid.u32  }
0x5: {  	s4 =	srdreg.scid;
	s3 =	simm.s32 $0x0;
	s15 =	simm.s32 $0x9E00  }
0x6: {  	s16 =	simm.s32 $0xBE00;
	s17 =	simm.s32 $0x100;
	s18 =	simm.s32 $0xDE00  }
0x7: {  	s20 =	simm.s32 $0x2;
	s21 =	simm.s32 $0x0;
	s8 =	smul.u32 $0x9E0, s1  }
0x8: {  	s9 =	sand.u32 $0x1, s4;
	s10 =	smul.u32 $0x9E40, s1;
	[smem:$0x7FF] =	sst s3  }
0x9: {  	s4 =	sadd.s32 $0x5A800, s6;
	s31 =	sshll.u32 s1, $0x6;
	s5 =	smul.u32 $0x9E400, s9  }
0xa: {  	_ =	strace $0x8000004A;
	s13 =	ssub.s32 $0x2, s9;
	s19 =	smul.u32 $0x2710, s9  }
0xb: {  	s11 =	sadd.s32 s8, s6;
	s14 =	sshrl.u32 s13, $0x1;
	s7 =	sadd.s32 s7, s8  }
0xc: {  	s30 =	sadd.s32 s10, s2;
	s12 =	sadd.s32 s10, s5;
	s5 =	sadd.s32 $0xC600, s6  }
0xd: {  	s13 =	ssub.s32 s13, s14;
	s10 =	simm.s32 $0x3;
	s14 =	simm.s32 $0x80  }
0xe: {  	v0 =	vmov s19;
	s19 =	simm.s32 $0x1;
	s12 =	sshrl.u32 s12, $0x3;
	s9 =	smax.u32 s13, $0x1  }
0xf: {  	s13 =	sshrl.u32 s30, $0x3;
	s12 =	sadd.s32 s12, s6;
	s6 =	sadd.s32 $0x2800, s11  }
0x10: {  	s11 =	simm.s32 $0x4F00;
	s8 =	sadd.s32 $0xDA00, s12;
	s12 =	sor.u32 $0x1C03, s31  }
.LBB2_1:
0x11: {  	[tilespmem:s3], [sflag:$0x3] =	stream.linear.gather [hbm4b:s6+s3], $0x4F00, $0x38;
	[tilespmem:$0x1DC40] =	vst v63  }
0x12: {  	_ =	swait.ge [sflag:s10], $0x4F00  }
0x13: {  	[sflag:s10] =	ssyncset.done $0x0  }
0x14: {  	[sflag:s10] =	ssyncadd.s32 $0xFFFFB100  }
0x15: {  	[tilespmem:s11], [sflag:$0x3] =	stream.linear.gather [hbm4b:s7+s3], $0x4F00, $0x38;
	[tilespmem:$0x1DC40] =	vst v63  }
0x16: {  	_ =	swait.ge [sflag:s10], $0x4F00  }
0x17: {  	[sflag:s10] =	ssyncset.done $0x0  }
0x18: {  	s22 =	sand.u32 $0x7FF0, s3;
	s23 =	simm.s32 $0x10;
	[sflag:s10] =	ssyncadd.s32 $0xFFFFB100  }
.LBB2_2:
0x19: {  	p0 =	sne.s32 s23, $0x4EF0;
	v1 =	vld [tilespmem:s22+$0x0];
	_ =	sdelay $0x1  }
.Ltmp0:
0x1a: {  	(pc) =	sbr.rel @p0 .LBB2_2-.Ltmp0, $3  }
0x1b: {  	_ =	sdelay $0x1  }
0x1c: {  	v1 =	vadd.s32 v0, v1  }
0x1d: {  	[tilespmem:s22+$0x0] =	vst v1;
	s22 =	sand.u32 $0x7FF0, s23;
	s23 =	sadd.s32 $0x10, s23  }
0x1e: {  	v1 =	vld [tilespmem:s22+$0x0];
	_ =	sdelay $0x4  }
0x1f: {  	v1 =	vadd.s32 v0, v1  }
0x20: {  	[tilespmem:s22+$0x0] =	vst v1  }
0x21: {  	[spmem:s13], [sflag:s12] =	dma.local [hbm:s5], $0x13C8  }
0x22: {  	_ =	swait.ge [sflag:s10], $0x13C8  }
0x23: {  	[sflag:s10] =	ssyncset.done $0x0  }
0x24: {  	s22 =	simm.s32 $0x0;
	[sflag:s10] =	ssyncadd.s32 $0xFFFFEC38  }
0x25: {  	[tilespmem:s15], [sflag:$0x1] =	stream.indirect.gather [hbm4b:s4+s14], $0x40, s22, s14, $0xb8;
	[tilespmem:$0x1DC40] =	vst v63  }
0x26: {  	_ = 	snop  }
0x27: {  	[tilespmem:s16], [sflag:$0x1] =	stream.indirect.gather [hbm4b:s4+s14], $0x40, s14, s14, $0xb8;
	[tilespmem:$0x1DC40] =	vst v63  }
0x28: {  	_ = 	snop  }
0x29: {  	[tilespmem:s18], [sflag:$0x1] =	stream.indirect.gather [hbm4b:s4+s14], $0x40, s17, s14, $0xb8;
	[tilespmem:$0x1DC40] =	vst v63  }
0x2a: {  	s23 =	simm.s32 $0x4F00;
	s24 =	simm.s32 $0x180;
	[bflag:$0x0] =	sbarrier.arrive $0xFFFF  }
.LBB2_4:
0x2b: {  	p0 =	slt.u32 s22, $0x2  }
0x2c: {  	s25 =	simm.s32 @!p0 $0x2  }
0x2d: {  	p1 =	sgt.u32 @!p0 s22, $0x9A;
	_ =	swait.ge @!p0 [sflag:s25], $0x2000  }
0x2e: {  	p1 =	por p0, !p1;
	[sflag:s25] =	ssyncset.done @!p0 $0x0  }
0x2f: {  	[sflag:s25] =	ssyncadd.s32 @!p0 $0xFFFFE000;
	s25 =	sadd.s32 @p1 $0x3, s22  }
0x30: {  	s26 =	smul.u32 @p1 $0xCD, s25;
	_ =	sdelay $0x1  }
0x31: {  	s26 =	sshrl.u32 @p1 s26, $0xA  }
0x32: {  	s26 =	sand.u32 @p1 $0x3F, s26  }
0x33: {  	s26 =	smul.u32 @p1 $0x5, s26;
	_ =	sdelay $0x1  }
0x34: {  	s25 =	ssub.s32 @p1 s25, s26  }
0x35: {  	s25 =	sand.u32 @p1 $0xFF, s25  }
0x36: {  	s25 =	sshll.u32 @p1 s25, $0xD  }
0x37: {  	s31 =	smul.u32 $0xCD, s22;
	s25 =	sadd.s32 @p1 $0x9E00, s25  }
0x38: {  	[tilespmem:s25], [sflag:$0x1] =	stream.indirect.gather @p1 [hbm4b:s4+s14], $0x40, s24, s14, $0xb8;
	[tilespmem:$0x1DC40] =	vst v63  }
0x39: {  	s25 =	sshrl.u32 s31, $0xA  }
0x3a: {  	s25 =	sand.u32 $0x3F, s25  }
0x3b: {  	s25 =	smul.u32 $0x5, s25;
	_ =	sdelay $0x1  }
0x3c: {  	s25 =	ssub.s32 s22, s25;
	s22 =	sadd.s32 $0x1, s22  }
0x3d: {  	p0 =	sne.s32 s22, $0x9E  }
.Ltmp1:
0x3e: {  	_ =	swait.ge [sflag:s19], $0x2000;
	s25 =	sand.u32 $0xFF, s25;
	(pc) =	sbr.rel @p0 .LBB2_4-.Ltmp1, $4  }
0x3f: {  	[sflag:s19] =	ssyncset.done $0x0;
	s25 =	sshll.u32 s25, $0xD  }
0x40: {  	[sflag:s19] =	ssyncadd.s32 $0xFFFFE000;
	s25 =	sadd.s32 $0x9E00, s25  }
0x41: {  	[spmem:s2] =	stream.indirect.scatter.add.f32 [tilespmem:s25], [sflag:$0x2], $0x40, s23, s14, $0xb8;
	[tilespmem:$0x1DC40] =	vst v63  }
0x42: {  	s24 =	sadd.s32 $0x80, s24;
	s23 =	sadd.s32 $0x80, s23  }
0x43: {  	_ =	swait.ge [sflag:s20], $0x2000  }
0x44: {  	[sflag:s20] =	ssyncset.done $0x0  }
0x45: {  	[sflag:s20] =	ssyncadd.s32 $0xFFFFE000  }
0x46: {  	_ =	swait.ge [sflag:s20], $0x2000  }
0x47: {  	s21 =	sadd.s32 $0x1, s21;
	[sflag:s20] =	ssyncset.done $0x0  }
0x48: {  	p0 =	sne.s32 s21, s9;
	[sflag:s20] =	ssyncadd.s32 $0xFFFFE000  }
.Ltmp2:
0x49: {  	[bflag:$0x0] =	sbarrier.arrive $0xFFFF;
	(pc) =	sbr.rel @p0 .LBB2_1-.Ltmp2, $4  }
0x4a: {  	[hbm:s8], [sflag:s12] =	dma.local [spmem:s13], $0x13C8  }
0x4b: {  	_ =	swait.ge [sflag:s10], $0x13C8  }
0x4c: {  	[sflag:s10] =	ssyncset.done $0x0  }
0x4d: {  	[sflag:s10] =	ssyncadd.s32 $0xFFFFEC38  }
0x4e: {  	_ =	sfence.sel $0x180000  }
0x4f: {  	[bflag:$0x0] =	sbarrier.arrive $0xFFFF  }
0x50: {  	p0 =	sne.s32 s1, $0x0;
	_ =	strace $0x9000004A  }
0x51: {  	s0 =	sadd.s32 @!p0 $0x100000, s0;
	[bflag:$0x2] =	sbarrier.arrive $0xFFFF  }
0x52: {  	[sflag:s0] =	ssyncadd.tile.s32 @!p0 $0x1;
	_ =	shalt  }
.Lfunc_end2:
_tile_overlayer_lowered:
.L_overlay_start_2:
0x53: {  	(tag) =	ssettag $0x2  }
0x54: {  	s0 =	rddreg [dreg:$0x0];
	s2 =	stileid.u32  }
0x55: {  	s1 =	rddreg [dreg:$0x1];
	p0 =	sne.s32 s2, $0x0  }
0x56: {  	s3 =	rddreg [dreg:$0x2];
	[bflag:$0x3] =	sbarrier.arrive $0xFFFF;
	s2 =	simm.s32 @!p0 $0x1C03  }
0x57: {  	[timem:s3], [sflag:s2] =	dma.local @!p0 [hbm:s0], s1  }
0x58: {  	s0 =	simm.s32 @!p0 $0x3  }
0x59: {  	_ =	swait.ge @!p0 [sflag:s0], s1  }
0x5a: {  	s1 =	ssub.s32 @!p0 $0x0, s1;
	[sflag:s0] =	ssyncset.done @!p0 $0x0  }
0x5b: {  	[sflag:s0] =	ssyncadd.s32 @!p0 s1  }
0x5c: {  	[bflag:$0x3] =	sbarrier.arrive $0xFFFF  }
0x5d: {  	_ =	shalt  }

// kernel: kernel.15.cloned.1.call-start
scs
__scs_entry_jumppad:
0x0: {  	(pc) =	sbr.rel $0x88, $3  }
0x1: {  	(tag) =	ssettag $0x0;
	lr =	simm.s32 $0x1  }
0x2: {  	[smem:$0x3F97] =	sst lr;
	_ =	strace $0xD0000000  }
0x3: {  	_ = 	snop  }
0x4: {  	_ = 	snop  }
0x5: {  	_ = 	snop  }
0x6: {  	_ = 	snop  }
0x7: {  	_ = 	snop  }
__scs_overlays_trampoline_lowered:
0x8: {  	[smem:$0x3FA6] =	sst s0  }
0x9: {  	[smem:$0x3FA7] =	sst s1  }
0xa: {  	[smem:$0x3FA8] =	sst s2  }
0xb: {  	[smem:$0x3FA9] =	sst s3  }
0xc: {  	[smem:$0x3FAA] =	sst s4  }
0xd: {  	[smem:$0x3FAB] =	sst s5  }
0xe: {  	[smem:$0x3FAC] =	sst s6  }
0xf: {  	[smem:$0x3FAD] =	sst s7  }
0x10: {  	[smem:$0x3FAE] =	sst s8  }
0x11: {  	[smem:$0x3FAF] =	sst s9;
	s0 =	simm.s32 @!p0 $0x0  }
0x12: {  	s1 =	sld [smem:$0x3F95];
	s0 =	simm.s32 @p0 $0x1  }
0x13: {  	[smem:$0x3FB0] =	sst s0;
	s0 =	simm.s32 @!p1 $0x0  }
0x14: {  	s2 =	sld [smem:$0x3F94];
	s0 =	simm.s32 @p1 $0x1  }
0x15: {  	[smem:$0x3FB1] =	sst s0;
	s0 =	simm.s32 @!p2 $0x0  }
0x16: {  	s3 =	sld [smem:$0x3FDB];
	s0 =	simm.s32 @p2 $0x1  }
0x17: {  	s4 =	simm.s32 $0x1BF5;
	[smem:$0x3FB3] =	sst s0  }
0x18: {  	s0 =	sld [smem:$0x3F96];
	_ =	swait.ge [sflag:s4], $0x0  }
0x19: {  	s7 =	sld [smem:$0x3F97]  }
0x1a: {  	s8 =	sadd.s32 $0xFFFFE003, lr  }
0x1b: {  	s9 =	sadd.s32 $0xFFFFFEF7, lr;
	s5 =	simm.s32 $0xFFFFFFFF;
	p2 =	slt.u32 s8, $0xFFFFF086  }
0x1c: {  	p1 =	slt.u32 s9, $0xF7A;
	s5 =	simm.s32 @!p2 $0x0  }
0x1d: {  	s5 =	simm.s32 @p1 $0x1;
	p0 =	seq.s32 s7, s2  }
0x1e: {  	s7 =	smul.u32 @!p0 $0xF7A, s2;
	p2 =	seq.s32 @!p0 s5, $0x0  }
0x1f: {  	s9 =	smul.u32 $0xF7A, s1;
	s8 =	simm.s32 @!p0 $0x1BF5;
	p2 =	por !p2, p0  }
0x20: {  	[sflag:s8] =	ssyncset.s32 @!p0 $0xFFFFF086;
	s6 =	sadd.s32 @!p0 s3, s7;
	s7 =	simm.s32 @!p0 $0x108  }
0x21: {  	s3 =	sadd.s32 s3, s9;
	s6 =	sadd.s32 @!p0 $0x88, s6;
	s7 =	simm.s32 @p2 $0x1082  }
0x22: {  	[simem:s7], [sflag:s8] =	dma.local @!p0 [hbm:s6], $0xF7A  }
0x23: {  	s9 =	sor.u32 $0xD0000000, s2;
	s6 =	simm.s32 $0x108;
	_ =	swait.ge @!p0 [sflag:s8], $0x0  }
0x24: {  	s3 =	sadd.s32 $0x88, s3;
	s6 =	simm.s32 @!p1 $0x1082;
	[sflag:s4] =	ssyncset.s32 $0xFFFFF086  }
0x25: {  	[simem:s6], [sflag:s4] =	dma.local [hbm:s3], $0xF7A  }
0x26: {  	[smem:$0x3F97] =	sst s1;
	(tag) =	ssettag s2;
	_ =	strace s9  }
0x27: {  	s1 =	sld [smem:$0x3FA7]  }
0x28: {  	s2 =	sld [smem:$0x3FA8]  }
0x29: {  	s4 =	sld [smem:$0x3FAA]  }
0x2a: {  	p0 =	seq.s32 s5, $0x0;
	s5 =	sld [smem:$0x3FAB]  }
0x2b: {  	s6 =	sld [smem:$0x3FAC]  }
0x2c: {  	s7 =	sld [smem:$0x3FAD]  }
0x2d: {  	s3 =	simm.s32 $0x108;
	s8 =	sld [smem:$0x3FAE]  }
0x2e: {  	s3 =	simm.s32 @!p0 $0x1082;
	s9 =	sld [smem:$0x3FAF]  }
0x2f: {  	lr =	sadd.s32 s0, s3;
	s0 =	sld [smem:$0x3FA6]  }
0x30: {  	s3 =	sld [smem:$0x3FA9]  }
0x31: {  	[smem:$0x3FB2] =	sst s10  }
0x32: {  	s10 =	sld [smem:$0x3FB0];
	_ =	sdelay $0x3  }
0x33: {  	p0 =	seq.s32 s10, $0x1;
	s10 =	sld [smem:$0x3FB2];
	_ =	sdelay $0x3  }
0x34: {  	[smem:$0x3FB2] =	sst s10  }
0x35: {  	s10 =	sld [smem:$0x3FB1];
	_ =	sdelay $0x3  }
0x36: {  	p1 =	seq.s32 s10, $0x1;
	s10 =	sld [smem:$0x3FB2];
	_ =	sdelay $0x3  }
0x37: {  	[smem:$0x3FB2] =	sst s10  }
0x38: {  	s10 =	sld [smem:$0x3FB3]  }
0x39: {  	_ = 	snop;
	(pc) =	sbr.ind lr, $3  }
0x3a: {  	_ = 	snop  }
0x3b: {  	_ = 	snop  }
0x3c: {  	p2 =	seq.s32 s10, $0x1;
	s10 =	sld [smem:$0x3FB2]  }
0x3d: {  	_ =	shalt  }
0x3e: {  	_ =	shalt  }
0x3f: {  	_ =	shalt  }
0x40: {  	_ =	shalt  }
0x41: {  	_ =	shalt  }
0x42: {  	_ =	shalt  }
0x43: {  	_ =	shalt  }
0x44: {  	_ =	shalt  }
0x45: {  	_ =	shalt  }
0x46: {  	_ =	shalt  }
0x47: {  	_ =	shalt  }
0x48: {  	_ =	shalt  }
0x49: {  	_ =	shalt  }
0x4a: {  	_ =	shalt  }
0x4b: {  	_ =	shalt  }
0x4c: {  	_ =	shalt  }
0x4d: {  	_ =	shalt  }
0x4e: {  	_ =	shalt  }
0x4f: {  	_ =	shalt  }
0x50: {  	_ =	shalt  }
0x51: {  	_ =	shalt  }
0x52: {  	_ =	shalt  }
0x53: {  	_ =	shalt  }
0x54: {  	_ =	shalt  }
0x55: {  	_ =	shalt  }
0x56: {  	_ =	shalt  }
0x57: {  	_ =	shalt  }
0x58: {  	_ =	shalt  }
0x59: {  	_ =	shalt  }
0x5a: {  	_ =	shalt  }
0x5b: {  	_ =	shalt  }
0x5c: {  	_ =	shalt  }
0x5d: {  	_ =	shalt  }
0x5e: {  	_ =	shalt  }
0x5f: {  	_ =	shalt  }
0x60: {  	_ =	shalt  }
0x61: {  	_ =	shalt  }
0x62: {  	_ =	shalt  }
0x63: {  	_ =	shalt  }
0x64: {  	_ =	shalt  }
0x65: {  	_ =	shalt  }
0x66: {  	_ =	shalt  }
0x67: {  	_ =	shalt  }
0x68: {  	_ =	shalt  }
0x69: {  	_ =	shalt  }
0x6a: {  	_ =	shalt  }
0x6b: {  	_ =	shalt  }
0x6c: {  	_ =	shalt  }
0x6d: {  	_ =	shalt  }
0x6e: {  	_ =	shalt  }
0x6f: {  	_ =	shalt  }
0x70: {  	_ =	shalt  }
0x71: {  	_ =	shalt  }
0x72: {  	_ =	shalt  }
0x73: {  	_ =	shalt  }
0x74: {  	_ =	shalt  }
0x75: {  	_ =	shalt  }
0x76: {  	_ =	shalt  }
0x77: {  	_ =	shalt  }
0x78: {  	_ =	shalt  }
0x79: {  	_ =	shalt  }
0x7a: {  	_ =	shalt  }
0x7b: {  	_ =	shalt  }
0x7c: {  	_ =	shalt  }
0x7d: {  	_ =	shalt  }
0x7e: {  	_ =	shalt  }
0x7f: {  	_ =	shalt  }
0x80: {  	_ =	shalt  }
0x81: {  	_ =	shalt  }
0x82: {  	_ =	shalt  }
0x83: {  	_ =	shalt  }
0x84: {  	_ =	shalt  }
0x85: {  	_ =	shalt  }
0x86: {  	_ =	shalt  }
0x87: {  	_ =	shalt  }
.Lfunc_end0:
.L_simem_size_0:
called_computation.2_lowered:
.L_overlay_start_0:
0x88: {  	s2 =	sld [smem:$0x3FD9]  }
0x89: {  	s3 =	sld [smem:$0x3FFE];
	_ =	sdelay $0x1  }
0x8a: {  	s1 =	srdreg.scid  }
0x8b: {  	s0 =	sand.u32 $0x1, s1  }
0x8c: {  	s17 =	sshll.u32 s0, $0xA;
	s2 =	sadd.s32 s3, s2  }
0x8d: {  	s2 =	sadd.s32 s2, s17  }
0x8e: {  	[smem:$0x3FBE] =	sst s2  }
0x8f: {  	_ = 	snop  }
0x90: {  	s2 =	sld [smem:$0x3FD0];
	(tm) =	ssettm $0x1  }
0x91: {  	s18 =	sld [smem:$0x3FFB];
	_ =	sdelay $0x3  }
0x92: {  	_ =	strace s18  }
0x93: {  	s3 =	sld [smem:$0x3FFC];
	_ =	sdelay $0x3  }
0x94: {  	_ =	strace s3  }
0x95: {  	s3 =	sld [smem:$0x3FFD];
	_ =	sdelay $0x3  }
0x96: {  	_ =	strace s3  }
0x97: {  	_ =	strace $0x8FFFFFFF  }
0x98: {  	s19 =	sld [smem:$0x3FDB];
	_ =	sdelay $0x1  }
0x99: {  	s4 =	simm.s32 $_scs_section_size  }
0x9a: {  	s5 =	simm.s32 $_size__tile_overlayer_lowered;
	s6 =	simm.s32 $_tile_overlayer_lowered  }
0x9b: {  	s22 =	simm.s32 $0x1BFF;
	s21 =	sshll.u32 s6, $0x1;
	s3 =	sadd.s32 s4, s19  }
0x9c: {  	s7 =	simm.s32 $0x0;
	s20 =	sshll.u32 s5, $0x1;
	s5 =	sadd.s32 s21, s3  }
0x9d: {  	[timem:s7], [sflag:s22] =	dma.local [hbm:s5], s20  }
0x9e: {  	_ =	swait.ge [sflag:s22], s20  }
0x9f: {  	s4 =	ssub.s32 $0x0, s20;
	[sflag:s22] =	ssyncset.done $0x0  }
0xa0: {  	[sflag:s22] =	ssyncadd.s32 s4;
	_ =	sdelay $0x1  }
0xa1: {  	s23 =	simm.s32 $0x1B8B  }
0xa2: {  	_ =	swait.ge [sflag:s23], $0x1  }
0xa3: {  	[sflag:s23] =	ssyncset.done $0x0  }
0xa4: {  	s25 =	simm.s32 $0x1B8E;
	s24 =	sld [smem:$0x3FFE];
	[sflag:s23] =	ssyncadd.s32 $0xFFFFFFFF  }
0xa5: {  	s26 =	simm.s32 $execute0_lowered;
	[smem:$0x3FD2] =	sst s25  }
0xa6: {  	s5 =	sshll.u32 s26, $0x1;
	_ =	strace $0x8000004C;
	[dreg:$0x1] =	wrdreg $0xFFFFFFFF  }
0xa7: {  	s28 =	simm.s32 $_size_execute0_lowered;
	s3 =	sadd.s32 s3, s5;
	[dreg:$0x0] =	wrdreg $0x0  }
0xa8: {  	s5 =	sshll.u32 s28, $0x1;
	[dreg:$0x2] =	wrdreg s3  }
0xa9: {  	[dreg:$0x3] =	wrdreg s5  }
0xaa: {  	[dreg:$0x4] =	wrdreg $0xC0  }
0xab: {  	_ =	task [dreg:s7], $0x5FFFF  }
0xac: {  	[dreg:$0x1] =	wrdreg $0xFFFFFFFF  }
0xad: {  	[dreg:$0x0] =	wrdreg $0x60  }
0xae: {  	[dreg:$0x2] =	wrdreg s24  }
0xaf: {  	[dreg:$0x3] =	wrdreg s2  }
0xb0: {  	[dreg:$0x4] =	wrdreg $0x13E000  }
0xb1: {  	[dreg:$0x5] =	wrdreg $0x9  }
0xb2: {  	_ =	task.clear_ibuf [dreg:s7], $0x6FFFF;
	_ =	strace $0x9000004C  }
0xb3: {  	s29 =	simm.s32 $0x9;
	_ =	strace $0x8000004E  }
0xb4: {  	_ =	swait.ge [sflag:s29], $0x1  }
0xb5: {  	[sflag:s29] =	ssyncadd.s32 $0xFFFFFFFF  }
0xb6: {  	_ =	strace $0x9000004E  }
0xb7: {  	_ =	sfence  }
0xb8: {  	s30 =	sld [smem:$0x0];
	_ =	sdelay $0x2  }
0xb9: {  	s31 =	sshll.u32 s1, $0xD;
	s1 =	sshrl.u32 s1, $0x2  }
0xba: {  	s3 =	sand.u32 $0x4000, s31;
	s1 =	sadd.s32 s1, s30  }
0xbb: {  	s0 =	sor.u32 s3, s0;
	s1 =	sshll.u32 s1, $0x11  }
0xbc: {  	s0 =	sor.u32 s1, s0  }
0xbd: {  	s0 =	sadd.s32 $0x8F2B, s0  }
0xbe: {  	[sflag:s0] =	ssyncadd.remote.s32 $0x1  }
0xbf: {  	_ =	sfence.sel $0xFFFF  }
0xc0: {  	[dreg:$0x0] =	wrdreg $0xFFFFFFFF;
	(pc) =	sbr.abs _section_cstart, $3  }
0xc1: {  	[dreg:$0x1] =	wrdreg $0xFFFFFFFF  }
0xc2: {  	_ =	task.clear_ibuf [dreg:s7], $0x2FFFF;
	_ =	strace $0x9FFFFFFF  }
0xc3: {  	(tm) =	ssettm $0x7FFFFFFF  }
tec
execute0_lowered:
.L_overlay_start_1:
0x0: {  	(tag) =	ssettag $0x1  }
0x1: {  	s6 =	rddreg [dreg:$0x0]  }
0x2: {  	s7 =	rddreg [dreg:$0x1]  }
0x3: {  	s2 =	rddreg [dreg:$0x2]  }
0x4: {  	s0 =	rddreg [dreg:$0x3];
	s1 =	stileid.u32  }
0x5: {  	s4 =	srdreg.scid;
	s3 =	simm.s32 $0x0;
	s15 =	simm.s32 $0x9E00  }
0x6: {  	s16 =	simm.s32 $0xBE00;
	s17 =	simm.s32 $0x100;
	s18 =	simm.s32 $0xDE00  }
0x7: {  	s20 =	simm.s32 $0x2;
	s21 =	simm.s32 $0x0;
	s8 =	smul.u32 $0x9E0, s1  }
0x8: {  	s9 =	sand.u32 $0x1, s4;
	s10 =	smul.u32 $0x9E40, s1;
	[smem:$0x7FF] =	sst s3  }
0x9: {  	s4 =	sadd.s32 $0xDA00, s6;
	s31 =	sshll.u32 s1, $0x6;
	s5 =	smul.u32 $0x9E400, s9  }
0xa: {  	_ =	strace $0x8000004D;
	s13 =	ssub.s32 $0x2, s9;
	s19 =	smul.u32 $0x2710, s9  }
0xb: {  	s11 =	sadd.s32 s8, s6;
	s14 =	sshrl.u32 s13, $0x1;
	s7 =	sadd.s32 s7, s8  }
0xc: {  	s30 =	sadd.s32 s10, s2;
	s12 =	sadd.s32 s10, s5;
	s5 =	sadd.s32 $0xC600, s6  }
0xd: {  	s13 =	ssub.s32 s13, s14;
	s10 =	simm.s32 $0x3;
	s14 =	simm.s32 $0x80  }
0xe: {  	v0 =	vmov s19;
	s19 =	simm.s32 $0x1;
	s12 =	sshrl.u32 s12, $0x3;
	s9 =	smax.u32 s13, $0x1  }
0xf: {  	s13 =	sshrl.u32 s30, $0x3;
	s12 =	sadd.s32 s12, s6;
	s6 =	sadd.s32 $0x2800, s11  }
0x10: {  	s11 =	simm.s32 $0x4F00;
	s8 =	sadd.s32 $0x34C00, s12;
	s12 =	sor.u32 $0x1C03, s31  }
.LBB2_1:
0x11: {  	[tilespmem:s3], [sflag:$0x3] =	stream.linear.gather [hbm4b:s6+s3], $0x4F00, $0x38;
	[tilespmem:$0x1DC40] =	vst v63  }
0x12: {  	_ =	swait.ge [sflag:s10], $0x4F00  }
0x13: {  	[sflag:s10] =	ssyncset.done $0x0  }
0x14: {  	[sflag:s10] =	ssyncadd.s32 $0xFFFFB100  }
0x15: {  	[tilespmem:s11], [sflag:$0x3] =	stream.linear.gather [hbm4b:s7+s3], $0x4F00, $0x38;
	[tilespmem:$0x1DC40] =	vst v63  }
0x16: {  	_ =	swait.ge [sflag:s10], $0x4F00  }
0x17: {  	[sflag:s10] =	ssyncset.done $0x0  }
0x18: {  	s22 =	sand.u32 $0x7FF0, s3;
	s23 =	simm.s32 $0x10;
	[sflag:s10] =	ssyncadd.s32 $0xFFFFB100  }
.LBB2_2:
0x19: {  	p0 =	sne.s32 s23, $0x4EF0;
	v1 =	vld [tilespmem:s22+$0x0];
	_ =	sdelay $0x1  }
.Ltmp0:
0x1a: {  	(pc) =	sbr.rel @p0 .LBB2_2-.Ltmp0, $3  }
0x1b: {  	_ =	sdelay $0x1  }
0x1c: {  	v1 =	vadd.s32 v0, v1  }
0x1d: {  	[tilespmem:s22+$0x0] =	vst v1;
	s22 =	sand.u32 $0x7FF0, s23;
	s23 =	sadd.s32 $0x10, s23  }
0x1e: {  	v1 =	vld [tilespmem:s22+$0x0];
	_ =	sdelay $0x4  }
0x1f: {  	v1 =	vadd.s32 v0, v1  }
0x20: {  	[tilespmem:s22+$0x0] =	vst v1  }
0x21: {  	[spmem:s13], [sflag:s12] =	dma.local [hbm:s5], $0x13C8  }
0x22: {  	_ =	swait.ge [sflag:s10], $0x13C8  }
0x23: {  	[sflag:s10] =	ssyncset.done $0x0  }
0x24: {  	s22 =	simm.s32 $0x0;
	[sflag:s10] =	ssyncadd.s32 $0xFFFFEC38  }
0x25: {  	[tilespmem:s15], [sflag:$0x1] =	stream.indirect.gather [hbm4b:s4+s14], $0x40, s22, s14, $0xb8;
	[tilespmem:$0x1DC40] =	vst v63  }
0x26: {  	_ = 	snop  }
0x27: {  	[tilespmem:s16], [sflag:$0x1] =	stream.indirect.gather [hbm4b:s4+s14], $0x40, s14, s14, $0xb8;
	[tilespmem:$0x1DC40] =	vst v63  }
0x28: {  	_ = 	snop  }
0x29: {  	[tilespmem:s18], [sflag:$0x1] =	stream.indirect.gather [hbm4b:s4+s14], $0x40, s17, s14, $0xb8;
	[tilespmem:$0x1DC40] =	vst v63  }
0x2a: {  	s23 =	simm.s32 $0x4F00;
	s24 =	simm.s32 $0x180;
	[bflag:$0x0] =	sbarrier.arrive $0xFFFF  }
.LBB2_4:
0x2b: {  	p0 =	slt.u32 s22, $0x2  }
0x2c: {  	s25 =	simm.s32 @!p0 $0x2  }
0x2d: {  	p1 =	sgt.u32 @!p0 s22, $0x9A;
	_ =	swait.ge @!p0 [sflag:s25], $0x2000  }
0x2e: {  	p1 =	por p0, !p1;
	[sflag:s25] =	ssyncset.done @!p0 $0x0  }
0x2f: {  	[sflag:s25] =	ssyncadd.s32 @!p0 $0xFFFFE000;
	s25 =	sadd.s32 @p1 $0x3, s22  }
0x30: {  	s26 =	smul.u32 @p1 $0xCD, s25;
	_ =	sdelay $0x1  }
0x31: {  	s26 =	sshrl.u32 @p1 s26, $0xA  }
0x32: {  	s26 =	sand.u32 @p1 $0x3F, s26  }
0x33: {  	s26 =	smul.u32 @p1 $0x5, s26;
	_ =	sdelay $0x1  }
0x34: {  	s25 =	ssub.s32 @p1 s25, s26  }
0x35: {  	s25 =	sand.u32 @p1 $0xFF, s25  }
0x36: {  	s25 =	sshll.u32 @p1 s25, $0xD  }
0x37: {  	s31 =	smul.u32 $0xCD, s22;
	s25 =	sadd.s32 @p1 $0x9E00, s25  }
0x38: {  	[tilespmem:s25], [sflag:$0x1] =	stream.indirect.gather @p1 [hbm4b:s4+s14], $0x40, s24, s14, $0xb8;
	[tilespmem:$0x1DC40] =	vst v63  }
0x39: {  	s25 =	sshrl.u32 s31, $0xA  }
0x3a: {  	s25 =	sand.u32 $0x3F, s25  }
0x3b: {  	s25 =	smul.u32 $0x5, s25;
	_ =	sdelay $0x1  }
0x3c: {  	s25 =	ssub.s32 s22, s25;
	s22 =	sadd.s32 $0x1, s22  }
0x3d: {  	p0 =	sne.s32 s22, $0x9E  }
.Ltmp1:
0x3e: {  	_ =	swait.ge [sflag:s19], $0x2000;
	s25 =	sand.u32 $0xFF, s25;
	(pc) =	sbr.rel @p0 .LBB2_4-.Ltmp1, $4  }
0x3f: {  	[sflag:s19] =	ssyncset.done $0x0;
	s25 =	sshll.u32 s25, $0xD  }
0x40: {  	[sflag:s19] =	ssyncadd.s32 $0xFFFFE000;
	s25 =	sadd.s32 $0x9E00, s25  }
0x41: {  	[spmem:s2] =	stream.indirect.scatter.add.f32 [tilespmem:s25], [sflag:$0x2], $0x40, s23, s14, $0xb8;
	[tilespmem:$0x1DC40] =	vst v63  }
0x42: {  	s24 =	sadd.s32 $0x80, s24;
	s23 =	sadd.s32 $0x80, s23  }
0x43: {  	_ =	swait.ge [sflag:s20], $0x2000  }
0x44: {  	[sflag:s20] =	ssyncset.done $0x0  }
0x45: {  	[sflag:s20] =	ssyncadd.s32 $0xFFFFE000  }
0x46: {  	_ =	swait.ge [sflag:s20], $0x2000  }
0x47: {  	s21 =	sadd.s32 $0x1, s21;
	[sflag:s20] =	ssyncset.done $0x0  }
0x48: {  	p0 =	sne.s32 s21, s9;
	[sflag:s20] =	ssyncadd.s32 $0xFFFFE000  }
.Ltmp2:
0x49: {  	[bflag:$0x0] =	sbarrier.arrive $0xFFFF;
	(pc) =	sbr.rel @p0 .LBB2_1-.Ltmp2, $4  }
0x4a: {  	[hbm:s8], [sflag:s12] =	dma.local [spmem:s13], $0x13C8  }
0x4b: {  	_ =	swait.ge [sflag:s10], $0x13C8  }
0x4c: {  	[sflag:s10] =	ssyncset.done $0x0  }
0x4d: {  	[sflag:s10] =	ssyncadd.s32 $0xFFFFEC38  }
0x4e: {  	_ =	sfence.sel $0x180000  }
0x4f: {  	[bflag:$0x0] =	sbarrier.arrive $0xFFFF  }
0x50: {  	p0 =	sne.s32 s1, $0x0;
	_ =	strace $0x9000004D  }
0x51: {  	s0 =	sadd.s32 @!p0 $0x100000, s0;
	[bflag:$0x2] =	sbarrier.arrive $0xFFFF  }
0x52: {  	[sflag:s0] =	ssyncadd.tile.s32 @!p0 $0x1;
	_ =	shalt  }
.Lfunc_end2:
_tile_overlayer_lowered:
.L_overlay_start_2:
0x53: {  	(tag) =	ssettag $0x2  }
0x54: {  	s0 =	rddreg [dreg:$0x0];
	s2 =	stileid.u32  }
0x55: {  	s1 =	rddreg [dreg:$0x1];
	p0 =	sne.s32 s2, $0x0  }
0x56: {  	s3 =	rddreg [dreg:$0x2];
	[bflag:$0x3] =	sbarrier.arrive $0xFFFF;
	s2 =	simm.s32 @!p0 $0x1C03  }
0x57: {  	[timem:s3], [sflag:s2] =	dma.local @!p0 [hbm:s0], s1  }
0x58: {  	s0 =	simm.s32 @!p0 $0x3  }
0x59: {  	_ =	swait.ge @!p0 [sflag:s0], s1  }
0x5a: {  	s1 =	ssub.s32 @!p0 $0x0, s1;
	[sflag:s0] =	ssyncset.done @!p0 $0x0  }
0x5b: {  	[sflag:s0] =	ssyncadd.s32 @!p0 s1  }
0x5c: {  	[bflag:$0x3] =	sbarrier.arrive $0xFFFF  }
0x5d: {  	_ =	shalt  }

// kernel: kernel.9.cloned.1.call-start
scs
__scs_entry_jumppad:
0x0: {  	(pc) =	sbr.rel $0x88, $3  }
0x1: {  	(tag) =	ssettag $0x0;
	lr =	simm.s32 $0x1  }
0x2: {  	[smem:$0x3F97] =	sst lr;
	_ =	strace $0xD0000000  }
0x3: {  	_ = 	snop  }
0x4: {  	_ = 	snop  }
0x5: {  	_ = 	snop  }
0x6: {  	_ = 	snop  }
0x7: {  	_ = 	snop  }
__scs_overlays_trampoline_lowered:
0x8: {  	[smem:$0x3FA6] =	sst s0  }
0x9: {  	[smem:$0x3FA7] =	sst s1  }
0xa: {  	[smem:$0x3FA8] =	sst s2  }
0xb: {  	[smem:$0x3FA9] =	sst s3  }
0xc: {  	[smem:$0x3FAA] =	sst s4  }
0xd: {  	[smem:$0x3FAB] =	sst s5  }
0xe: {  	[smem:$0x3FAC] =	sst s6  }
0xf: {  	[smem:$0x3FAD] =	sst s7  }
0x10: {  	[smem:$0x3FAE] =	sst s8  }
0x11: {  	[smem:$0x3FAF] =	sst s9;
	s0 =	simm.s32 @!p0 $0x0  }
0x12: {  	s1 =	sld [smem:$0x3F95];
	s0 =	simm.s32 @p0 $0x1  }
0x13: {  	[smem:$0x3FB0] =	sst s0;
	s0 =	simm.s32 @!p1 $0x0  }
0x14: {  	s2 =	sld [smem:$0x3F94];
	s0 =	simm.s32 @p1 $0x1  }
0x15: {  	[smem:$0x3FB1] =	sst s0;
	s0 =	simm.s32 @!p2 $0x0  }
0x16: {  	s3 =	sld [smem:$0x3FDB];
	s0 =	simm.s32 @p2 $0x1  }
0x17: {  	s4 =	simm.s32 $0x1BF5;
	[smem:$0x3FB3] =	sst s0  }
0x18: {  	s0 =	sld [smem:$0x3F96];
	_ =	swait.ge [sflag:s4], $0x0  }
0x19: {  	s7 =	sld [smem:$0x3F97]  }
0x1a: {  	s8 =	sadd.s32 $0xFFFFE003, lr  }
0x1b: {  	s9 =	sadd.s32 $0xFFFFFEF7, lr;
	s5 =	simm.s32 $0xFFFFFFFF;
	p2 =	slt.u32 s8, $0xFFFFF086  }
0x1c: {  	p1 =	slt.u32 s9, $0xF7A;
	s5 =	simm.s32 @!p2 $0x0  }
0x1d: {  	s5 =	simm.s32 @p1 $0x1;
	p0 =	seq.s32 s7, s2  }
0x1e: {  	s7 =	smul.u32 @!p0 $0xF7A, s2;
	p2 =	seq.s32 @!p0 s5, $0x0  }
0x1f: {  	s9 =	smul.u32 $0xF7A, s1;
	s8 =	simm.s32 @!p0 $0x1BF5;
	p2 =	por !p2, p0  }
0x20: {  	[sflag:s8] =	ssyncset.s32 @!p0 $0xFFFFF086;
	s6 =	sadd.s32 @!p0 s3, s7;
	s7 =	simm.s32 @!p0 $0x108  }
0x21: {  	s3 =	sadd.s32 s3, s9;
	s6 =	sadd.s32 @!p0 $0x88, s6;
	s7 =	simm.s32 @p2 $0x1082  }
0x22: {  	[simem:s7], [sflag:s8] =	dma.local @!p0 [hbm:s6], $0xF7A  }
0x23: {  	s9 =	sor.u32 $0xD0000000, s2;
	s6 =	simm.s32 $0x108;
	_ =	swait.ge @!p0 [sflag:s8], $0x0  }
0x24: {  	s3 =	sadd.s32 $0x88, s3;
	s6 =	simm.s32 @!p1 $0x1082;
	[sflag:s4] =	ssyncset.s32 $0xFFFFF086  }
0x25: {  	[simem:s6], [sflag:s4] =	dma.local [hbm:s3], $0xF7A  }
0x26: {  	[smem:$0x3F97] =	sst s1;
	(tag) =	ssettag s2;
	_ =	strace s9  }
0x27: {  	s1 =	sld [smem:$0x3FA7]  }
0x28: {  	s2 =	sld [smem:$0x3FA8]  }
0x29: {  	s4 =	sld [smem:$0x3FAA]  }
0x2a: {  	p0 =	seq.s32 s5, $0x0;
	s5 =	sld [smem:$0x3FAB]  }
0x2b: {  	s6 =	sld [smem:$0x3FAC]  }
0x2c: {  	s7 =	sld [smem:$0x3FAD]  }
0x2d: {  	s3 =	simm.s32 $0x108;
	s8 =	sld [smem:$0x3FAE]  }
0x2e: {  	s3 =	simm.s32 @!p0 $0x1082;
	s9 =	sld [smem:$0x3FAF]  }
0x2f: {  	lr =	sadd.s32 s0, s3;
	s0 =	sld [smem:$0x3FA6]  }
0x30: {  	s3 =	sld [smem:$0x3FA9]  }
0x31: {  	[smem:$0x3FB2] =	sst s10  }
0x32: {  	s10 =	sld [smem:$0x3FB0];
	_ =	sdelay $0x3  }
0x33: {  	p0 =	seq.s32 s10, $0x1;
	s10 =	sld [smem:$0x3FB2];
	_ =	sdelay $0x3  }
0x34: {  	[smem:$0x3FB2] =	sst s10  }
0x35: {  	s10 =	sld [smem:$0x3FB1];
	_ =	sdelay $0x3  }
0x36: {  	p1 =	seq.s32 s10, $0x1;
	s10 =	sld [smem:$0x3FB2];
	_ =	sdelay $0x3  }
0x37: {  	[smem:$0x3FB2] =	sst s10  }
0x38: {  	s10 =	sld [smem:$0x3FB3]  }
0x39: {  	_ = 	snop;
	(pc) =	sbr.ind lr, $3  }
0x3a: {  	_ = 	snop  }
0x3b: {  	_ = 	snop  }
0x3c: {  	p2 =	seq.s32 s10, $0x1;
	s10 =	sld [smem:$0x3FB2]  }
0x3d: {  	_ =	shalt  }
0x3e: {  	_ =	shalt  }
0x3f: {  	_ =	shalt  }
0x40: {  	_ =	shalt  }
0x41: {  	_ =	shalt  }
0x42: {  	_ =	shalt  }
0x43: {  	_ =	shalt  }
0x44: {  	_ =	shalt  }
0x45: {  	_ =	shalt  }
0x46: {  	_ =	shalt  }
0x47: {  	_ =	shalt  }
0x48: {  	_ =	shalt  }
0x49: {  	_ =	shalt  }
0x4a: {  	_ =	shalt  }
0x4b: {  	_ =	shalt  }
0x4c: {  	_ =	shalt  }
0x4d: {  	_ =	shalt  }
0x4e: {  	_ =	shalt  }
0x4f: {  	_ =	shalt  }
0x50: {  	_ =	shalt  }
0x51: {  	_ =	shalt  }
0x52: {  	_ =	shalt  }
0x53: {  	_ =	shalt  }
0x54: {  	_ =	shalt  }
0x55: {  	_ =	shalt  }
0x56: {  	_ =	shalt  }
0x57: {  	_ =	shalt  }
0x58: {  	_ =	shalt  }
0x59: {  	_ =	shalt  }
0x5a: {  	_ =	shalt  }
0x5b: {  	_ =	shalt  }
0x5c: {  	_ =	shalt  }
0x5d: {  	_ =	shalt  }
0x5e: {  	_ =	shalt  }
0x5f: {  	_ =	shalt  }
0x60: {  	_ =	shalt  }
0x61: {  	_ =	shalt  }
0x62: {  	_ =	shalt  }
0x63: {  	_ =	shalt  }
0x64: {  	_ =	shalt  }
0x65: {  	_ =	shalt  }
0x66: {  	_ =	shalt  }
0x67: {  	_ =	shalt  }
0x68: {  	_ =	shalt  }
0x69: {  	_ =	shalt  }
0x6a: {  	_ =	shalt  }
0x6b: {  	_ =	shalt  }
0x6c: {  	_ =	shalt  }
0x6d: {  	_ =	shalt  }
0x6e: {  	_ =	shalt  }
0x6f: {  	_ =	shalt  }
0x70: {  	_ =	shalt  }
0x71: {  	_ =	shalt  }
0x72: {  	_ =	shalt  }
0x73: {  	_ =	shalt  }
0x74: {  	_ =	shalt  }
0x75: {  	_ =	shalt  }
0x76: {  	_ =	shalt  }
0x77: {  	_ =	shalt  }
0x78: {  	_ =	shalt  }
0x79: {  	_ =	shalt  }
0x7a: {  	_ =	shalt  }
0x7b: {  	_ =	shalt  }
0x7c: {  	_ =	shalt  }
0x7d: {  	_ =	shalt  }
0x7e: {  	_ =	shalt  }
0x7f: {  	_ =	shalt  }
0x80: {  	_ =	shalt  }
0x81: {  	_ =	shalt  }
0x82: {  	_ =	shalt  }
0x83: {  	_ =	shalt  }
0x84: {  	_ =	shalt  }
0x85: {  	_ =	shalt  }
0x86: {  	_ =	shalt  }
0x87: {  	_ =	shalt  }
.Lfunc_end0:
.L_simem_size_0:
called_computation_lowered:
.L_overlay_start_0:
0x88: {  	s2 =	sld [smem:$0x3FD9]  }
0x89: {  	s3 =	sld [smem:$0x3FFE];
	_ =	sdelay $0x1  }
0x8a: {  	s1 =	srdreg.scid  }
0x8b: {  	s0 =	sand.u32 $0x1, s1  }
0x8c: {  	s17 =	sshll.u32 s0, $0xA;
	s2 =	sadd.s32 s3, s2  }
0x8d: {  	s2 =	sadd.s32 s2, s17  }
0x8e: {  	[smem:$0x3FBE] =	sst s2  }
0x8f: {  	_ = 	snop  }
0x90: {  	s2 =	sld [smem:$0x3FD0];
	(tm) =	ssettm $0x1  }
0x91: {  	s18 =	sld [smem:$0x3FFB];
	_ =	sdelay $0x3  }
0x92: {  	_ =	strace s18  }
0x93: {  	s3 =	sld [smem:$0x3FFC];
	_ =	sdelay $0x3  }
0x94: {  	_ =	strace s3  }
0x95: {  	s3 =	sld [smem:$0x3FFD];
	_ =	sdelay $0x3  }
0x96: {  	_ =	strace s3  }
0x97: {  	_ =	strace $0x8FFFFFFF  }
0x98: {  	s19 =	sld [smem:$0x3FDB];
	_ =	sdelay $0x1  }
0x99: {  	s4 =	simm.s32 $_scs_section_size  }
0x9a: {  	s5 =	simm.s32 $_size__tile_overlayer_lowered;
	s6 =	simm.s32 $_tile_overlayer_lowered  }
0x9b: {  	s22 =	simm.s32 $0x1BFF;
	s21 =	sshll.u32 s6, $0x1;
	s3 =	sadd.s32 s4, s19  }
0x9c: {  	s7 =	simm.s32 $0x0;
	s20 =	sshll.u32 s5, $0x1;
	s5 =	sadd.s32 s21, s3  }
0x9d: {  	[timem:s7], [sflag:s22] =	dma.local [hbm:s5], s20  }
0x9e: {  	_ =	swait.ge [sflag:s22], s20  }
0x9f: {  	s4 =	ssub.s32 $0x0, s20;
	[sflag:s22] =	ssyncset.done $0x0  }
0xa0: {  	[sflag:s22] =	ssyncadd.s32 s4;
	_ =	sdelay $0x1  }
0xa1: {  	s23 =	simm.s32 $0x1B8B  }
0xa2: {  	_ =	swait.ge [sflag:s23], $0x1  }
0xa3: {  	[sflag:s23] =	ssyncset.done $0x0  }
0xa4: {  	s25 =	simm.s32 $0x1B8E;
	s24 =	sld [smem:$0x3FFE];
	[sflag:s23] =	ssyncadd.s32 $0xFFFFFFFF  }
0xa5: {  	s26 =	simm.s32 $execute0_lowered;
	[smem:$0x3FD2] =	sst s25  }
0xa6: {  	s5 =	sshll.u32 s26, $0x1;
	_ =	strace $0x80000046;
	[dreg:$0x1] =	wrdreg $0xFFFFFFFF  }
0xa7: {  	s28 =	simm.s32 $_size_execute0_lowered;
	s3 =	sadd.s32 s3, s5;
	[dreg:$0x0] =	wrdreg $0x0  }
0xa8: {  	s5 =	sshll.u32 s28, $0x1;
	[dreg:$0x2] =	wrdreg s3  }
0xa9: {  	[dreg:$0x3] =	wrdreg s5  }
0xaa: {  	[dreg:$0x4] =	wrdreg $0xC0  }
0xab: {  	_ =	task [dreg:s7], $0x5FFFF  }
0xac: {  	[dreg:$0x1] =	wrdreg $0xFFFFFFFF  }
0xad: {  	[dreg:$0x0] =	wrdreg $0x60  }
0xae: {  	[dreg:$0x2] =	wrdreg s2  }
0xaf: {  	[dreg:$0x3] =	wrdreg s24  }
0xb0: {  	[dreg:$0x4] =	wrdreg $0x54800  }
0xb1: {  	[dreg:$0x5] =	wrdreg $0x9  }
0xb2: {  	_ =	task.clear_ibuf [dreg:s7], $0x6FFFF;
	_ =	strace $0x90000046  }
0xb3: {  	s29 =	simm.s32 $0x9;
	_ =	strace $0x80000048  }
0xb4: {  	_ =	swait.ge [sflag:s29], $0x1  }
0xb5: {  	[sflag:s29] =	ssyncadd.s32 $0xFFFFFFFF  }
0xb6: {  	_ =	strace $0x90000048  }
0xb7: {  	_ =	sfence  }
0xb8: {  	s30 =	sld [smem:$0x0];
	_ =	sdelay $0x2  }
0xb9: {  	s31 =	sshll.u32 s1, $0xD;
	s1 =	sshrl.u32 s1, $0x2  }
0xba: {  	s3 =	sand.u32 $0x4000, s31;
	s1 =	sadd.s32 s1, s30  }
0xbb: {  	s0 =	sor.u32 s3, s0;
	s1 =	sshll.u32 s1, $0x11  }
0xbc: {  	s0 =	sor.u32 s1, s0  }
0xbd: {  	s0 =	sadd.s32 $0x8F2B, s0  }
0xbe: {  	[sflag:s0] =	ssyncadd.remote.s32 $0x1  }
0xbf: {  	_ =	sfence.sel $0xFFFF  }
0xc0: {  	[dreg:$0x0] =	wrdreg $0xFFFFFFFF;
	(pc) =	sbr.abs _section_cstart, $3  }
0xc1: {  	[dreg:$0x1] =	wrdreg $0xFFFFFFFF  }
0xc2: {  	_ =	task.clear_ibuf [dreg:s7], $0x2FFFF;
	_ =	strace $0x9FFFFFFF  }
0xc3: {  	(tm) =	ssettm $0x7FFFFFFF  }
tec
execute0_lowered:
.L_overlay_start_1:
0x0: {  	(tag) =	ssettag $0x1  }
0x1: {  	s4 =	rddreg [dreg:$0x0]  }
0x2: {  	s1 =	srdreg.scid;
	s3 =	rddreg [dreg:$0x1]  }
0x3: {  	s0 =	stileid.u32;
	s7 =	rddreg [dreg:$0x2];
	s2 =	simm.s32 $0x0  }
0x4: {  	s23 =	simm.s32 $0x1;
	s24 =	simm.s32 $0x2780;
	s25 =	simm.s32 $0x4F80  }
0x5: {  	s26 =	simm.s32 $0x5200;
	s28 =	simm.s32 $0x0;
	s6 =	smul.u32 $0x280, s0  }
0x6: {  	s5 =	sand.u32 $0x1, s1;
	s1 =	rddreg [dreg:$0x3];
	s10 =	smul.u32 $0xA000, s0  }
0x7: {  	[smem:$0x7FF] =	sst s2;
	s8 =	smul.u32 $0x2800, s5;
	s9 =	sshll.u32 s5, $0x4  }
0x8: {  	_ =	strace $0x80000047;
	s5 =	ssub.s32 $0x2, s5;
	s9 =	sor.u32 s0, s9  }
0x9: {  	s29 =	sshrl.u32 s5, $0x1;
	s31 =	sshrl.u32 s10, $0x2;
	s8 =	sadd.s32 s6, s8  }
0xa: {  	s30 =	smul.u32 $0x4F0, s9;
	s22 =	ssub.s32 s5, s29;
	s8 =	sshrl.u32 s8, $0x3  }
0xb: {  	s5 =	sadd.s32 s31, s7;
	s21 =	sadd.s32 s8, s3;
	s3 =	sadd.s32 s6, s7  }
0xc: {  	s22 =	smax.u32 s22, $0x1;
	s4 =	sadd.s32 s4, s30;
	s6 =	sadd.s32 $0x2800, s3  }
0xd: {  	s7 =	sadd.s32 $0x5000, s3;
	s8 =	sadd.s32 $0x7800, s3;
	s9 =	sadd.s32 $0xA000, s3  }
0xe: {  	s10 =	sadd.s32 $0xC800, s3;
	s11 =	sadd.s32 $0xF000, s3;
	s12 =	sadd.s32 $0x11800, s3  }
0xf: {  	s13 =	sadd.s32 $0x14000, s3;
	s14 =	sadd.s32 $0x16800, s3;
	s15 =	sadd.s32 $0x19000, s3  }
0x10: {  	s16 =	sadd.s32 $0x1B800, s3;
	s17 =	sadd.s32 $0x1E000, s3;
	s18 =	sadd.s32 $0x20800, s3  }
0x11: {  	v0 =	vimm.f32 $0.0e+00;
	v1 =	vimm.f32 $1.000000000e+00;
	s19 =	sadd.s32 $0x23000, s3;
	s20 =	sadd.s32 $0x25800, s3;
	s21 =	sadd.s32 $0xC600, s21  }
.LBB2_1:
0x12: {  	[tilespmem:s2], [sflag:$0x1] =	stream.linear.gather [hbm4b:s4+s2], $0x2780, $0x38;
	[tilespmem:$0x7C80] =	vst v63  }
0x13: {  	_ =	swait.ge [sflag:s23], $0x2780  }
0x14: {  	[sflag:s23] =	ssyncset.done $0x0  }
0x15: {  	s29 =	simm.s32 $0x0;
	[sflag:s23] =	ssyncadd.s32 $0xFFFFD880  }
.LBB2_2:
0x16: {  	p0 =	sne.s32 s29, $0x9FC0  }
.Ltmp0:
0x17: {  	_ = 	snop;
	(pc) =	sbr.rel @p0 .LBB2_2-.Ltmp0, $3  }
0x18: {  	_ =	sdelay $0x1  }
0x19: {  	s30 =	sshra.s32 s29, $0x2  }
0x1a: {  	s29 =	sadd.s32 $0x40, s29;
	[tilespmem:s30+$0x2780] =	vst v0  }
0x1b: {  	s29 =	simm.s32 $0x0  }
0x1c: {  	s30 =	sand.u32 $0x3FF0, s29;
	s29 =	simm.s32 $0x10  }
.LBB2_4:
0x1d: {  	p0 =	sne.s32 s29, $0x2770;
	v2 =	vld [tilespmem:s30+$0x0];
	_ =	sdelay $0x3  }
.Ltmp1:
0x1e: {  	(pc) =	sbr.rel @p0 .LBB2_4-.Ltmp1, $2  }
0x1f: {  	_ =	sdelay $0x2  }
0x20: {  	s30 =	sand.u32 $0x3FF0, s29;
	s29 =	sadd.s32 $0x10, s29;
	[tilespmem:v2+s24+$0x0] =	vst.idx.add.f32.msk $0xffff, v1  }
0x21: {  	v2 =	vld [tilespmem:s30+$0x0];
	_ =	sdelay $0x7  }
0x22: {  	[tilespmem:v2+s24+$0x0] =	vst.idx.add.f32.msk $0xffff, v1  }
0x23: {  	[spmem:s5] =	stream.linear.scatter [tilespmem:s24], [sflag:$0x1], $0x2800, $0x38;
	[tilespmem:$0x7C80] =	vst v63  }
0x24: {  	_ =	swait.ge [sflag:s23], $0x2800  }
0x25: {  	[sflag:s23] =	ssyncset.done $0x0  }
0x26: {  	[sflag:s23] =	ssyncadd.s32 $0xFFFFD800  }
0x27: {  	[bflag:$0x0] =	sbarrier.arrive $0xFFFF  }
0x28: {  	[tilespmem:$0x5200] =	vst v0  }
0x29: {  	[tilespmem:$0x5210] =	vst v0  }
0x2a: {  	[tilespmem:$0x5220] =	vst v0  }
0x2b: {  	[tilespmem:$0x5230] =	vst v0  }
0x2c: {  	[tilespmem:$0x5240] =	vst v0  }
0x2d: {  	[tilespmem:$0x5250] =	vst v0  }
0x2e: {  	[tilespmem:$0x5260] =	vst v0  }
0x2f: {  	[tilespmem:$0x5270] =	vst v0  }
0x30: {  	[tilespmem:$0x5280] =	vst v0  }
0x31: {  	[tilespmem:$0x5290] =	vst v0  }
0x32: {  	[tilespmem:$0x52A0] =	vst v0  }
0x33: {  	[tilespmem:$0x52B0] =	vst v0  }
0x34: {  	[tilespmem:$0x52C0] =	vst v0  }
0x35: {  	[tilespmem:$0x52D0] =	vst v0  }
0x36: {  	[tilespmem:$0x52E0] =	vst v0  }
0x37: {  	[tilespmem:$0x52F0] =	vst v0  }
0x38: {  	[tilespmem:$0x5300] =	vst v0  }
0x39: {  	[tilespmem:$0x5310] =	vst v0  }
0x3a: {  	[tilespmem:$0x5320] =	vst v0  }
0x3b: {  	[tilespmem:$0x5330] =	vst v0  }
0x3c: {  	[tilespmem:$0x5340] =	vst v0  }
0x3d: {  	[tilespmem:$0x5350] =	vst v0  }
0x3e: {  	[tilespmem:$0x5360] =	vst v0  }
0x3f: {  	[tilespmem:$0x5370] =	vst v0  }
0x40: {  	[tilespmem:$0x5380] =	vst v0  }
0x41: {  	[tilespmem:$0x5390] =	vst v0  }
0x42: {  	[tilespmem:$0x53A0] =	vst v0  }
0x43: {  	[tilespmem:$0x53B0] =	vst v0  }
0x44: {  	[tilespmem:$0x53C0] =	vst v0  }
0x45: {  	[tilespmem:$0x53D0] =	vst v0  }
0x46: {  	[tilespmem:$0x53E0] =	vst v0  }
0x47: {  	[tilespmem:$0x53F0] =	vst v0  }
0x48: {  	[tilespmem:$0x5400] =	vst v0  }
0x49: {  	[tilespmem:$0x5410] =	vst v0  }
0x4a: {  	[tilespmem:$0x5420] =	vst v0  }
0x4b: {  	[tilespmem:$0x5430] =	vst v0  }
0x4c: {  	[tilespmem:$0x5440] =	vst v0  }
0x4d: {  	[tilespmem:$0x5450] =	vst v0  }
0x4e: {  	[tilespmem:$0x5460] =	vst v0  }
0x4f: {  	[tilespmem:$0x5470] =	vst v0  }
0x50: {  	[tilespmem:s25], [sflag:$0x1] =	stream.linear.gather [spmem:s3], $0x280, $0x38;
	[tilespmem:$0x7C80] =	vst v63  }
0x51: {  	_ =	swait.ge [sflag:s23], $0x280  }
0x52: {  	[sflag:s23] =	ssyncset.done $0x0  }
0x53: {  	s29 =	simm.s32 $0x0;
	[sflag:s23] =	ssyncadd.s32 $0xFFFFFD80  }
0x54: {  	s30 =	simm.s32 $0x40;
	v2 =	vld [tilespmem:s29+$0x4F80]  }
.LBB2_6:
0x55: {  	p0 =	sne.s32 s30, $0x9C0;
	v3 =	vld [tilespmem:s29+$0x5200];
	_ =	sdelay $0x2  }
.Ltmp2:
0x56: {  	(pc) =	sbr.rel @p0 .LBB2_6-.Ltmp2, $4  }
0x57: {  	_ = 	snop  }
0x58: {  	v3 =	vadd.f32 v2, v3  }
0x59: {  	s31 =	sshra.s32 s30, $0x2  }
0x5a: {  	s30 =	sadd.s32 $0x40, s30;
	v2 =	vld [tilespmem:s31+$0x4F80];
	[tilespmem:s29+$0x5200] =	vst v3;
	s29 =	smov.u32 s31  }
0x5b: {  	v3 =	vld [tilespmem:s29+$0x5200];
	_ =	sdelay $0x4  }
0x5c: {  	v2 =	vadd.f32 v2, v3;
	_ =	sdelay $0x1  }
0x5d: {  	[tilespmem:s29+$0x5200] =	vst v2  }
0x5e: {  	[tilespmem:s25], [sflag:$0x1] =	stream.linear.gather [spmem:s6], $0x280, $0x38;
	[tilespmem:$0x7C80] =	vst v63  }
0x5f: {  	_ =	swait.ge [sflag:s23], $0x280  }
0x60: {  	[sflag:s23] =	ssyncset.done $0x0  }
0x61: {  	s29 =	simm.s32 $0x0;
	[sflag:s23] =	ssyncadd.s32 $0xFFFFFD80  }
0x62: {  	s30 =	simm.s32 $0x40;
	v2 =	vld [tilespmem:s29+$0x4F80]  }
.LBB2_8:
0x63: {  	p0 =	sne.s32 s30, $0x9C0;
	v3 =	vld [tilespmem:s29+$0x5200];
	_ =	sdelay $0x2  }
.Ltmp3:
0x64: {  	(pc) =	sbr.rel @p0 .LBB2_8-.Ltmp3, $4  }
0x65: {  	_ = 	snop  }
0x66: {  	v3 =	vadd.f32 v2, v3  }
0x67: {  	s31 =	sshra.s32 s30, $0x2  }
0x68: {  	s30 =	sadd.s32 $0x40, s30;
	v2 =	vld [tilespmem:s31+$0x4F80];
	[tilespmem:s29+$0x5200] =	vst v3;
	s29 =	smov.u32 s31  }
0x69: {  	v3 =	vld [tilespmem:s29+$0x5200];
	_ =	sdelay $0x4  }
0x6a: {  	v2 =	vadd.f32 v2, v3;
	_ =	sdelay $0x1  }
0x6b: {  	[tilespmem:s29+$0x5200] =	vst v2  }
0x6c: {  	[tilespmem:s25], [sflag:$0x1] =	stream.linear.gather [spmem:s7], $0x280, $0x38;
	[tilespmem:$0x7C80] =	vst v63  }
0x6d: {  	_ =	swait.ge [sflag:s23], $0x280  }
0x6e: {  	[sflag:s23] =	ssyncset.done $0x0  }
0x6f: {  	s29 =	simm.s32 $0x0;
	[sflag:s23] =	ssyncadd.s32 $0xFFFFFD80  }
0x70: {  	s30 =	simm.s32 $0x40;
	v2 =	vld [tilespmem:s29+$0x4F80]  }
.LBB2_10:
0x71: {  	p0 =	sne.s32 s30, $0x9C0;
	v3 =	vld [tilespmem:s29+$0x5200];
	_ =	sdelay $0x2  }
.Ltmp4:
0x72: {  	(pc) =	sbr.rel @p0 .LBB2_10-.Ltmp4, $4  }
0x73: {  	_ = 	snop  }
0x74: {  	v3 =	vadd.f32 v2, v3  }
0x75: {  	s31 =	sshra.s32 s30, $0x2  }
0x76: {  	s30 =	sadd.s32 $0x40, s30;
	v2 =	vld [tilespmem:s31+$0x4F80];
	[tilespmem:s29+$0x5200] =	vst v3;
	s29 =	smov.u32 s31  }
0x77: {  	v3 =	vld [tilespmem:s29+$0x5200];
	_ =	sdelay $0x4  }
0x78: {  	v2 =	vadd.f32 v2, v3;
	_ =	sdelay $0x1  }
0x79: {  	[tilespmem:s29+$0x5200] =	vst v2  }
0x7a: {  	[tilespmem:s25], [sflag:$0x1] =	stream.linear.gather [spmem:s8], $0x280, $0x38;
	[tilespmem:$0x7C80] =	vst v63  }
0x7b: {  	_ =	swait.ge [sflag:s23], $0x280  }
0x7c: {  	[sflag:s23] =	ssyncset.done $0x0  }
0x7d: {  	s29 =	simm.s32 $0x0;
	[sflag:s23] =	ssyncadd.s32 $0xFFFFFD80  }
0x7e: {  	s30 =	simm.s32 $0x40;
	v2 =	vld [tilespmem:s29+$0x4F80]  }
.LBB2_12:
0x7f: {  	p0 =	sne.s32 s30, $0x9C0;
	v3 =	vld [tilespmem:s29+$0x5200];
	_ =	sdelay $0x2  }
.Ltmp5:
0x80: {  	(pc) =	sbr.rel @p0 .LBB2_12-.Ltmp5, $4  }
0x81: {  	_ = 	snop  }
0x82: {  	v3 =	vadd.f32 v2, v3  }
0x83: {  	s31 =	sshra.s32 s30, $0x2  }
0x84: {  	s30 =	sadd.s32 $0x40, s30;
	v2 =	vld [tilespmem:s31+$0x4F80];
	[tilespmem:s29+$0x5200] =	vst v3;
	s29 =	smov.u32 s31  }
0x85: {  	v3 =	vld [tilespmem:s29+$0x5200];
	_ =	sdelay $0x4  }
0x86: {  	v2 =	vadd.f32 v2, v3;
	_ =	sdelay $0x1  }
0x87: {  	[tilespmem:s29+$0x5200] =	vst v2  }
0x88: {  	[tilespmem:s25], [sflag:$0x1] =	stream.linear.gather [spmem:s9], $0x280, $0x38;
	[tilespmem:$0x7C80] =	vst v63  }
0x89: {  	_ =	swait.ge [sflag:s23], $0x280  }
0x8a: {  	[sflag:s23] =	ssyncset.done $0x0  }
0x8b: {  	s29 =	simm.s32 $0x0;
	[sflag:s23] =	ssyncadd.s32 $0xFFFFFD80  }
0x8c: {  	s30 =	simm.s32 $0x40;
	v2 =	vld [tilespmem:s29+$0x4F80]  }
.LBB2_14:
0x8d: {  	p0 =	sne.s32 s30, $0x9C0;
	v3 =	vld [tilespmem:s29+$0x5200];
	_ =	sdelay $0x2  }
.Ltmp6:
0x8e: {  	(pc) =	sbr.rel @p0 .LBB2_14-.Ltmp6, $4  }
0x8f: {  	_ = 	snop  }
0x90: {  	v3 =	vadd.f32 v2, v3  }
0x91: {  	s31 =	sshra.s32 s30, $0x2  }
0x92: {  	s30 =	sadd.s32 $0x40, s30;
	v2 =	vld [tilespmem:s31+$0x4F80];
	[tilespmem:s29+$0x5200] =	vst v3;
	s29 =	smov.u32 s31  }
0x93: {  	v3 =	vld [tilespmem:s29+$0x5200];
	_ =	sdelay $0x4  }
0x94: {  	v2 =	vadd.f32 v2, v3;
	_ =	sdelay $0x1  }
0x95: {  	[tilespmem:s29+$0x5200] =	vst v2  }
0x96: {  	[tilespmem:s25], [sflag:$0x1] =	stream.linear.gather [spmem:s10], $0x280, $0x38;
	[tilespmem:$0x7C80] =	vst v63  }
0x97: {  	_ =	swait.ge [sflag:s23], $0x280  }
0x98: {  	[sflag:s23] =	ssyncset.done $0x0  }
0x99: {  	s29 =	simm.s32 $0x0;
	[sflag:s23] =	ssyncadd.s32 $0xFFFFFD80  }
0x9a: {  	s30 =	simm.s32 $0x40;
	v2 =	vld [tilespmem:s29+$0x4F80]  }
.LBB2_16:
0x9b: {  	p0 =	sne.s32 s30, $0x9C0;
	v3 =	vld [tilespmem:s29+$0x5200];
	_ =	sdelay $0x2  }
.Ltmp7:
0x9c: {  	(pc) =	sbr.rel @p0 .LBB2_16-.Ltmp7, $4  }
0x9d: {  	_ = 	snop  }
0x9e: {  	v3 =	vadd.f32 v2, v3  }
0x9f: {  	s31 =	sshra.s32 s30, $0x2  }
0xa0: {  	s30 =	sadd.s32 $0x40, s30;
	v2 =	vld [tilespmem:s31+$0x4F80];
	[tilespmem:s29+$0x5200] =	vst v3;
	s29 =	smov.u32 s31  }
0xa1: {  	v3 =	vld [tilespmem:s29+$0x5200];
	_ =	sdelay $0x4  }
0xa2: {  	v2 =	vadd.f32 v2, v3;
	_ =	sdelay $0x1  }
0xa3: {  	[tilespmem:s29+$0x5200] =	vst v2  }
0xa4: {  	[tilespmem:s25], [sflag:$0x1] =	stream.linear.gather [spmem:s11], $0x280, $0x38;
	[tilespmem:$0x7C80] =	vst v63  }
0xa5: {  	_ =	swait.ge [sflag:s23], $0x280  }
0xa6: {  	[sflag:s23] =	ssyncset.done $0x0  }
0xa7: {  	s29 =	simm.s32 $0x0;
	[sflag:s23] =	ssyncadd.s32 $0xFFFFFD80  }
0xa8: {  	s30 =	simm.s32 $0x40;
	v2 =	vld [tilespmem:s29+$0x4F80]  }
.LBB2_18:
0xa9: {  	p0 =	sne.s32 s30, $0x9C0;
	v3 =	vld [tilespmem:s29+$0x5200];
	_ =	sdelay $0x2  }
.Ltmp8:
0xaa: {  	(pc) =	sbr.rel @p0 .LBB2_18-.Ltmp8, $4  }
0xab: {  	_ = 	snop  }
0xac: {  	v3 =	vadd.f32 v2, v3  }
0xad: {  	s31 =	sshra.s32 s30, $0x2  }
0xae: {  	s30 =	sadd.s32 $0x40, s30;
	v2 =	vld [tilespmem:s31+$0x4F80];
	[tilespmem:s29+$0x5200] =	vst v3;
	s29 =	smov.u32 s31  }
0xaf: {  	v3 =	vld [tilespmem:s29+$0x5200];
	_ =	sdelay $0x4  }
0xb0: {  	v2 =	vadd.f32 v2, v3;
	_ =	sdelay $0x1  }
0xb1: {  	[tilespmem:s29+$0x5200] =	vst v2  }
0xb2: {  	[tilespmem:s25], [sflag:$0x1] =	stream.linear.gather [spmem:s12], $0x280, $0x38;
	[tilespmem:$0x7C80] =	vst v63  }
0xb3: {  	_ =	swait.ge [sflag:s23], $0x280  }
0xb4: {  	[sflag:s23] =	ssyncset.done $0x0  }
0xb5: {  	s29 =	simm.s32 $0x0;
	[sflag:s23] =	ssyncadd.s32 $0xFFFFFD80  }
0xb6: {  	s30 =	simm.s32 $0x40;
	v2 =	vld [tilespmem:s29+$0x4F80]  }
.LBB2_20:
0xb7: {  	p0 =	sne.s32 s30, $0x9C0;
	v3 =	vld [tilespmem:s29+$0x5200];
	_ =	sdelay $0x2  }
.Ltmp9:
0xb8: {  	(pc) =	sbr.rel @p0 .LBB2_20-.Ltmp9, $4  }
0xb9: {  	_ = 	snop  }
0xba: {  	v3 =	vadd.f32 v2, v3  }
0xbb: {  	s31 =	sshra.s32 s30, $0x2  }
0xbc: {  	s30 =	sadd.s32 $0x40, s30;
	v2 =	vld [tilespmem:s31+$0x4F80];
	[tilespmem:s29+$0x5200] =	vst v3;
	s29 =	smov.u32 s31  }
0xbd: {  	v3 =	vld [tilespmem:s29+$0x5200];
	_ =	sdelay $0x4  }
0xbe: {  	v2 =	vadd.f32 v2, v3;
	_ =	sdelay $0x1  }
0xbf: {  	[tilespmem:s29+$0x5200] =	vst v2  }
0xc0: {  	[tilespmem:s25], [sflag:$0x1] =	stream.linear.gather [spmem:s13], $0x280, $0x38;
	[tilespmem:$0x7C80] =	vst v63  }
0xc1: {  	_ =	swait.ge [sflag:s23], $0x280  }
0xc2: {  	[sflag:s23] =	ssyncset.done $0x0  }
0xc3: {  	s29 =	simm.s32 $0x0;
	[sflag:s23] =	ssyncadd.s32 $0xFFFFFD80  }
0xc4: {  	s30 =	simm.s32 $0x40;
	v2 =	vld [tilespmem:s29+$0x4F80]  }
.LBB2_22:
0xc5: {  	p0 =	sne.s32 s30, $0x9C0;
	v3 =	vld [tilespmem:s29+$0x5200];
	_ =	sdelay $0x2  }
.Ltmp10:
0xc6: {  	(pc) =	sbr.rel @p0 .LBB2_22-.Ltmp10, $4  }
0xc7: {  	_ = 	snop  }
0xc8: {  	v3 =	vadd.f32 v2, v3  }
0xc9: {  	s31 =	sshra.s32 s30, $0x2  }
0xca: {  	s30 =	sadd.s32 $0x40, s30;
	v2 =	vld [tilespmem:s31+$0x4F80];
	[tilespmem:s29+$0x5200] =	vst v3;
	s29 =	smov.u32 s31  }
0xcb: {  	v3 =	vld [tilespmem:s29+$0x5200];
	_ =	sdelay $0x4  }
0xcc: {  	v2 =	vadd.f32 v2, v3;
	_ =	sdelay $0x1  }
0xcd: {  	[tilespmem:s29+$0x5200] =	vst v2  }
0xce: {  	[tilespmem:s25], [sflag:$0x1] =	stream.linear.gather [spmem:s14], $0x280, $0x38;
	[tilespmem:$0x7C80] =	vst v63  }
0xcf: {  	_ =	swait.ge [sflag:s23], $0x280  }
0xd0: {  	[sflag:s23] =	ssyncset.done $0x0  }
0xd1: {  	s29 =	simm.s32 $0x0;
	[sflag:s23] =	ssyncadd.s32 $0xFFFFFD80  }
0xd2: {  	s30 =	simm.s32 $0x40;
	v2 =	vld [tilespmem:s29+$0x4F80]  }
.LBB2_24:
0xd3: {  	p0 =	sne.s32 s30, $0x9C0;
	v3 =	vld [tilespmem:s29+$0x5200];
	_ =	sdelay $0x2  }
.Ltmp11:
0xd4: {  	(pc) =	sbr.rel @p0 .LBB2_24-.Ltmp11, $4  }
0xd5: {  	_ = 	snop  }
0xd6: {  	v3 =	vadd.f32 v2, v3  }
0xd7: {  	s31 =	sshra.s32 s30, $0x2  }
0xd8: {  	s30 =	sadd.s32 $0x40, s30;
	v2 =	vld [tilespmem:s31+$0x4F80];
	[tilespmem:s29+$0x5200] =	vst v3;
	s29 =	smov.u32 s31  }
0xd9: {  	v3 =	vld [tilespmem:s29+$0x5200];
	_ =	sdelay $0x4  }
0xda: {  	v2 =	vadd.f32 v2, v3;
	_ =	sdelay $0x1  }
0xdb: {  	[tilespmem:s29+$0x5200] =	vst v2  }
0xdc: {  	[tilespmem:s25], [sflag:$0x1] =	stream.linear.gather [spmem:s15], $0x280, $0x38;
	[tilespmem:$0x7C80] =	vst v63  }
0xdd: {  	_ =	swait.ge [sflag:s23], $0x280  }
0xde: {  	[sflag:s23] =	ssyncset.done $0x0  }
0xdf: {  	s29 =	simm.s32 $0x0;
	[sflag:s23] =	ssyncadd.s32 $0xFFFFFD80  }
0xe0: {  	s30 =	simm.s32 $0x40;
	v2 =	vld [tilespmem:s29+$0x4F80]  }
.LBB2_26:
0xe1: {  	p0 =	sne.s32 s30, $0x9C0;
	v3 =	vld [tilespmem:s29+$0x5200];
	_ =	sdelay $0x2  }
.Ltmp12:
0xe2: {  	(pc) =	sbr.rel @p0 .LBB2_26-.Ltmp12, $4  }
0xe3: {  	_ = 	snop  }
0xe4: {  	v3 =	vadd.f32 v2, v3  }
0xe5: {  	s31 =	sshra.s32 s30, $0x2  }
0xe6: {  	s30 =	sadd.s32 $0x40, s30;
	v2 =	vld [tilespmem:s31+$0x4F80];
	[tilespmem:s29+$0x5200] =	vst v3;
	s29 =	smov.u32 s31  }
0xe7: {  	v3 =	vld [tilespmem:s29+$0x5200];
	_ =	sdelay $0x4  }
0xe8: {  	v2 =	vadd.f32 v2, v3;
	_ =	sdelay $0x1  }
0xe9: {  	[tilespmem:s29+$0x5200] =	vst v2  }
0xea: {  	[tilespmem:s25], [sflag:$0x1] =	stream.linear.gather [spmem:s16], $0x280, $0x38;
	[tilespmem:$0x7C80] =	vst v63  }
0xeb: {  	_ =	swait.ge [sflag:s23], $0x280  }
0xec: {  	[sflag:s23] =	ssyncset.done $0x0  }
0xed: {  	s29 =	simm.s32 $0x0;
	[sflag:s23] =	ssyncadd.s32 $0xFFFFFD80  }
0xee: {  	s30 =	simm.s32 $0x40;
	v2 =	vld [tilespmem:s29+$0x4F80]  }
.LBB2_28:
0xef: {  	p0 =	sne.s32 s30, $0x9C0;
	v3 =	vld [tilespmem:s29+$0x5200];
	_ =	sdelay $0x2  }
.Ltmp13:
0xf0: {  	(pc) =	sbr.rel @p0 .LBB2_28-.Ltmp13, $4  }
0xf1: {  	_ = 	snop  }
0xf2: {  	v3 =	vadd.f32 v2, v3  }
0xf3: {  	s31 =	sshra.s32 s30, $0x2  }
0xf4: {  	s30 =	sadd.s32 $0x40, s30;
	v2 =	vld [tilespmem:s31+$0x4F80];
	[tilespmem:s29+$0x5200] =	vst v3;
	s29 =	smov.u32 s31  }
0xf5: {  	v3 =	vld [tilespmem:s29+$0x5200];
	_ =	sdelay $0x4  }
0xf6: {  	v2 =	vadd.f32 v2, v3;
	_ =	sdelay $0x1  }
0xf7: {  	[tilespmem:s29+$0x5200] =	vst v2  }
0xf8: {  	[tilespmem:s25], [sflag:$0x1] =	stream.linear.gather [spmem:s17], $0x280, $0x38;
	[tilespmem:$0x7C80] =	vst v63  }
0xf9: {  	_ =	swait.ge [sflag:s23], $0x280  }
0xfa: {  	[sflag:s23] =	ssyncset.done $0x0  }
0xfb: {  	s29 =	simm.s32 $0x0;
	[sflag:s23] =	ssyncadd.s32 $0xFFFFFD80  }
0xfc: {  	s30 =	simm.s32 $0x40;
	v2 =	vld [tilespmem:s29+$0x4F80]  }
.LBB2_30:
0xfd: {  	p0 =	sne.s32 s30, $0x9C0;
	v3 =	vld [tilespmem:s29+$0x5200];
	_ =	sdelay $0x2  }
.Ltmp14:
0xfe: {  	(pc) =	sbr.rel @p0 .LBB2_30-.Ltmp14, $4  }
0xff: {  	_ = 	snop  }
0x100: {  	v3 =	vadd.f32 v2, v3  }
0x101: {  	s31 =	sshra.s32 s30, $0x2  }
0x102: {  	s30 =	sadd.s32 $0x40, s30;
	v2 =	vld [tilespmem:s31+$0x4F80];
	[tilespmem:s29+$0x5200] =	vst v3;
	s29 =	smov.u32 s31  }
0x103: {  	v3 =	vld [tilespmem:s29+$0x5200];
	_ =	sdelay $0x4  }
0x104: {  	v2 =	vadd.f32 v2, v3;
	_ =	sdelay $0x1  }
0x105: {  	[tilespmem:s29+$0x5200] =	vst v2  }
0x106: {  	[tilespmem:s25], [sflag:$0x1] =	stream.linear.gather [spmem:s18], $0x280, $0x38;
	[tilespmem:$0x7C80] =	vst v63  }
0x107: {  	_ =	swait.ge [sflag:s23], $0x280  }
0x108: {  	[sflag:s23] =	ssyncset.done $0x0  }
0x109: {  	s29 =	simm.s32 $0x0;
	[sflag:s23] =	ssyncadd.s32 $0xFFFFFD80  }
0x10a: {  	s30 =	simm.s32 $0x40;
	v2 =	vld [tilespmem:s29+$0x4F80]  }
.LBB2_32:
0x10b: {  	p0 =	sne.s32 s30, $0x9C0;
	v3 =	vld [tilespmem:s29+$0x5200];
	_ =	sdelay $0x2  }
.Ltmp15:
0x10c: {  	(pc) =	sbr.rel @p0 .LBB2_32-.Ltmp15, $4  }
0x10d: {  	_ = 	snop  }
0x10e: {  	v3 =	vadd.f32 v2, v3  }
0x10f: {  	s31 =	sshra.s32 s30, $0x2  }
0x110: {  	s30 =	sadd.s32 $0x40, s30;
	v2 =	vld [tilespmem:s31+$0x4F80];
	[tilespmem:s29+$0x5200] =	vst v3;
	s29 =	smov.u32 s31  }
0x111: {  	v3 =	vld [tilespmem:s29+$0x5200];
	_ =	sdelay $0x4  }
0x112: {  	v2 =	vadd.f32 v2, v3;
	_ =	sdelay $0x1  }
0x113: {  	[tilespmem:s29+$0x5200] =	vst v2  }
0x114: {  	[tilespmem:s25], [sflag:$0x1] =	stream.linear.gather [spmem:s19], $0x280, $0x38;
	[tilespmem:$0x7C80] =	vst v63  }
0x115: {  	_ =	swait.ge [sflag:s23], $0x280  }
0x116: {  	[sflag:s23] =	ssyncset.done $0x0  }
0x117: {  	s29 =	simm.s32 $0x0;
	[sflag:s23] =	ssyncadd.s32 $0xFFFFFD80  }
0x118: {  	s30 =	simm.s32 $0x40;
	v2 =	vld [tilespmem:s29+$0x4F80]  }
.LBB2_34:
0x119: {  	p0 =	sne.s32 s30, $0x9C0;
	v3 =	vld [tilespmem:s29+$0x5200];
	_ =	sdelay $0x2  }
.Ltmp16:
0x11a: {  	(pc) =	sbr.rel @p0 .LBB2_34-.Ltmp16, $4  }
0x11b: {  	_ = 	snop  }
0x11c: {  	v3 =	vadd.f32 v2, v3  }
0x11d: {  	s31 =	sshra.s32 s30, $0x2  }
0x11e: {  	s30 =	sadd.s32 $0x40, s30;
	v2 =	vld [tilespmem:s31+$0x4F80];
	[tilespmem:s29+$0x5200] =	vst v3;
	s29 =	smov.u32 s31  }
0x11f: {  	v3 =	vld [tilespmem:s29+$0x5200];
	_ =	sdelay $0x4  }
0x120: {  	v2 =	vadd.f32 v2, v3;
	_ =	sdelay $0x1  }
0x121: {  	[tilespmem:s29+$0x5200] =	vst v2  }
0x122: {  	[tilespmem:s25], [sflag:$0x1] =	stream.linear.gather [spmem:s20], $0x280, $0x38;
	[tilespmem:$0x7C80] =	vst v63  }
0x123: {  	_ =	swait.ge [sflag:s23], $0x280  }
0x124: {  	[sflag:s23] =	ssyncset.done $0x0  }
0x125: {  	s29 =	simm.s32 $0x0;
	[sflag:s23] =	ssyncadd.s32 $0xFFFFFD80  }
0x126: {  	s30 =	simm.s32 $0x40;
	v2 =	vld [tilespmem:s29+$0x4F80]  }
.LBB2_36:
0x127: {  	p0 =	sne.s32 s30, $0x9C0;
	v3 =	vld [tilespmem:s29+$0x5200];
	_ =	sdelay $0x2  }
.Ltmp17:
0x128: {  	(pc) =	sbr.rel @p0 .LBB2_36-.Ltmp17, $4  }
0x129: {  	_ = 	snop  }
0x12a: {  	v3 =	vadd.f32 v2, v3  }
0x12b: {  	s31 =	sshra.s32 s30, $0x2  }
0x12c: {  	s30 =	sadd.s32 $0x40, s30;
	v2 =	vld [tilespmem:s31+$0x4F80];
	[tilespmem:s29+$0x5200] =	vst v3;
	s29 =	smov.u32 s31  }
0x12d: {  	v3 =	vld [tilespmem:s29+$0x5200];
	_ =	sdelay $0x4  }
0x12e: {  	s28 =	sadd.s32 $0x1, s28;
	v2 =	vadd.f32 v2, v3  }
0x12f: {  	p0 =	sne.s32 s28, s22  }
.Ltmp18:
0x130: {  	[tilespmem:s29+$0x5200] =	vst v2;
	(pc) =	sbr.rel @p0 .LBB2_1-.Ltmp18, $4  }
0x131: {  	[hbm4b:s21+s2] =	stream.linear.scatter [tilespmem:s26], [sflag:$0x1], $0x280, $0x38;
	[tilespmem:$0x7C80] =	vst v63  }
0x132: {  	_ =	swait.ge [sflag:s23], $0x280  }
0x133: {  	[sflag:s23] =	ssyncset.done $0x0  }
0x134: {  	[sflag:s23] =	ssyncadd.s32 $0xFFFFFD80  }
0x135: {  	_ =	sfence.sel $0x180000  }
0x136: {  	[bflag:$0x0] =	sbarrier.arrive $0xFFFF  }
0x137: {  	p0 =	sne.s32 s0, $0x0;
	_ =	strace $0x90000047  }
0x138: {  	s0 =	sadd.s32 @!p0 $0x100000, s1;
	[bflag:$0x2] =	sbarrier.arrive $0xFFFF  }
0x139: {  	[sflag:s0] =	ssyncadd.tile.s32 @!p0 $0x1;
	_ =	shalt  }
.Lfunc_end2:
_tile_overlayer_lowered:
.L_overlay_start_2:
0x13a: {  	(tag) =	ssettag $0x2  }
0x13b: {  	s0 =	rddreg [dreg:$0x0];
	s2 =	stileid.u32  }
0x13c: {  	s1 =	rddreg [dreg:$0x1];
	p0 =	sne.s32 s2, $0x0  }
0x13d: {  	s3 =	rddreg [dreg:$0x2];
	[bflag:$0x3] =	sbarrier.arrive $0xFFFF;
	s2 =	simm.s32 @!p0 $0x1C01  }
0x13e: {  	[timem:s3], [sflag:s2] =	dma.local @!p0 [hbm:s0], s1  }
0x13f: {  	s0 =	simm.s32 @!p0 $0x1  }
0x140: {  	_ =	swait.ge @!p0 [sflag:s0], s1  }
0x141: {  	s1 =	ssub.s32 @!p0 $0x0, s1;
	[sflag:s0] =	ssyncset.done @!p0 $0x0  }
0x142: {  	[sflag:s0] =	ssyncadd.s32 @!p0 s1  }
0x143: {  	[bflag:$0x3] =	sbarrier.arrive $0xFFFF  }
0x144: {  	_ =	shalt  }

</sc_bundles>
